<compile_context>
chip_gen: v7x
topology: tpu7x:2x2x1
jax: 0.10.2.dev20260603
libtpu: 0.0.44.dev20260713+nightly
codegen_flags: <defaults>
</compile_context>

<pallas_src>
import functools

import jax
import jax.numpy as jnp
from jax import lax
from jax.experimental import pallas as pl
from jax.experimental.pallas import tpu as pltpu
from jax.experimental.pallas import tpu_sc as plsc

N = 10000
D = 128
DH = D // 2
P = 10112
E = 320000
C = 128
NC = 2
NS = 16
NW = NC * NS
CH = 80
E_PAD = NW * C * CH
NCHUNK = NW * CH
RPT = P // NS
NB = 5

_MESH = plsc.VectorSubcoreMesh(core_axis_name="c", subcore_axis_name="s")
_f32 = jnp.float32
_PIECES = ((0, C), (C, C), (2 * C, C), (3 * C, C), (4 * C, RPT - 4 * C))


def _fill_1d(ref, n, value):
    vec = jnp.full((16,), value, _f32)
    for j in range(n // 16):
        ref[pl.ds(j * 16, 16)] = vec
    if n % 16:
        ref[pl.ds(n - 16, 16)] = vec


@functools.partial(
    pl.kernel,
    out_type=jax.ShapeDtypeStruct((2 * P,), _f32),
    mesh=_MESH,
    scratch_types=[
        pltpu.VMEM((CH, 2, C), jnp.int32),
        pltpu.VMEM((C,), _f32),
        pltpu.VMEM((RPT,), _f32),
        pltpu.VMEM_SHARED((P,), _f32),
        pltpu.SemaphoreType.DMA,
    ],
)
def _deg_kernel(idxp_hbm, out_hbm, idx_v, ones_v, stage_v, deg_sh, sem):
    c = lax.axis_index("c")
    s = lax.axis_index("s")
    wid = s * NC + c
    lo = s * RPT
    cbase = wid * CH

    pltpu.sync_copy(idxp_hbm.at[pl.ds(cbase, CH)], idx_v)

    _fill_1d(ones_v, C, 1.0)
    _fill_1d(stage_v, RPT, 0.0)

    @pl.when(c == 0)
    def _():
        _fill_1d(stage_v, RPT, 1.0)

    pltpu.sync_copy(stage_v, deg_sh.at[pl.ds(lo, RPT)])
    plsc.subcore_barrier()

    def body(m, carry):
        pltpu.async_copy(ones_v, deg_sh.at[idx_v.at[m, 1]], sem, add=True)
        return carry

    lax.fori_loop(0, CH, body, 0)

    def drain(m, carry):
        pltpu.make_async_copy(ones_v, deg_sh.at[idx_v.at[0, 1]], sem).wait()
        return carry

    lax.fori_loop(0, CH, drain, 0)
    plsc.subcore_barrier()

    pltpu.sync_copy(deg_sh.at[pl.ds(lo, RPT)], stage_v)
    pltpu.sync_copy(stage_v, out_hbm.at[pl.ds(c * P + lo, RPT)])


CHA = 2 * CH


@functools.partial(
    pl.kernel,
    out_type=jax.ShapeDtypeStruct((2 * P, DH), _f32),
    mesh=_MESH,
    scratch_types=(
        [pltpu.VMEM((CHA, 2, C), jnp.int32)]
        + [pltpu.VMEM((C, DH), _f32) for _ in range(NB)]
        + [pltpu.VMEM_SHARED((P, DH), _f32)]
        + [pltpu.SemaphoreType.DMA for _ in range(2 * NB)]
    ),
    compiler_params=pltpu.CompilerParams(use_tc_tiling_on_sc=False),
)
def _agg1_kernel(idxp_hbm, ub_hbm, out_hbm, idx_v, *bufs):
    rows = bufs[:NB]
    acc_sh = bufs[NB]
    gsem = bufs[NB + 1: 2 * NB + 1]
    ssem = bufs[2 * NB + 1:]

    c = lax.axis_index("c")
    s = lax.axis_index("s")
    lo = s * RPT
    cbase = s * CHA
    u_hbm = ub_hbm.at[c]

    pltpu.sync_copy(idxp_hbm.at[pl.ds(cbase, CHA)], idx_v)

    for off, ln in _PIECES:
        pltpu.sync_copy(u_hbm.at[pl.ds(lo + off, ln)],
                        rows[0].at[pl.ds(0, ln)])
        pltpu.sync_copy(rows[0].at[pl.ds(0, ln)],
                        acc_sh.at[pl.ds(lo + off, ln)])

    plsc.subcore_barrier()

    pltpu.async_copy(u_hbm.at[idx_v.at[0, 0]], rows[0], gsem[0])
    pltpu.async_copy(u_hbm.at[idx_v.at[1, 0]], rows[1], gsem[1])
    pltpu.async_copy(u_hbm.at[idx_v.at[2, 0]], rows[2], gsem[2])

    def body(i, carry):
        k = i * NB
        for b in range(NB):
            m = k + b
            bn = (b + 3) % NB
            pltpu.make_async_copy(
                u_hbm.at[pl.ds(0, C)], rows[b], gsem[b]).wait()
            pltpu.async_copy(
                rows[b], acc_sh.at[idx_v.at[m, 1]], ssem[b], add=True)

            @pl.when(m + 3 < CHA)
            def _():
                @pl.when(m >= 2)
                def _():
                    pltpu.make_async_copy(
                        rows[bn], acc_sh.at[idx_v.at[0, 1]],
                        ssem[bn]).wait()

                pltpu.async_copy(
                    u_hbm.at[idx_v.at[m + 3, 0]], rows[bn], gsem[bn])
        return carry

    lax.fori_loop(0, CHA // NB, body, 0)
    for b in range(NB):
        pltpu.make_async_copy(
            rows[b], acc_sh.at[idx_v.at[0, 1]], ssem[b]).wait()
    plsc.subcore_barrier()

    for off, ln in _PIECES:
        pltpu.sync_copy(acc_sh.at[pl.ds(lo + off, ln)],
                        rows[0].at[pl.ds(0, ln)])
        pltpu.sync_copy(rows[0].at[pl.ds(0, ln)],
                        out_hbm.at[pl.ds(c * P + lo + off, ln)])


@functools.partial(
    pl.kernel,
    out_type=jax.ShapeDtypeStruct((2 * P,), _f32),
    mesh=_MESH,
    scratch_types=[
        pltpu.VMEM((CH, 2, C), jnp.int32),
        pltpu.VMEM((C,), _f32),
        pltpu.VMEM((C,), _f32),
        pltpu.VMEM((P,), _f32),
        pltpu.VMEM((RPT,), _f32),
        pltpu.VMEM_SHARED((P,), _f32),
        pltpu.SemaphoreType.DMA,
        pltpu.SemaphoreType.DMA,
    ],
    compiler_params=pltpu.CompilerParams(needs_layout_passes=False),
)
def _agg2_kernel(idxp_hbm, u2_hbm, out_hbm,
                 idx_v, vals0, vals1, u2_v, stage_v, acc_sh, s0, s1):
    c = lax.axis_index("c")
    s = lax.axis_index("s")
    wid = s * NC + c
    lo = s * RPT
    cbase = wid * CH

    pltpu.sync_copy(u2_hbm, u2_v)
    pltpu.sync_copy(idxp_hbm.at[pl.ds(cbase, CH)], idx_v)

    @pl.when(c == 0)
    def _():
        pltpu.sync_copy(u2_v.at[pl.ds(lo, RPT)], acc_sh.at[pl.ds(lo, RPT)])

    @pl.when(c == 1)
    def _():
        _fill_1d(stage_v, RPT, 0.0)
        pltpu.sync_copy(stage_v, acc_sh.at[pl.ds(lo, RPT)])

    plsc.subcore_barrier()

    vals = (vals0, vals1)
    ssem = (s0, s1)

    def body(i, carry):
        k = i * 2
        for b in range(2):
            m = k + b
            for j in range(C // 16):
                sv = idx_v[m, 0, pl.ds(j * 16, 16)]
                vals[b][pl.ds(j * 16, 16)] = plsc.load_gather(u2_v, [sv])

            @pl.when(m >= 2)
            def _():
                pltpu.make_async_copy(
                    vals[b], acc_sh.at[idx_v.at[0, 1]], ssem[b]).wait()

            pltpu.async_copy(
                vals[b], acc_sh.at[idx_v.at[m, 1]], ssem[b], add=True)
        return carry

    lax.fori_loop(0, CH // 2, body, 0)
    for b in range(2):
        pltpu.make_async_copy(vals[b], acc_sh.at[idx_v.at[0, 1]], ssem[b]).wait()
    plsc.subcore_barrier()

    pltpu.sync_copy(acc_sh.at[pl.ds(lo, RPT)], stage_v)
    pltpu.sync_copy(stage_v, out_hbm.at[pl.ds(c * P + lo, RPT)])


def _mm_body(x_ref, w_ref, h_ref):
    h_ref[...] = jnp.dot(x_ref[...], w_ref[...], preferred_element_type=_f32)


def _scale_body(h_ref, deg_ref, ub_ref, dinv_ref):
    deg = deg_ref[0, :] + deg_ref[1, :]
    dinv = lax.rsqrt(deg)
    u = dinv[:, None] * h_ref[...]
    ub_ref[0] = u[:, :DH]
    ub_ref[1] = u[:, DH:]
    dinv_ref[...] = dinv


def _relu_mv_body(p_ref, dinv_ref, b1_ref, w2_ref, u2_ref):
    ssum = jnp.concatenate([p_ref[0], p_ref[1]], axis=1)
    dinv = dinv_ref[...]
    h = jnp.maximum(dinv[:, None] * ssum + b1_ref[...][None, :], 0.0)
    z = jnp.dot(h, w2_ref[...], preferred_element_type=_f32)
    u2_ref[...] = dinv * z[:, 0]


def _final_body(q_ref, dinv_ref, b2_ref, out_ref):
    v = dinv_ref[...] * (q_ref[0] + q_ref[1]) + b2_ref[0]
    out_ref[...] = jax.nn.sigmoid(v)


def kernel(x, edge_index, W1, b1, W2, b2):
    src = edge_index[0].astype(jnp.int32)
    dst = edge_index[1].astype(jnp.int32)

    npad = E_PAD - E
    pad_idx = (N + (jnp.arange(npad, dtype=jnp.int32) % (P - N)))
    src_p = jnp.concatenate([src, pad_idx])
    dst_p = jnp.concatenate([dst, pad_idx])
    idxp = jnp.stack(
        [src_p.reshape(NCHUNK, C), dst_p.reshape(NCHUNK, C)], axis=1)

    x_p = jnp.pad(x, ((0, P - N), (0, 0)))

    deg_p = _deg_kernel(idxp).reshape(2, P)
    h1 = pl.pallas_call(
        _mm_body,
        out_shape=jax.ShapeDtypeStruct((P, D), _f32),
    )(x_p, W1)

    u_both, dinv = pl.pallas_call(
        _scale_body,
        out_shape=(jax.ShapeDtypeStruct((2, P, DH), _f32),
                   jax.ShapeDtypeStruct((P,), _f32)),
    )(h1, deg_p)

    p_both = _agg1_kernel(idxp, u_both)

    u2 = pl.pallas_call(
        _relu_mv_body,
        out_shape=jax.ShapeDtypeStruct((P,), _f32),
    )(p_both.reshape(2, P, DH), dinv, b1, W2)

    part2 = _agg2_kernel(idxp, u2).reshape(2, P)

    out_pad = pl.pallas_call(
        _final_body,
        out_shape=jax.ShapeDtypeStruct((P,), _f32),
    )(part2, dinv, b2)

    return out_pad[:N].reshape(N, 1)

# --- scband reference (transcript-rebuilt; emitter-appended) ---
"""Pipeline reference for scband-credit-risk-gnn-80925773791603 (READ-ONLY COPY).

The authoritative reference and input builder live on the scoring server;
editing this copy changes nothing except your own understanding.
"""

import jax, jax.numpy as jnp
import numpy as np

N_NODES = 10000
D_FEAT = 128
HIDDEN = 128
N_EDGES = 320000


def setup_inputs(seed: int = 0) -> dict:
    key = jax.random.key(seed)
    k_x, k_ei, k_w1, k_b1, k_w2, k_b2 = jax.random.split(key, 6)
    x = jax.random.normal(k_x, (N_NODES, D_FEAT), dtype=jnp.float32)
    edge_index = jax.random.randint(k_ei, (2, N_EDGES), 0, N_NODES, dtype=jnp.int64)
    # GCNConv weights (glorot-ish init)
    W1 = jax.random.normal(k_w1, (D_FEAT, HIDDEN), dtype=jnp.float32) * (1.0 / np.sqrt(D_FEAT))
    b1 = jnp.zeros((HIDDEN,), dtype=jnp.float32)
    W2 = jax.random.normal(k_w2, (HIDDEN, 1), dtype=jnp.float32) * (1.0 / np.sqrt(HIDDEN))
    b2 = jnpp = jnp.zeros((1,), dtype=jnp.float32)
    return {"x": x, "edge_index": edge_index, "W1": W1, "b1": b1, "W2": W2, "b2": b2}


def _gcn_conv(x, src, dst, W, b, num_nodes):
    # PyG GCNConv: linear transform, add self-loops, symmetric normalization, sum-aggregate, add bias
    x = x @ W
    loop = jnp.arange(num_nodes, dtype=src.dtype)
    src_f = jnp.concatenate([src, loop])
    dst_f = jnp.concatenate([dst, loop])
    deg = jnp.zeros((num_nodes,), dtype=x.dtype).at[dst_f].add(1.0)
    deg_inv_sqrt = jnp.where(deg > 0, deg ** -0.5, 0.0)
    norm = deg_inv_sqrt[src_f] * deg_inv_sqrt[dst_f]
    msg = x[src_f] * norm[:, None]
    out = jax.ops.segment_sum(msg, dst_f, num_segments=num_nodes)
    return out + b


def reference(x, edge_index, W1, b1, W2, b2):
    src, dst = edge_index[0], edge_index[1]
    h = _gcn_conv(x, src, dst, W1, b1, N_NODES)
    h = jax.nn.relu(h)
    out = _gcn_conv(h, src, dst, W2, b2, N_NODES)
    return jax.nn.sigmoid(out)

if __name__ == "__main__":
    import jax
    _d = setup_inputs()
    print(jax.jit(kernel)(*tuple(_d.values())))

</pallas_src>

<mosaic_0001>
#map = affine_map<(d0, d1) -> (0, 0, 0)>
#map1 = affine_map<(d0, d1) -> (0)>
module attributes {stable_mosaic.version = 14 : i64} {
  func.func @_agg2_kernel(%arg0: i32, %arg1: i32, %arg2: memref<2560x2x128xi32, #tpu.memory_space<hbm>>, %arg3: memref<10112xf32, #tpu.memory_space<hbm>>, %arg4: memref<20224xf32, #tpu.memory_space<hbm>>, %arg5: memref<80x2x128xi32, #tpu.memory_space<vmem>>, %arg6: memref<128xf32, #tpu.memory_space<vmem>>, %arg7: memref<128xf32, #tpu.memory_space<vmem>>, %arg8: memref<10112xf32, #tpu.memory_space<vmem>>, %arg9: memref<632xf32, #tpu.memory_space<vmem>>, %arg10: memref<10112xf32, #tpu.memory_space<vmem_shared>>, %arg11: memref<!tpu.dma_semaphore, #tpu.memory_space<semaphore_mem>>, %arg12: memref<!tpu.dma_semaphore, #tpu.memory_space<semaphore_mem>>) attributes {dimension_semantics = [#tpu.dimension_semantics<core_parallel>, #tpu.dimension_semantics<subcore_parallel>], iteration_bounds = array<i64: 2, 16>, scalar_prefetch = 0 : i64, scratch_operands = 8 : i64, tpu.core_type = #tpu.core_type<sc_vector_subcore>, window_params = [{transform_indices = #map}, {transform_indices = #map1}, {transform_indices = #map1}]} {
    %mul3A = arith.constant 2 : i32
    %mul3A_0 = arith.muli %arg1, %mul3A : i32
    %add3A = arith.addi %mul3A_0, %arg0 : i32
    %mul3A_1 = arith.constant 632 : i32
    %mul3A_2 = arith.muli %arg1, %mul3A_1 : i32
    %mul3A_3 = arith.constant 80 : i32
    %mul3A_4 = arith.muli %add3A, %mul3A_3 : i32
    "tpu.region"() ({
      %run_scoped3A = tpu.sem_alloc : memref<!tpu.dma_semaphore, #tpu.memory_space<semaphore_mem>>
      tpu.enqueue_dma source(%arg3 : memref<10112xf32, #tpu.memory_space<hbm>>) target(%arg8 : memref<10112xf32, #tpu.memory_space<vmem>>) target_semaphore(%run_scoped3A : memref<!tpu.dma_semaphore, #tpu.memory_space<semaphore_mem>>)
      tpu.wait_dma2 semaphore(%run_scoped3A : memref<!tpu.dma_semaphore, #tpu.memory_space<semaphore_mem>>) src(%arg3 : memref<10112xf32, #tpu.memory_space<hbm>>) dst(%arg8 : memref<10112xf32, #tpu.memory_space<vmem>>)
      tpu.yield
    }) : () -> ()
    "tpu.region"() ({
      %run_scoped3A = tpu.sem_alloc : memref<!tpu.dma_semaphore, #tpu.memory_space<semaphore_mem>>
      %dma_start3A = arith.constant 0 : i32
      %dma_start3A_34 = arith.constant 0 : i32
      %dma_start3A_35 = tpu.memref_slice %arg2[%mul3A_4, %dma_start3A, %dma_start3A_34] : memref<2560x2x128xi32, #tpu.memory_space<hbm>> -> memref<80x2x128xi32, #tpu.memory_space<hbm>>
      %dma_start3A_36 = arith.constant 0 : i32
      %dma_start3A_37 = arith.constant 0 : i32
      %dma_start3A_38 = tpu.memref_slice %arg2[%mul3A_4, %dma_start3A_36, %dma_start3A_37] : memref<2560x2x128xi32, #tpu.memory_space<hbm>> -> memref<80x2x128xi32, #tpu.memory_space<hbm>>
      tpu.enqueue_dma source(%dma_start3A_38 : memref<80x2x128xi32, #tpu.memory_space<hbm>>) target(%arg5 : memref<80x2x128xi32, #tpu.memory_space<vmem>>) target_semaphore(%run_scoped3A : memref<!tpu.dma_semaphore, #tpu.memory_space<semaphore_mem>>)
      %dma_wait3A_39 = arith.constant 0 : i32
      %dma_wait3A_40 = arith.constant 0 : i32
      %dma_wait3A_41 = tpu.memref_slice %arg2[%mul3A_4, %dma_wait3A_39, %dma_wait3A_40] : memref<2560x2x128xi32, #tpu.memory_space<hbm>> -> memref<80x2x128xi32, #tpu.memory_space<hbm>>
      %dma_wait3A_42 = arith.constant 0 : i32
      %dma_wait3A_43 = arith.constant 0 : i32
      %dma_wait3A_44 = tpu.memref_slice %arg2[%mul3A_4, %dma_wait3A_42, %dma_wait3A_43] : memref<2560x2x128xi32, #tpu.memory_space<hbm>> -> memref<80x2x128xi32, #tpu.memory_space<hbm>>
      tpu.wait_dma2 semaphore(%run_scoped3A : memref<!tpu.dma_semaphore, #tpu.memory_space<semaphore_mem>>) src(%dma_wait3A_44 : memref<80x2x128xi32, #tpu.memory_space<hbm>>) dst(%arg5 : memref<80x2x128xi32, #tpu.memory_space<vmem>>)
      tpu.yield
    }) : () -> ()
    %eq3A = arith.constant 0 : i32
    %eq3A_5 = arith.cmpi eq, %arg0, %eq3A : i32
    %convert_element_type3A = arith.extui %eq3A_5 : i1 to i32
    %cond3A = arith.constant 0 : i32
    %cond3A_6 = arith.cmpi ne, %convert_element_type3A, %cond3A : i32
    scf.if %cond3A_6 {
      "tpu.region"() ({
        %run_scoped3A = tpu.sem_alloc : memref<!tpu.dma_semaphore, #tpu.memory_space<semaphore_mem>>
        %dma_start3A = tpu.memref_slice %arg8[%mul3A_2] : memref<10112xf32, #tpu.memory_space<vmem>> -> memref<632xf32, #tpu.memory_space<vmem>>
        %dma_start3A_34 = tpu.memref_slice %arg10[%mul3A_2] : memref<10112xf32, #tpu.memory_space<vmem_shared>> -> memref<632xf32, #tpu.memory_space<vmem_shared>>
        %dma_start3A_35 = tpu.memref_slice %arg10[%mul3A_2] : memref<10112xf32, #tpu.memory_space<vmem_shared>> -> memref<632xf32, #tpu.memory_space<vmem_shared>>
        %dma_start3A_36 = tpu.memref_slice %arg8[%mul3A_2] : memref<10112xf32, #tpu.memory_space<vmem>> -> memref<632xf32, #tpu.memory_space<vmem>>
        tpu.enqueue_dma source(%dma_start3A_36 : memref<632xf32, #tpu.memory_space<vmem>>) target(%dma_start3A_35 : memref<632xf32, #tpu.memory_space<vmem_shared>>) target_semaphore(%run_scoped3A : memref<!tpu.dma_semaphore, #tpu.memory_space<semaphore_mem>>)
        %dma_wait3A_37 = tpu.memref_slice %arg8[%mul3A_2] : memref<10112xf32, #tpu.memory_space<vmem>> -> memref<632xf32, #tpu.memory_space<vmem>>
        %dma_wait3A_38 = tpu.memref_slice %arg10[%mul3A_2] : memref<10112xf32, #tpu.memory_space<vmem_shared>> -> memref<632xf32, #tpu.memory_space<vmem_shared>>
        %dma_wait3A_39 = tpu.memref_slice %arg10[%mul3A_2] : memref<10112xf32, #tpu.memory_space<vmem_shared>> -> memref<632xf32, #tpu.memory_space<vmem_shared>>
        %dma_wait3A_40 = tpu.memref_slice %arg8[%mul3A_2] : memref<10112xf32, #tpu.memory_space<vmem>> -> memref<632xf32, #tpu.memory_space<vmem>>
        tpu.wait_dma2 semaphore(%run_scoped3A : memref<!tpu.dma_semaphore, #tpu.memory_space<semaphore_mem>>) src(%dma_wait3A_40 : memref<632xf32, #tpu.memory_space<vmem>>) dst(%dma_wait3A_39 : memref<632xf32, #tpu.memory_space<vmem_shared>>)
        tpu.yield
      }) : () -> ()
    } else {
    }
    %eq3A_7 = arith.constant 1 : i32
    %eq3A_8 = arith.cmpi eq, %arg0, %eq3A_7 : i32
    %convert_element_type3A_9 = arith.extui %eq3A_8 : i1 to i32
    %cond3A_10 = arith.constant 0 : i32
    %cond3A_11 = arith.cmpi ne, %convert_element_type3A_9, %cond3A_10 : i32
    scf.if %cond3A_11 {
      %broadcast_in_dim3A = arith.constant 0.000000e+00 : f32
      %broadcast_in_dim3A_34 = vector.broadcast %broadcast_in_dim3A : f32 to vector<16xf32>
      %swap3A = arith.constant 0 : index
      %swap3A_35 = tpu.vector_load %arg9[%swap3A] {strides = array<i32>} : memref<632xf32, #tpu.memory_space<vmem>>, vector<16xf32>,
      %swap3A_36 = vector.shape_cast %swap3A_35 : vector<16xf32> to vector<16xf32>
      %swap3A_37 = vector.shape_cast %broadcast_in_dim3A_34 : vector<16xf32> to vector<16xf32>
      tpu.vector_store %arg9[%swap3A], %swap3A_37 {strides = array<i32>} : memref<632xf32, #tpu.memory_space<vmem>>, vector<16xf32>,
      %swap3A_38 = arith.constant 16 : index
      %swap3A_39 = tpu.vector_load %arg9[%swap3A_38] {strides = array<i32>} : memref<632xf32, #tpu.memory_space<vmem>>, vector<16xf32>,
      %swap3A_40 = vector.shape_cast %swap3A_39 : vector<16xf32> to vector<16xf32>
      %swap3A_41 = vector.shape_cast %broadcast_in_dim3A_34 : vector<16xf32> to vector<16xf32>
      tpu.vector_store %arg9[%swap3A_38], %swap3A_41 {strides = array<i32>} : memref<632xf32, #tpu.memory_space<vmem>>, vector<16xf32>,
      %swap3A_42 = arith.constant 32 : index
      %swap3A_43 = tpu.vector_load %arg9[%swap3A_42] {strides = array<i32>} : memref<632xf32, #tpu.memory_space<vmem>>, vector<16xf32>,
      %swap3A_44 = vector.shape_cast %swap3A_43 : vector<16xf32> to vector<16xf32>
      %swap3A_45 = vector.shape_cast %broadcast_in_dim3A_34 : vector<16xf32> to vector<16xf32>
      tpu.vector_store %arg9[%swap3A_42], %swap3A_45 {strides = array<i32>} : memref<632xf32, #tpu.memory_space<vmem>>, vector<16xf32>,
      %swap3A_46 = arith.constant 48 : index
      %swap3A_47 = tpu.vector_load %arg9[%swap3A_46] {strides = array<i32>} : memref<632xf32, #tpu.memory_space<vmem>>, vector<16xf32>,
      %swap3A_48 = vector.shape_cast %swap3A_47 : vector<16xf32> to vector<16xf32>
      %swap3A_49 = vector.shape_cast %broadcast_in_dim3A_34 : vector<16xf32> to vector<16xf32>
      tpu.vector_store %arg9[%swap3A_46], %swap3A_49 {strides = array<i32>} : memref<632xf32, #tpu.memory_space<vmem>>, vector<16xf32>,
      %swap3A_50 = arith.constant 64 : index
      %swap3A_51 = tpu.vector_load %arg9[%swap3A_50] {strides = array<i32>} : memref<632xf32, #tpu.memory_space<vmem>>, vector<16xf32>,
      %swap3A_52 = vector.shape_cast %swap3A_51 : vector<16xf32> to vector<16xf32>
      %swap3A_53 = vector.shape_cast %broadcast_in_dim3A_34 : vector<16xf32> to vector<16xf32>
      tpu.vector_store %arg9[%swap3A_50], %swap3A_53 {strides = array<i32>} : memref<632xf32, #tpu.memory_space<vmem>>, vector<16xf32>,
      %swap3A_54 = arith.constant 80 : index
      %swap3A_55 = tpu.vector_load %arg9[%swap3A_54] {strides = array<i32>} : memref<632xf32, #tpu.memory_space<vmem>>, vector<16xf32>,
      %swap3A_56 = vector.shape_cast %swap3A_55 : vector<16xf32> to vector<16xf32>
      %swap3A_57 = vector.shape_cast %broadcast_in_dim3A_34 : vector<16xf32> to vector<16xf32>
      tpu.vector_store %arg9[%swap3A_54], %swap3A_57 {strides = array<i32>} : memref<632xf32, #tpu.memory_space<vmem>>, vector<16xf32>,
      %swap3A_58 = arith.constant 96 : index
      %swap3A_59 = tpu.vector_load %arg9[%swap3A_58] {strides = array<i32>} : memref<632xf32, #tpu.memory_space<vmem>>, vector<16xf32>,
      %swap3A_60 = vector.shape_cast %swap3A_59 : vector<16xf32> to vector<16xf32>
      %swap3A_61 = vector.shape_cast %broadcast_in_dim3A_34 : vector<16xf32> to vector<16xf32>
      tpu.vector_store %arg9[%swap3A_58], %swap3A_61 {strides = array<i32>} : memref<632xf32, #tpu.memory_space<vmem>>, vector<16xf32>,
      %swap3A_62 = arith.constant 112 : index
      %swap3A_63 = tpu.vector_load %arg9[%swap3A_62] {strides = array<i32>} : memref<632xf32, #tpu.memory_space<vmem>>, vector<16xf32>,
      %swap3A_64 = vector.shape_cast %swap3A_63 : vector<16xf32> to vector<16xf32>
      %swap3A_65 = vector.shape_cast %broadcast_in_dim3A_34 : vector<16xf32> to vector<16xf32>
      tpu.vector_store %arg9[%swap3A_62], %swap3A_65 {strides = array<i32>} : memref<632xf32, #tpu.memory_space<vmem>>, vector<16xf32>,
      %swap3A_66 = arith.constant 128 : index
      %swap3A_67 = tpu.vector_load %arg9[%swap3A_66] {strides = array<i32>} : memref<632xf32, #tpu.memory_space<vmem>>, vector<16xf32>,
      %swap3A_68 = vector.shape_cast %swap3A_67 : vector<16xf32> to vector<16xf32>
      %swap3A_69 = vector.shape_cast %broadcast_in_dim3A_34 : vector<16xf32> to vector<16xf32>
      tpu.vector_store %arg9[%swap3A_66], %swap3A_69 {strides = array<i32>} : memref<632xf32, #tpu.memory_space<vmem>>, vector<16xf32>,
      %swap3A_70 = arith.constant 144 : index
      %swap3A_71 = tpu.vector_load %arg9[%swap3A_70] {strides = array<i32>} : memref<632xf32, #tpu.memory_space<vmem>>, vector<16xf32>,
      %swap3A_72 = vector.shape_cast %swap3A_71 : vector<16xf32> to vector<16xf32>
      %swap3A_73 = vector.shape_cast %broadcast_in_dim3A_34 : vector<16xf32> to vector<16xf32>
      tpu.vector_store %arg9[%swap3A_70], %swap3A_73 {strides = array<i32>} : memref<632xf32, #tpu.memory_space<vmem>>, vector<16xf32>,
      %swap3A_74 = arith.constant 160 : index
      %swap3A_75 = tpu.vector_load %arg9[%swap3A_74] {strides = array<i32>} : memref<632xf32, #tpu.memory_space<vmem>>, vector<16xf32>,
      %swap3A_76 = vector.shape_cast %swap3A_75 : vector<16xf32> to vector<16xf32>
      %swap3A_77 = vector.shape_cast %broadcast_in_dim3A_34 : vector<16xf32> to vector<16xf32>
      tpu.vector_store %arg9[%swap3A_74], %swap3A_77 {strides = array<i32>} : memref<632xf32, #tpu.memory_space<vmem>>, vector<16xf32>,
      %swap3A_78 = arith.constant 176 : index
      %swap3A_79 = tpu.vector_load %arg9[%swap3A_78] {strides = array<i32>} : memref<632xf32, #tpu.memory_space<vmem>>, vector<16xf32>,
      %swap3A_80 = vector.shape_cast %swap3A_79 : vector<16xf32> to vector<16xf32>
      %swap3A_81 = vector.shape_cast %broadcast_in_dim3A_34 : vector<16xf32> to vector<16xf32>
      tpu.vector_store %arg9[%swap3A_78], %swap3A_81 {strides = array<i32>} : memref<632xf32, #tpu.memory_space<vmem>>, vector<16xf32>,
      %swap3A_82 = arith.constant 192 : index
      %swap3A_83 = tpu.vector_load %arg9[%swap3A_82] {strides = array<i32>} : memref<632xf32, #tpu.memory_space<vmem>>, vector<16xf32>,
      %swap3A_84 = vector.shape_cast %swap3A_83 : vector<16xf32> to vector<16xf32>
      %swap3A_85 = vector.shape_cast %broadcast_in_dim3A_34 : vector<16xf32> to vector<16xf32>
      tpu.vector_store %arg9[%swap3A_82], %swap3A_85 {strides = array<i32>} : memref<632xf32, #tpu.memory_space<vmem>>, vector<16xf32>,
      %swap3A_86 = arith.constant 208 : index
      %swap3A_87 = tpu.vector_load %arg9[%swap3A_86] {strides = array<i32>} : memref<632xf32, #tpu.memory_space<vmem>>, vector<16xf32>,
      %swap3A_88 = vector.shape_cast %swap3A_87 : vector<16xf32> to vector<16xf32>
      %swap3A_89 = vector.shape_cast %broadcast_in_dim3A_34 : vector<16xf32> to vector<16xf32>
      tpu.vector_store %arg9[%swap3A_86], %swap3A_89 {strides = array<i32>} : memref<632xf32, #tpu.memory_space<vmem>>, vector<16xf32>,
      %swap3A_90 = arith.constant 224 : index
      %swap3A_91 = tpu.vector_load %arg9[%swap3A_90] {strides = array<i32>} : memref<632xf32, #tpu.memory_space<vmem>>, vector<16xf32>,
      %swap3A_92 = vector.shape_cast %swap3A_91 : vector<16xf32> to vector<16xf32>
      %swap3A_93 = vector.shape_cast %broadcast_in_dim3A_34 : vector<16xf32> to vector<16xf32>
      tpu.vector_store %arg9[%swap3A_90], %swap3A_93 {strides = array<i32>} : memref<632xf32, #tpu.memory_space<vmem>>, vector<16xf32>,
      %swap3A_94 = arith.constant 240 : index
      %swap3A_95 = tpu.vector_load %arg9[%swap3A_94] {strides = array<i32>} : memref<632xf32, #tpu.memory_space<vmem>>, vector<16xf32>,
      %swap3A_96 = vector.shape_cast %swap3A_95 : vector<16xf32> to vector<16xf32>
      %swap3A_97 = vector.shape_cast %broadcast_in_dim3A_34 : vector<16xf32> to vector<16xf32>
      tpu.vector_store %arg9[%swap3A_94], %swap3A_97 {strides = array<i32>} : memref<632xf32, #tpu.memory_space<vmem>>, vector<16xf32>,
      %swap3A_98 = arith.constant 256 : index
      %swap3A_99 = tpu.vector_load %arg9[%swap3A_98] {strides = array<i32>} : memref<632xf32, #tpu.memory_space<vmem>>, vector<16xf32>,
      %swap3A_100 = vector.shape_cast %swap3A_99 : vector<16xf32> to vector<16xf32>
      %swap3A_101 = vector.shape_cast %broadcast_in_dim3A_34 : vector<16xf32> to vector<16xf32>
      tpu.vector_store %arg9[%swap3A_98], %swap3A_101 {strides = array<i32>} : memref<632xf32, #tpu.memory_space<vmem>>, vector<16xf32>,
      %swap3A_102 = arith.constant 272 : index
      %swap3A_103 = tpu.vector_load %arg9[%swap3A_102] {strides = array<i32>} : memref<632xf32, #tpu.memory_space<vmem>>, vector<16xf32>,
      %swap3A_104 = vector.shape_cast %swap3A_103 : vector<16xf32> to vector<16xf32>
      %swap3A_105 = vector.shape_cast %broadcast_in_dim3A_34 : vector<16xf32> to vector<16xf32>
      tpu.vector_store %arg9[%swap3A_102], %swap3A_105 {strides = array<i32>} : memref<632xf32, #tpu.memory_space<vmem>>, vector<16xf32>,
      %swap3A_106 = arith.constant 288 : index
      %swap3A_107 = tpu.vector_load %arg9[%swap3A_106] {strides = array<i32>} : memref<632xf32, #tpu.memory_space<vmem>>, vector<16xf32>,
      %swap3A_108 = vector.shape_cast %swap3A_107 : vector<16xf32> to vector<16xf32>
      %swap3A_109 = vector.shape_cast %broadcast_in_dim3A_34 : vector<16xf32> to vector<16xf32>
      tpu.vector_store %arg9[%swap3A_106], %swap3A_109 {strides = array<i32>} : memref<632xf32, #tpu.memory_space<vmem>>, vector<16xf32>,
      %swap3A_110 = arith.constant 304 : index
      %swap3A_111 = tpu.vector_load %arg9[%swap3A_110] {strides = array<i32>} : memref<632xf32, #tpu.memory_space<vmem>>, vector<16xf32>,
      %swap3A_112 = vector.shape_cast %swap3A_111 : vector<16xf32> to vector<16xf32>
      %swap3A_113 = vector.shape_cast %broadcast_in_dim3A_34 : vector<16xf32> to vector<16xf32>
      tpu.vector_store %arg9[%swap3A_110], %swap3A_113 {strides = array<i32>} : memref<632xf32, #tpu.memory_space<vmem>>, vector<16xf32>,
      %swap3A_114 = arith.constant 320 : index
      %swap3A_115 = tpu.vector_load %arg9[%swap3A_114] {strides = array<i32>} : memref<632xf32, #tpu.memory_space<vmem>>, vector<16xf32>,
      %swap3A_116 = vector.shape_cast %swap3A_115 : vector<16xf32> to vector<16xf32>
      %swap3A_117 = vector.shape_cast %broadcast_in_dim3A_34 : vector<16xf32> to vector<16xf32>
      tpu.vector_store %arg9[%swap3A_114], %swap3A_117 {strides = array<i32>} : memref<632xf32, #tpu.memory_space<vmem>>, vector<16xf32>,
      %swap3A_118 = arith.constant 336 : index
      %swap3A_119 = tpu.vector_load %arg9[%swap3A_118] {strides = array<i32>} : memref<632xf32, #tpu.memory_space<vmem>>, vector<16xf32>,
      %swap3A_120 = vector.shape_cast %swap3A_119 : vector<16xf32> to vector<16xf32>
      %swap3A_121 = vector.shape_cast %broadcast_in_dim3A_34 : vector<16xf32> to vector<16xf32>
      tpu.vector_store %arg9[%swap3A_118], %swap3A_121 {strides = array<i32>} : memref<632xf32, #tpu.memory_space<vmem>>, vector<16xf32>,
      %swap3A_122 = arith.constant 352 : index
      %swap3A_123 = tpu.vector_load %arg9[%swap3A_122] {strides = array<i32>} : memref<632xf32, #tpu.memory_space<vmem>>, vector<16xf32>,
      %swap3A_124 = vector.shape_cast %swap3A_123 : vector<16xf32> to vector<16xf32>
      %swap3A_125 = vector.shape_cast %broadcast_in_dim3A_34 : vector<16xf32> to vector<16xf32>
      tpu.vector_store %arg9[%swap3A_122], %swap3A_125 {strides = array<i32>} : memref<632xf32, #tpu.memory_space<vmem>>, vector<16xf32>,
      %swap3A_126 = arith.constant 368 : index
      %swap3A_127 = tpu.vector_load %arg9[%swap3A_126] {strides = array<i32>} : memref<632xf32, #tpu.memory_space<vmem>>, vector<16xf32>,
      %swap3A_128 = vector.shape_cast %swap3A_127 : vector<16xf32> to vector<16xf32>
      %swap3A_129 = vector.shape_cast %broadcast_in_dim3A_34 : vector<16xf32> to vector<16xf32>
      tpu.vector_store %arg9[%swap3A_126], %swap3A_129 {strides = array<i32>} : memref<632xf32, #tpu.memory_space<vmem>>, vector<16xf32>,
      %swap3A_130 = arith.constant 384 : index
      %swap3A_131 = tpu.vector_load %arg9[%swap3A_130] {strides = array<i32>} : memref<632xf32, #tpu.memory_space<vmem>>, vector<16xf32>,
      %swap3A_132 = vector.shape_cast %swap3A_131 : vector<16xf32> to vector<16xf32>
      %swap3A_133 = vector.shape_cast %broadcast_in_dim3A_34 : vector<16xf32> to vector<16xf32>
      tpu.vector_store %arg9[%swap3A_130], %swap3A_133 {strides = array<i32>} : memref<632xf32, #tpu.memory_space<vmem>>, vector<16xf32>,
      %swap3A_134 = arith.constant 400 : index
      %swap3A_135 = tpu.vector_load %arg9[%swap3A_134] {strides = array<i32>} : memref<632xf32, #tpu.memory_space<vmem>>, vector<16xf32>,
      %swap3A_136 = vector.shape_cast %swap3A_135 : vector<16xf32> to vector<16xf32>
      %swap3A_137 = vector.shape_cast %broadcast_in_dim3A_34 : vector<16xf32> to vector<16xf32>
      tpu.vector_store %arg9[%swap3A_134], %swap3A_137 {strides = array<i32>} : memref<632xf32, #tpu.memory_space<vmem>>, vector<16xf32>,
      %swap3A_138 = arith.constant 416 : index
      %swap3A_139 = tpu.vector_load %arg9[%swap3A_138] {strides = array<i32>} : memref<632xf32, #tpu.memory_space<vmem>>, vector<16xf32>,
      %swap3A_140 = vector.shape_cast %swap3A_139 : vector<16xf32> to vector<16xf32>
      %swap3A_141 = vector.shape_cast %broadcast_in_dim3A_34 : vector<16xf32> to vector<16xf32>
      tpu.vector_store %arg9[%swap3A_138], %swap3A_141 {strides = array<i32>} : memref<632xf32, #tpu.memory_space<vmem>>, vector<16xf32>,
      %swap3A_142 = arith.constant 432 : index
      %swap3A_143 = tpu.vector_load %arg9[%swap3A_142] {strides = array<i32>} : memref<632xf32, #tpu.memory_space<vmem>>, vector<16xf32>,
      %swap3A_144 = vector.shape_cast %swap3A_143 : vector<16xf32> to vector<16xf32>
      %swap3A_145 = vector.shape_cast %broadcast_in_dim3A_34 : vector<16xf32> to vector<16xf32>
      tpu.vector_store %arg9[%swap3A_142], %swap3A_145 {strides = array<i32>} : memref<632xf32, #tpu.memory_space<vmem>>, vector<16xf32>,
      %swap3A_146 = arith.constant 448 : index
      %swap3A_147 = tpu.vector_load %arg9[%swap3A_146] {strides = array<i32>} : memref<632xf32, #tpu.memory_space<vmem>>, vector<16xf32>,
      %swap3A_148 = vector.shape_cast %swap3A_147 : vector<16xf32> to vector<16xf32>
      %swap3A_149 = vector.shape_cast %broadcast_in_dim3A_34 : vector<16xf32> to vector<16xf32>
      tpu.vector_store %arg9[%swap3A_146], %swap3A_149 {strides = array<i32>} : memref<632xf32, #tpu.memory_space<vmem>>, vector<16xf32>,
      %swap3A_150 = arith.constant 464 : index
      %swap3A_151 = tpu.vector_load %arg9[%swap3A_150] {strides = array<i32>} : memref<632xf32, #tpu.memory_space<vmem>>, vector<16xf32>,
      %swap3A_152 = vector.shape_cast %swap3A_151 : vector<16xf32> to vector<16xf32>
      %swap3A_153 = vector.shape_cast %broadcast_in_dim3A_34 : vector<16xf32> to vector<16xf32>
      tpu.vector_store %arg9[%swap3A_150], %swap3A_153 {strides = array<i32>} : memref<632xf32, #tpu.memory_space<vmem>>, vector<16xf32>,
      %swap3A_154 = arith.constant 480 : index
      %swap3A_155 = tpu.vector_load %arg9[%swap3A_154] {strides = array<i32>} : memref<632xf32, #tpu.memory_space<vmem>>, vector<16xf32>,
      %swap3A_156 = vector.shape_cast %swap3A_155 : vector<16xf32> to vector<16xf32>
      %swap3A_157 = vector.shape_cast %broadcast_in_dim3A_34 : vector<16xf32> to vector<16xf32>
      tpu.vector_store %arg9[%swap3A_154], %swap3A_157 {strides = array<i32>} : memref<632xf32, #tpu.memory_space<vmem>>, vector<16xf32>,
      %swap3A_158 = arith.constant 496 : index
      %swap3A_159 = tpu.vector_load %arg9[%swap3A_158] {strides = array<i32>} : memref<632xf32, #tpu.memory_space<vmem>>, vector<16xf32>,
      %swap3A_160 = vector.shape_cast %swap3A_159 : vector<16xf32> to vector<16xf32>
      %swap3A_161 = vector.shape_cast %broadcast_in_dim3A_34 : vector<16xf32> to vector<16xf32>
      tpu.vector_store %arg9[%swap3A_158], %swap3A_161 {strides = array<i32>} : memref<632xf32, #tpu.memory_space<vmem>>, vector<16xf32>,
      %swap3A_162 = arith.constant 512 : index
      %swap3A_163 = tpu.vector_load %arg9[%swap3A_162] {strides = array<i32>} : memref<632xf32, #tpu.memory_space<vmem>>, vector<16xf32>,
      %swap3A_164 = vector.shape_cast %swap3A_163 : vector<16xf32> to vector<16xf32>
      %swap3A_165 = vector.shape_cast %broadcast_in_dim3A_34 : vector<16xf32> to vector<16xf32>
      tpu.vector_store %arg9[%swap3A_162], %swap3A_165 {strides = array<i32>} : memref<632xf32, #tpu.memory_space<vmem>>, vector<16xf32>,
      %swap3A_166 = arith.constant 528 : index
      %swap3A_167 = tpu.vector_load %arg9[%swap3A_166] {strides = array<i32>} : memref<632xf32, #tpu.memory_space<vmem>>, vector<16xf32>,
      %swap3A_168 = vector.shape_cast %swap3A_167 : vector<16xf32> to vector<16xf32>
      %swap3A_169 = vector.shape_cast %broadcast_in_dim3A_34 : vector<16xf32> to vector<16xf32>
      tpu.vector_store %arg9[%swap3A_166], %swap3A_169 {strides = array<i32>} : memref<632xf32, #tpu.memory_space<vmem>>, vector<16xf32>,
      %swap3A_170 = arith.constant 544 : index
      %swap3A_171 = tpu.vector_load %arg9[%swap3A_170] {strides = array<i32>} : memref<632xf32, #tpu.memory_space<vmem>>, vector<16xf32>,
      %swap3A_172 = vector.shape_cast %swap3A_171 : vector<16xf32> to vector<16xf32>
      %swap3A_173 = vector.shape_cast %broadcast_in_dim3A_34 : vector<16xf32> to vector<16xf32>
      tpu.vector_store %arg9[%swap3A_170], %swap3A_173 {strides = array<i32>} : memref<632xf32, #tpu.memory_space<vmem>>, vector<16xf32>,
      %swap3A_174 = arith.constant 560 : index
      %swap3A_175 = tpu.vector_load %arg9[%swap3A_174] {strides = array<i32>} : memref<632xf32, #tpu.memory_space<vmem>>, vector<16xf32>,
      %swap3A_176 = vector.shape_cast %swap3A_175 : vector<16xf32> to vector<16xf32>
      %swap3A_177 = vector.shape_cast %broadcast_in_dim3A_34 : vector<16xf32> to vector<16xf32>
      tpu.vector_store %arg9[%swap3A_174], %swap3A_177 {strides = array<i32>} : memref<632xf32, #tpu.memory_space<vmem>>, vector<16xf32>,
      %swap3A_178 = arith.constant 576 : index
      %swap3A_179 = tpu.vector_load %arg9[%swap3A_178] {strides = array<i32>} : memref<632xf32, #tpu.memory_space<vmem>>, vector<16xf32>,
      %swap3A_180 = vector.shape_cast %swap3A_179 : vector<16xf32> to vector<16xf32>
      %swap3A_181 = vector.shape_cast %broadcast_in_dim3A_34 : vector<16xf32> to vector<16xf32>
      tpu.vector_store %arg9[%swap3A_178], %swap3A_181 {strides = array<i32>} : memref<632xf32, #tpu.memory_space<vmem>>, vector<16xf32>,
      %swap3A_182 = arith.constant 592 : index
      %swap3A_183 = tpu.vector_load %arg9[%swap3A_182] {strides = array<i32>} : memref<632xf32, #tpu.memory_space<vmem>>, vector<16xf32>,
      %swap3A_184 = vector.shape_cast %swap3A_183 : vector<16xf32> to vector<16xf32>
      %swap3A_185 = vector.shape_cast %broadcast_in_dim3A_34 : vector<16xf32> to vector<16xf32>
      tpu.vector_store %arg9[%swap3A_182], %swap3A_185 {strides = array<i32>} : memref<632xf32, #tpu.memory_space<vmem>>, vector<16xf32>,
      %swap3A_186 = arith.constant 608 : index
      %swap3A_187 = tpu.vector_load %arg9[%swap3A_186] {strides = array<i32>} : memref<632xf32, #tpu.memory_space<vmem>>, vector<16xf32>,
      %swap3A_188 = vector.shape_cast %swap3A_187 : vector<16xf32> to vector<16xf32>
      %swap3A_189 = vector.shape_cast %broadcast_in_dim3A_34 : vector<16xf32> to vector<16xf32>
      tpu.vector_store %arg9[%swap3A_186], %swap3A_189 {strides = array<i32>} : memref<632xf32, #tpu.memory_space<vmem>>, vector<16xf32>,
      %swap3A_190 = arith.constant 616 : index
      %swap3A_191 = tpu.vector_load %arg9[%swap3A_190] {strides = array<i32>} : memref<632xf32, #tpu.memory_space<vmem>>, vector<16xf32>,
      %swap3A_192 = vector.shape_cast %swap3A_191 : vector<16xf32> to vector<16xf32>
      %swap3A_193 = vector.shape_cast %broadcast_in_dim3A_34 : vector<16xf32> to vector<16xf32>
      tpu.vector_store %arg9[%swap3A_190], %swap3A_193 {strides = array<i32>} : memref<632xf32, #tpu.memory_space<vmem>>, vector<16xf32>,
      "tpu.region"() ({
        %run_scoped3A = tpu.sem_alloc : memref<!tpu.dma_semaphore, #tpu.memory_space<semaphore_mem>>
        %dma_start3A = tpu.memref_slice %arg10[%mul3A_2] : memref<10112xf32, #tpu.memory_space<vmem_shared>> -> memref<632xf32, #tpu.memory_space<vmem_shared>>
        %dma_start3A_194 = tpu.memref_slice %arg10[%mul3A_2] : memref<10112xf32, #tpu.memory_space<vmem_shared>> -> memref<632xf32, #tpu.memory_space<vmem_shared>>
        tpu.enqueue_dma source(%arg9 : memref<632xf32, #tpu.memory_space<vmem>>) target(%dma_start3A_194 : memref<632xf32, #tpu.memory_space<vmem_shared>>) target_semaphore(%run_scoped3A : memref<!tpu.dma_semaphore, #tpu.memory_space<semaphore_mem>>)
        %dma_wait3A_195 = tpu.memref_slice %arg10[%mul3A_2] : memref<10112xf32, #tpu.memory_space<vmem_shared>> -> memref<632xf32, #tpu.memory_space<vmem_shared>>
        %dma_wait3A_196 = tpu.memref_slice %arg10[%mul3A_2] : memref<10112xf32, #tpu.memory_space<vmem_shared>> -> memref<632xf32, #tpu.memory_space<vmem_shared>>
        tpu.wait_dma2 semaphore(%run_scoped3A : memref<!tpu.dma_semaphore, #tpu.memory_space<semaphore_mem>>) src(%arg9 : memref<632xf32, #tpu.memory_space<vmem>>) dst(%dma_wait3A_196 : memref<632xf32, #tpu.memory_space<vmem_shared>>)
        tpu.yield
      }) : () -> ()
    } else {
    }
    %barrier3A = arith.constant 0 : index
    tpu.barrier barrier_id(%barrier3A)
    %scan3A = arith.constant 0 : i32
    %scan3A_12 = arith.constant 0 : i32
    %scan3A_13 = arith.constant 40 : i32
    %scan3A_14 = arith.addi %scan3A_12, %scan3A_13 : i32
    %scan3A_15 = arith.constant 1 : i32
    scf.for %scan3A_34 = %scan3A_12 to %scan3A_14 step %scan3A_15  : i32 {
      %mul3A_35 = arith.constant 2 : i32
      %mul3A_36 = arith.muli %scan3A_34, %mul3A_35 : i32
      %add3A_37 = arith.constant 0 : i32
      %add3A_38 = arith.addi %mul3A_36, %add3A_37 : i32
      %get3A = arith.constant 0 : i32
      %get3A_39 = arith.index_cast %add3A_38 : i32 to index
      %get3A_40 = arith.index_cast %get3A : i32 to index
      %get3A_41 = arith.constant 0 : index
      %get3A_42 = tpu.vector_load %arg5[%get3A_39, %get3A_40, %get3A_41] {strides = array<i32>} : memref<80x2x128xi32, #tpu.memory_space<vmem>>, vector<16xi32>,
      %gather3A = tpu.vector_load_idx %arg8[%get3A_42] : memref<10112xf32, #tpu.memory_space<vmem>>[vector<16xi32>], vector<16xf32>,
      %swap3A = arith.constant 0 : index
      %swap3A_43 = tpu.vector_load %arg6[%swap3A] {strides = array<i32>} : memref<128xf32, #tpu.memory_space<vmem>>, vector<16xf32>,
      %swap3A_44 = vector.shape_cast %swap3A_43 : vector<16xf32> to vector<16xf32>
      %swap3A_45 = vector.shape_cast %gather3A : vector<16xf32> to vector<16xf32>
      tpu.vector_store %arg6[%swap3A], %swap3A_45 {strides = array<i32>} : memref<128xf32, #tpu.memory_space<vmem>>, vector<16xf32>,
      %get3A_46 = arith.constant 0 : i32
      %get3A_47 = arith.index_cast %add3A_38 : i32 to index
      %get3A_48 = arith.index_cast %get3A_46 : i32 to index
      %get3A_49 = arith.constant 16 : index
      %get3A_50 = tpu.vector_load %arg5[%get3A_47, %get3A_48, %get3A_49] {strides = array<i32>} : memref<80x2x128xi32, #tpu.memory_space<vmem>>, vector<16xi32>,
      %gather3A_51 = tpu.vector_load_idx %arg8[%get3A_50] : memref<10112xf32, #tpu.memory_space<vmem>>[vector<16xi32>], vector<16xf32>,
      %swap3A_52 = arith.constant 16 : index
      %swap3A_53 = tpu.vector_load %arg6[%swap3A_52] {strides = array<i32>} : memref<128xf32, #tpu.memory_space<vmem>>, vector<16xf32>,
      %swap3A_54 = vector.shape_cast %swap3A_53 : vector<16xf32> to vector<16xf32>
      %swap3A_55 = vector.shape_cast %gather3A_51 : vector<16xf32> to vector<16xf32>
      tpu.vector_store %arg6[%swap3A_52], %swap3A_55 {strides = array<i32>} : memref<128xf32, #tpu.memory_space<vmem>>, vector<16xf32>,
      %get3A_56 = arith.constant 0 : i32
      %get3A_57 = arith.index_cast %add3A_38 : i32 to index
      %get3A_58 = arith.index_cast %get3A_56 : i32 to index
      %get3A_59 = arith.constant 32 : index
      %get3A_60 = tpu.vector_load %arg5[%get3A_57, %get3A_58, %get3A_59] {strides = array<i32>} : memref<80x2x128xi32, #tpu.memory_space<vmem>>, vector<16xi32>,
      %gather3A_61 = tpu.vector_load_idx %arg8[%get3A_60] : memref<10112xf32, #tpu.memory_space<vmem>>[vector<16xi32>], vector<16xf32>,
      %swap3A_62 = arith.constant 32 : index
      %swap3A_63 = tpu.vector_load %arg6[%swap3A_62] {strides = array<i32>} : memref<128xf32, #tpu.memory_space<vmem>>, vector<16xf32>,
      %swap3A_64 = vector.shape_cast %swap3A_63 : vector<16xf32> to vector<16xf32>
      %swap3A_65 = vector.shape_cast %gather3A_61 : vector<16xf32> to vector<16xf32>
      tpu.vector_store %arg6[%swap3A_62], %swap3A_65 {strides = array<i32>} : memref<128xf32, #tpu.memory_space<vmem>>, vector<16xf32>,
      %get3A_66 = arith.constant 0 : i32
      %get3A_67 = arith.index_cast %add3A_38 : i32 to index
      %get3A_68 = arith.index_cast %get3A_66 : i32 to index
      %get3A_69 = arith.constant 48 : index
      %get3A_70 = tpu.vector_load %arg5[%get3A_67, %get3A_68, %get3A_69] {strides = array<i32>} : memref<80x2x128xi32, #tpu.memory_space<vmem>>, vector<16xi32>,
      %gather3A_71 = tpu.vector_load_idx %arg8[%get3A_70] : memref<10112xf32, #tpu.memory_space<vmem>>[vector<16xi32>], vector<16xf32>,
      %swap3A_72 = arith.constant 48 : index
      %swap3A_73 = tpu.vector_load %arg6[%swap3A_72] {strides = array<i32>} : memref<128xf32, #tpu.memory_space<vmem>>, vector<16xf32>,
      %swap3A_74 = vector.shape_cast %swap3A_73 : vector<16xf32> to vector<16xf32>
      %swap3A_75 = vector.shape_cast %gather3A_71 : vector<16xf32> to vector<16xf32>
      tpu.vector_store %arg6[%swap3A_72], %swap3A_75 {strides = array<i32>} : memref<128xf32, #tpu.memory_space<vmem>>, vector<16xf32>,
      %get3A_76 = arith.constant 0 : i32
      %get3A_77 = arith.index_cast %add3A_38 : i32 to index
      %get3A_78 = arith.index_cast %get3A_76 : i32 to index
      %get3A_79 = arith.constant 64 : index
      %get3A_80 = tpu.vector_load %arg5[%get3A_77, %get3A_78, %get3A_79] {strides = array<i32>} : memref<80x2x128xi32, #tpu.memory_space<vmem>>, vector<16xi32>,
      %gather3A_81 = tpu.vector_load_idx %arg8[%get3A_80] : memref<10112xf32, #tpu.memory_space<vmem>>[vector<16xi32>], vector<16xf32>,
      %swap3A_82 = arith.constant 64 : index
      %swap3A_83 = tpu.vector_load %arg6[%swap3A_82] {strides = array<i32>} : memref<128xf32, #tpu.memory_space<vmem>>, vector<16xf32>,
      %swap3A_84 = vector.shape_cast %swap3A_83 : vector<16xf32> to vector<16xf32>
      %swap3A_85 = vector.shape_cast %gather3A_81 : vector<16xf32> to vector<16xf32>
      tpu.vector_store %arg6[%swap3A_82], %swap3A_85 {strides = array<i32>} : memref<128xf32, #tpu.memory_space<vmem>>, vector<16xf32>,
      %get3A_86 = arith.constant 0 : i32
      %get3A_87 = arith.index_cast %add3A_38 : i32 to index
      %get3A_88 = arith.index_cast %get3A_86 : i32 to index
      %get3A_89 = arith.constant 80 : index
      %get3A_90 = tpu.vector_load %arg5[%get3A_87, %get3A_88, %get3A_89] {strides = array<i32>} : memref<80x2x128xi32, #tpu.memory_space<vmem>>, vector<16xi32>,
      %gather3A_91 = tpu.vector_load_idx %arg8[%get3A_90] : memref<10112xf32, #tpu.memory_space<vmem>>[vector<16xi32>], vector<16xf32>,
      %swap3A_92 = arith.constant 80 : index
      %swap3A_93 = tpu.vector_load %arg6[%swap3A_92] {strides = array<i32>} : memref<128xf32, #tpu.memory_space<vmem>>, vector<16xf32>,
      %swap3A_94 = vector.shape_cast %swap3A_93 : vector<16xf32> to vector<16xf32>
      %swap3A_95 = vector.shape_cast %gather3A_91 : vector<16xf32> to vector<16xf32>
      tpu.vector_store %arg6[%swap3A_92], %swap3A_95 {strides = array<i32>} : memref<128xf32, #tpu.memory_space<vmem>>, vector<16xf32>,
      %get3A_96 = arith.constant 0 : i32
      %get3A_97 = arith.index_cast %add3A_38 : i32 to index
      %get3A_98 = arith.index_cast %get3A_96 : i32 to index
      %get3A_99 = arith.constant 96 : index
      %get3A_100 = tpu.vector_load %arg5[%get3A_97, %get3A_98, %get3A_99] {strides = array<i32>} : memref<80x2x128xi32, #tpu.memory_space<vmem>>, vector<16xi32>,
      %gather3A_101 = tpu.vector_load_idx %arg8[%get3A_100] : memref<10112xf32, #tpu.memory_space<vmem>>[vector<16xi32>], vector<16xf32>,
      %swap3A_102 = arith.constant 96 : index
      %swap3A_103 = tpu.vector_load %arg6[%swap3A_102] {strides = array<i32>} : memref<128xf32, #tpu.memory_space<vmem>>, vector<16xf32>,
      %swap3A_104 = vector.shape_cast %swap3A_103 : vector<16xf32> to vector<16xf32>
      %swap3A_105 = vector.shape_cast %gather3A_101 : vector<16xf32> to vector<16xf32>
      tpu.vector_store %arg6[%swap3A_102], %swap3A_105 {strides = array<i32>} : memref<128xf32, #tpu.memory_space<vmem>>, vector<16xf32>,
      %get3A_106 = arith.constant 0 : i32
      %get3A_107 = arith.index_cast %add3A_38 : i32 to index
      %get3A_108 = arith.index_cast %get3A_106 : i32 to index
      %get3A_109 = arith.constant 112 : index
      %get3A_110 = tpu.vector_load %arg5[%get3A_107, %get3A_108, %get3A_109] {strides = array<i32>} : memref<80x2x128xi32, #tpu.memory_space<vmem>>, vector<16xi32>,
      %gather3A_111 = tpu.vector_load_idx %arg8[%get3A_110] : memref<10112xf32, #tpu.memory_space<vmem>>[vector<16xi32>], vector<16xf32>,
      %swap3A_112 = arith.constant 112 : index
      %swap3A_113 = tpu.vector_load %arg6[%swap3A_112] {strides = array<i32>} : memref<128xf32, #tpu.memory_space<vmem>>, vector<16xf32>,
      %swap3A_114 = vector.shape_cast %swap3A_113 : vector<16xf32> to vector<16xf32>
      %swap3A_115 = vector.shape_cast %gather3A_111 : vector<16xf32> to vector<16xf32>
      tpu.vector_store %arg6[%swap3A_112], %swap3A_115 {strides = array<i32>} : memref<128xf32, #tpu.memory_space<vmem>>, vector<16xf32>,
      %ge3A = arith.constant 2 : i32
      %ge3A_116 = arith.cmpi sge, %add3A_38, %ge3A : i32
      %convert_element_type3A_117 = arith.extui %ge3A_116 : i1 to i32
      %cond3A_118 = arith.constant 0 : i32
      %cond3A_119 = arith.cmpi ne, %convert_element_type3A_117, %cond3A_118 : i32
      scf.if %cond3A_119 {
        %dma_wait3A_218 = arith.constant 0 : i32
        %dma_wait3A_219 = arith.constant 1 : i32
        %dma_wait3A_220 = arith.constant 0 : i32
        %dma_wait3A_221 = tpu.memref_slice %arg5[%dma_wait3A_218, %dma_wait3A_219, %dma_wait3A_220] : memref<80x2x128xi32, #tpu.memory_space<vmem>> -> memref<1x1x128xi32, #tpu.memory_space<vmem>>
        %dma_wait3A_222 = tpu.memref_squeeze %dma_wait3A_221 : memref<1x1x128xi32, #tpu.memory_space<vmem>> -> memref<128xi32, #tpu.memory_space<vmem>>
        %dma_wait3A_223 = arith.constant 0 : i32
        %dma_wait3A_224 = tpu.memref_slice %arg10[%dma_wait3A_223] : memref<10112xf32, #tpu.memory_space<vmem_shared>> -> memref<10112xf32, #tpu.memory_space<vmem_shared>>
        tpu.wait_indirect_dma semaphore(%arg11 : memref<!tpu.dma_semaphore, #tpu.memory_space<semaphore_mem>>) src(%arg6 : memref<128xf32, #tpu.memory_space<vmem>>) dst(%dma_wait3A_224 : memref<10112xf32, #tpu.memory_space<vmem_shared>>)
      } else {
      }
      %dma_start3A = arith.constant 1 : i32
      %dma_start3A_120 = arith.constant 0 : i32
      %dma_start3A_121 = tpu.memref_slice %arg5[%add3A_38, %dma_start3A, %dma_start3A_120] : memref<80x2x128xi32, #tpu.memory_space<vmem>> -> memref<1x1x128xi32, #tpu.memory_space<vmem>>
      %dma_start3A_122 = tpu.memref_squeeze %dma_start3A_121 : memref<1x1x128xi32, #tpu.memory_space<vmem>> -> memref<128xi32, #tpu.memory_space<vmem>>
      %dma_start3A_123 = arith.constant 0 : i32
      %dma_start3A_124 = tpu.memref_slice %arg10[%dma_start3A_123] : memref<10112xf32, #tpu.memory_space<vmem_shared>> -> memref<10112xf32, #tpu.memory_space<vmem_shared>>
      tpu.enqueue_indirect_dma source(%arg6 : memref<128xf32, #tpu.memory_space<vmem>>) target(%dma_start3A_124 : memref<10112xf32, #tpu.memory_space<vmem_shared>>) offsets(%dma_start3A_122 : memref<128xi32, #tpu.memory_space<vmem>>) semaphore(%arg11 : memref<!tpu.dma_semaphore, #tpu.memory_space<semaphore_mem>>) {add = true}
      %add3A_125 = arith.constant 1 : i32
      %add3A_126 = arith.addi %mul3A_36, %add3A_125 : i32
      %get3A_127 = arith.constant 0 : i32
      %get3A_128 = arith.index_cast %add3A_126 : i32 to index
      %get3A_129 = arith.index_cast %get3A_127 : i32 to index
      %get3A_130 = arith.constant 0 : index
      %get3A_131 = tpu.vector_load %arg5[%get3A_128, %get3A_129, %get3A_130] {strides = array<i32>} : memref<80x2x128xi32, #tpu.memory_space<vmem>>, vector<16xi32>,
      %gather3A_132 = tpu.vector_load_idx %arg8[%get3A_131] : memref<10112xf32, #tpu.memory_space<vmem>>[vector<16xi32>], vector<16xf32>,
      %swap3A_133 = arith.constant 0 : index
      %swap3A_134 = tpu.vector_load %arg7[%swap3A_133] {strides = array<i32>} : memref<128xf32, #tpu.memory_space<vmem>>, vector<16xf32>,
      %swap3A_135 = vector.shape_cast %swap3A_134 : vector<16xf32> to vector<16xf32>
      %swap3A_136 = vector.shape_cast %gather3A_132 : vector<16xf32> to vector<16xf32>
      tpu.vector_store %arg7[%swap3A_133], %swap3A_136 {strides = array<i32>} : memref<128xf32, #tpu.memory_space<vmem>>, vector<16xf32>,
      %get3A_137 = arith.constant 0 : i32
      %get3A_138 = arith.index_cast %add3A_126 : i32 to index
      %get3A_139 = arith.index_cast %get3A_137 : i32 to index
      %get3A_140 = arith.constant 16 : index
      %get3A_141 = tpu.vector_load %arg5[%get3A_138, %get3A_139, %get3A_140] {strides = array<i32>} : memref<80x2x128xi32, #tpu.memory_space<vmem>>, vector<16xi32>,
      %gather3A_142 = tpu.vector_load_idx %arg8[%get3A_141] : memref<10112xf32, #tpu.memory_space<vmem>>[vector<16xi32>], vector<16xf32>,
      %swap3A_143 = arith.constant 16 : index
      %swap3A_144 = tpu.vector_load %arg7[%swap3A_143] {strides = array<i32>} : memref<128xf32, #tpu.memory_space<vmem>>, vector<16xf32>,
      %swap3A_145 = vector.shape_cast %swap3A_144 : vector<16xf32> to vector<16xf32>
      %swap3A_146 = vector.shape_cast %gather3A_142 : vector<16xf32> to vector<16xf32>
      tpu.vector_store %arg7[%swap3A_143], %swap3A_146 {strides = array<i32>} : memref<128xf32, #tpu.memory_space<vmem>>, vector<16xf32>,
      %get3A_147 = arith.constant 0 : i32
      %get3A_148 = arith.index_cast %add3A_126 : i32 to index
      %get3A_149 = arith.index_cast %get3A_147 : i32 to index
      %get3A_150 = arith.constant 32 : index
      %get3A_151 = tpu.vector_load %arg5[%get3A_148, %get3A_149, %get3A_150] {strides = array<i32>} : memref<80x2x128xi32, #tpu.memory_space<vmem>>, vector<16xi32>,
      %gather3A_152 = tpu.vector_load_idx %arg8[%get3A_151] : memref<10112xf32, #tpu.memory_space<vmem>>[vector<16xi32>], vector<16xf32>,
      %swap3A_153 = arith.constant 32 : index
      %swap3A_154 = tpu.vector_load %arg7[%swap3A_153] {strides = array<i32>} : memref<128xf32, #tpu.memory_space<vmem>>, vector<16xf32>,
      %swap3A_155 = vector.shape_cast %swap3A_154 : vector<16xf32> to vector<16xf32>
      %swap3A_156 = vector.shape_cast %gather3A_152 : vector<16xf32> to vector<16xf32>
      tpu.vector_store %arg7[%swap3A_153], %swap3A_156 {strides = array<i32>} : memref<128xf32, #tpu.memory_space<vmem>>, vector<16xf32>,
      %get3A_157 = arith.constant 0 : i32
      %get3A_158 = arith.index_cast %add3A_126 : i32 to index
      %get3A_159 = arith.index_cast %get3A_157 : i32 to index
      %get3A_160 = arith.constant 48 : index
      %get3A_161 = tpu.vector_load %arg5[%get3A_158, %get3A_159, %get3A_160] {strides = array<i32>} : memref<80x2x128xi32, #tpu.memory_space<vmem>>, vector<16xi32>,
      %gather3A_162 = tpu.vector_load_idx %arg8[%get3A_161] : memref<10112xf32, #tpu.memory_space<vmem>>[vector<16xi32>], vector<16xf32>,
      %swap3A_163 = arith.constant 48 : index
      %swap3A_164 = tpu.vector_load %arg7[%swap3A_163] {strides = array<i32>} : memref<128xf32, #tpu.memory_space<vmem>>, vector<16xf32>,
      %swap3A_165 = vector.shape_cast %swap3A_164 : vector<16xf32> to vector<16xf32>
      %swap3A_166 = vector.shape_cast %gather3A_162 : vector<16xf32> to vector<16xf32>
      tpu.vector_store %arg7[%swap3A_163], %swap3A_166 {strides = array<i32>} : memref<128xf32, #tpu.memory_space<vmem>>, vector<16xf32>,
      %get3A_167 = arith.constant 0 : i32
      %get3A_168 = arith.index_cast %add3A_126 : i32 to index
      %get3A_169 = arith.index_cast %get3A_167 : i32 to index
      %get3A_170 = arith.constant 64 : index
      %get3A_171 = tpu.vector_load %arg5[%get3A_168, %get3A_169, %get3A_170] {strides = array<i32>} : memref<80x2x128xi32, #tpu.memory_space<vmem>>, vector<16xi32>,
      %gather3A_172 = tpu.vector_load_idx %arg8[%get3A_171] : memref<10112xf32, #tpu.memory_space<vmem>>[vector<16xi32>], vector<16xf32>,
      %swap3A_173 = arith.constant 64 : index
      %swap3A_174 = tpu.vector_load %arg7[%swap3A_173] {strides = array<i32>} : memref<128xf32, #tpu.memory_space<vmem>>, vector<16xf32>,
      %swap3A_175 = vector.shape_cast %swap3A_174 : vector<16xf32> to vector<16xf32>
      %swap3A_176 = vector.shape_cast %gather3A_172 : vector<16xf32> to vector<16xf32>
      tpu.vector_store %arg7[%swap3A_173], %swap3A_176 {strides = array<i32>} : memref<128xf32, #tpu.memory_space<vmem>>, vector<16xf32>,
      %get3A_177 = arith.constant 0 : i32
      %get3A_178 = arith.index_cast %add3A_126 : i32 to index
      %get3A_179 = arith.index_cast %get3A_177 : i32 to index
      %get3A_180 = arith.constant 80 : index
      %get3A_181 = tpu.vector_load %arg5[%get3A_178, %get3A_179, %get3A_180] {strides = array<i32>} : memref<80x2x128xi32, #tpu.memory_space<vmem>>, vector<16xi32>,
      %gather3A_182 = tpu.vector_load_idx %arg8[%get3A_181] : memref<10112xf32, #tpu.memory_space<vmem>>[vector<16xi32>], vector<16xf32>,
      %swap3A_183 = arith.constant 80 : index
      %swap3A_184 = tpu.vector_load %arg7[%swap3A_183] {strides = array<i32>} : memref<128xf32, #tpu.memory_space<vmem>>, vector<16xf32>,
      %swap3A_185 = vector.shape_cast %swap3A_184 : vector<16xf32> to vector<16xf32>
      %swap3A_186 = vector.shape_cast %gather3A_182 : vector<16xf32> to vector<16xf32>
      tpu.vector_store %arg7[%swap3A_183], %swap3A_186 {strides = array<i32>} : memref<128xf32, #tpu.memory_space<vmem>>, vector<16xf32>,
      %get3A_187 = arith.constant 0 : i32
      %get3A_188 = arith.index_cast %add3A_126 : i32 to index
      %get3A_189 = arith.index_cast %get3A_187 : i32 to index
      %get3A_190 = arith.constant 96 : index
      %get3A_191 = tpu.vector_load %arg5[%get3A_188, %get3A_189, %get3A_190] {strides = array<i32>} : memref<80x2x128xi32, #tpu.memory_space<vmem>>, vector<16xi32>,
      %gather3A_192 = tpu.vector_load_idx %arg8[%get3A_191] : memref<10112xf32, #tpu.memory_space<vmem>>[vector<16xi32>], vector<16xf32>,
      %swap3A_193 = arith.constant 96 : index
      %swap3A_194 = tpu.vector_load %arg7[%swap3A_193] {strides = array<i32>} : memref<128xf32, #tpu.memory_space<vmem>>, vector<16xf32>,
      %swap3A_195 = vector.shape_cast %swap3A_194 : vector<16xf32> to vector<16xf32>
      %swap3A_196 = vector.shape_cast %gather3A_192 : vector<16xf32> to vector<16xf32>
      tpu.vector_store %arg7[%swap3A_193], %swap3A_196 {strides = array<i32>} : memref<128xf32, #tpu.memory_space<vmem>>, vector<16xf32>,
      %get3A_197 = arith.constant 0 : i32
      %get3A_198 = arith.index_cast %add3A_126 : i32 to index
      %get3A_199 = arith.index_cast %get3A_197 : i32 to index
      %get3A_200 = arith.constant 112 : index
      %get3A_201 = tpu.vector_load %arg5[%get3A_198, %get3A_199, %get3A_200] {strides = array<i32>} : memref<80x2x128xi32, #tpu.memory_space<vmem>>, vector<16xi32>,
      %gather3A_202 = tpu.vector_load_idx %arg8[%get3A_201] : memref<10112xf32, #tpu.memory_space<vmem>>[vector<16xi32>], vector<16xf32>,
      %swap3A_203 = arith.constant 112 : index
      %swap3A_204 = tpu.vector_load %arg7[%swap3A_203] {strides = array<i32>} : memref<128xf32, #tpu.memory_space<vmem>>, vector<16xf32>,
      %swap3A_205 = vector.shape_cast %swap3A_204 : vector<16xf32> to vector<16xf32>
      %swap3A_206 = vector.shape_cast %gather3A_202 : vector<16xf32> to vector<16xf32>
      tpu.vector_store %arg7[%swap3A_203], %swap3A_206 {strides = array<i32>} : memref<128xf32, #tpu.memory_space<vmem>>, vector<16xf32>,
      %ge3A_207 = arith.constant 2 : i32
      %ge3A_208 = arith.cmpi sge, %add3A_126, %ge3A_207 : i32
      %convert_element_type3A_209 = arith.extui %ge3A_208 : i1 to i32
      %cond3A_210 = arith.constant 0 : i32
      %cond3A_211 = arith.cmpi ne, %convert_element_type3A_209, %cond3A_210 : i32
      scf.if %cond3A_211 {
        %dma_wait3A_218 = arith.constant 0 : i32
        %dma_wait3A_219 = arith.constant 1 : i32
        %dma_wait3A_220 = arith.constant 0 : i32
        %dma_wait3A_221 = tpu.memref_slice %arg5[%dma_wait3A_218, %dma_wait3A_219, %dma_wait3A_220] : memref<80x2x128xi32, #tpu.memory_space<vmem>> -> memref<1x1x128xi32, #tpu.memory_space<vmem>>
        %dma_wait3A_222 = tpu.memref_squeeze %dma_wait3A_221 : memref<1x1x128xi32, #tpu.memory_space<vmem>> -> memref<128xi32, #tpu.memory_space<vmem>>
        %dma_wait3A_223 = arith.constant 0 : i32
        %dma_wait3A_224 = tpu.memref_slice %arg10[%dma_wait3A_223] : memref<10112xf32, #tpu.memory_space<vmem_shared>> -> memref<10112xf32, #tpu.memory_space<vmem_shared>>
        tpu.wait_indirect_dma semaphore(%arg12 : memref<!tpu.dma_semaphore, #tpu.memory_space<semaphore_mem>>) src(%arg7 : memref<128xf32, #tpu.memory_space<vmem>>) dst(%dma_wait3A_224 : memref<10112xf32, #tpu.memory_space<vmem_shared>>)
      } else {
      }
      %dma_start3A_212 = arith.constant 1 : i32
      %dma_start3A_213 = arith.constant 0 : i32
      %dma_start3A_214 = tpu.memref_slice %arg5[%add3A_126, %dma_start3A_212, %dma_start3A_213] : memref<80x2x128xi32, #tpu.memory_space<vmem>> -> memref<1x1x128xi32, #tpu.memory_space<vmem>>
      %dma_start3A_215 = tpu.memref_squeeze %dma_start3A_214 : memref<1x1x128xi32, #tpu.memory_space<vmem>> -> memref<128xi32, #tpu.memory_space<vmem>>
      %dma_start3A_216 = arith.constant 0 : i32
      %dma_start3A_217 = tpu.memref_slice %arg10[%dma_start3A_216] : memref<10112xf32, #tpu.memory_space<vmem_shared>> -> memref<10112xf32, #tpu.memory_space<vmem_shared>>
      tpu.enqueue_indirect_dma source(%arg7 : memref<128xf32, #tpu.memory_space<vmem>>) target(%dma_start3A_217 : memref<10112xf32, #tpu.memory_space<vmem_shared>>) offsets(%dma_start3A_215 : memref<128xi32, #tpu.memory_space<vmem>>) semaphore(%arg12 : memref<!tpu.dma_semaphore, #tpu.memory_space<semaphore_mem>>) {add = true}
    }
    %scan3A_16 = arith.constant 40 : i32
    %dma_wait3A = arith.constant 0 : i32
    %dma_wait3A_17 = arith.constant 1 : i32
    %dma_wait3A_18 = arith.constant 0 : i32
    %dma_wait3A_19 = tpu.memref_slice %arg5[%dma_wait3A, %dma_wait3A_17, %dma_wait3A_18] : memref<80x2x128xi32, #tpu.memory_space<vmem>> -> memref<1x1x128xi32, #tpu.memory_space<vmem>>
    %dma_wait3A_20 = tpu.memref_squeeze %dma_wait3A_19 : memref<1x1x128xi32, #tpu.memory_space<vmem>> -> memref<128xi32, #tpu.memory_space<vmem>>
    %dma_wait3A_21 = arith.constant 0 : i32
    %dma_wait3A_22 = tpu.memref_slice %arg10[%dma_wait3A_21] : memref<10112xf32, #tpu.memory_space<vmem_shared>> -> memref<10112xf32, #tpu.memory_space<vmem_shared>>
    tpu.wait_indirect_dma semaphore(%arg11 : memref<!tpu.dma_semaphore, #tpu.memory_space<semaphore_mem>>) src(%arg6 : memref<128xf32, #tpu.memory_space<vmem>>) dst(%dma_wait3A_22 : memref<10112xf32, #tpu.memory_space<vmem_shared>>)
    %dma_wait3A_23 = arith.constant 0 : i32
    %dma_wait3A_24 = arith.constant 1 : i32
    %dma_wait3A_25 = arith.constant 0 : i32
    %dma_wait3A_26 = tpu.memref_slice %arg5[%dma_wait3A_23, %dma_wait3A_24, %dma_wait3A_25] : memref<80x2x128xi32, #tpu.memory_space<vmem>> -> memref<1x1x128xi32, #tpu.memory_space<vmem>>
    %dma_wait3A_27 = tpu.memref_squeeze %dma_wait3A_26 : memref<1x1x128xi32, #tpu.memory_space<vmem>> -> memref<128xi32, #tpu.memory_space<vmem>>
    %dma_wait3A_28 = arith.constant 0 : i32
    %dma_wait3A_29 = tpu.memref_slice %arg10[%dma_wait3A_28] : memref<10112xf32, #tpu.memory_space<vmem_shared>> -> memref<10112xf32, #tpu.memory_space<vmem_shared>>
    tpu.wait_indirect_dma semaphore(%arg12 : memref<!tpu.dma_semaphore, #tpu.memory_space<semaphore_mem>>) src(%arg7 : memref<128xf32, #tpu.memory_space<vmem>>) dst(%dma_wait3A_29 : memref<10112xf32, #tpu.memory_space<vmem_shared>>)
    %barrier3A_30 = arith.constant 0 : index
    tpu.barrier barrier_id(%barrier3A_30)
    "tpu.region"() ({
      %run_scoped3A = tpu.sem_alloc : memref<!tpu.dma_semaphore, #tpu.memory_space<semaphore_mem>>
      %dma_start3A = tpu.memref_slice %arg10[%mul3A_2] : memref<10112xf32, #tpu.memory_space<vmem_shared>> -> memref<632xf32, #tpu.memory_space<vmem_shared>>
      %dma_start3A_34 = tpu.memref_slice %arg10[%mul3A_2] : memref<10112xf32, #tpu.memory_space<vmem_shared>> -> memref<632xf32, #tpu.memory_space<vmem_shared>>
      tpu.enqueue_dma source(%dma_start3A_34 : memref<632xf32, #tpu.memory_space<vmem_shared>>) target(%arg9 : memref<632xf32, #tpu.memory_space<vmem>>) target_semaphore(%run_scoped3A : memref<!tpu.dma_semaphore, #tpu.memory_space<semaphore_mem>>)
      %dma_wait3A_35 = tpu.memref_slice %arg10[%mul3A_2] : memref<10112xf32, #tpu.memory_space<vmem_shared>> -> memref<632xf32, #tpu.memory_space<vmem_shared>>
      %dma_wait3A_36 = tpu.memref_slice %arg10[%mul3A_2] : memref<10112xf32, #tpu.memory_space<vmem_shared>> -> memref<632xf32, #tpu.memory_space<vmem_shared>>
      tpu.wait_dma2 semaphore(%run_scoped3A : memref<!tpu.dma_semaphore, #tpu.memory_space<semaphore_mem>>) src(%dma_wait3A_36 : memref<632xf32, #tpu.memory_space<vmem_shared>>) dst(%arg9 : memref<632xf32, #tpu.memory_space<vmem>>)
      tpu.yield
    }) : () -> ()
    %mul3A_31 = arith.constant 10112 : i32
    %mul3A_32 = arith.muli %arg0, %mul3A_31 : i32
    %add3A_33 = arith.addi %mul3A_32, %mul3A_2 : i32
    "tpu.region"() ({
      %run_scoped3A = tpu.sem_alloc : memref<!tpu.dma_semaphore, #tpu.memory_space<semaphore_mem>>
      %dma_start3A = tpu.memref_slice %arg4[%add3A_33] : memref<20224xf32, #tpu.memory_space<hbm>> -> memref<632xf32, #tpu.memory_space<hbm>>
      %dma_start3A_34 = tpu.memref_slice %arg4[%add3A_33] : memref<20224xf32, #tpu.memory_space<hbm>> -> memref<632xf32, #tpu.memory_space<hbm>>
      tpu.enqueue_dma source(%arg9 : memref<632xf32, #tpu.memory_space<vmem>>) target(%dma_start3A_34 : memref<632xf32, #tpu.memory_space<hbm>>) target_semaphore(%run_scoped3A : memref<!tpu.dma_semaphore, #tpu.memory_space<semaphore_mem>>)
      %dma_wait3A_35 = tpu.memref_slice %arg4[%add3A_33] : memref<20224xf32, #tpu.memory_space<hbm>> -> memref<632xf32, #tpu.memory_space<hbm>>
      %dma_wait3A_36 = tpu.memref_slice %arg4[%add3A_33] : memref<20224xf32, #tpu.memory_space<hbm>> -> memref<632xf32, #tpu.memory_space<hbm>>
      tpu.wait_dma2 semaphore(%run_scoped3A : memref<!tpu.dma_semaphore, #tpu.memory_space<semaphore_mem>>) src(%arg9 : memref<632xf32, #tpu.memory_space<vmem>>) dst(%dma_wait3A_36 : memref<632xf32, #tpu.memory_space<hbm>>)
      tpu.yield
    }) : () -> ()
    return
  }
}

#map = affine_map<(d0, d1) -> (0, 0, 0)>
#map1 = affine_map<(d0, d1) -> (0)>
module attributes {stable_mosaic.version = 14 : i64} {
  func.func @_deg_kernel(%arg0: i32, %arg1: i32, %arg2: memref<2560x2x128xi32, #tpu.memory_space<hbm>>, %arg3: memref<20224xf32, #tpu.memory_space<hbm>>, %arg4: memref<80x2x128xi32, #tpu.memory_space<vmem>>, %arg5: memref<128xf32, #tpu.memory_space<vmem>>, %arg6: memref<632xf32, #tpu.memory_space<vmem>>, %arg7: memref<10112xf32, #tpu.memory_space<vmem_shared>>, %arg8: memref<!tpu.dma_semaphore, #tpu.memory_space<semaphore_mem>>) attributes {dimension_semantics = [#tpu.dimension_semantics<core_parallel>, #tpu.dimension_semantics<subcore_parallel>], iteration_bounds = array<i64: 2, 16>, scalar_prefetch = 0 : i64, scratch_operands = 5 : i64, tpu.core_type = #tpu.core_type<sc_vector_subcore>, window_params = [{transform_indices = #map}, {transform_indices = #map1}]} {
    %mul3A = arith.constant 2 : i32
    %mul3A_0 = arith.muli %arg1, %mul3A : i32
    %add3A = arith.addi %mul3A_0, %arg0 : i32
    %mul3A_1 = arith.constant 632 : i32
    %mul3A_2 = arith.muli %arg1, %mul3A_1 : i32
    %mul3A_3 = arith.constant 80 : i32
    %mul3A_4 = arith.muli %add3A, %mul3A_3 : i32
    "tpu.region"() ({
      %run_scoped3A = tpu.sem_alloc : memref<!tpu.dma_semaphore, #tpu.memory_space<semaphore_mem>>
      %dma_start3A = arith.constant 0 : i32
      %dma_start3A_216 = arith.constant 0 : i32
      %dma_start3A_217 = tpu.memref_slice %arg2[%mul3A_4, %dma_start3A, %dma_start3A_216] : memref<2560x2x128xi32, #tpu.memory_space<hbm>> -> memref<80x2x128xi32, #tpu.memory_space<hbm>>
      %dma_start3A_218 = arith.constant 0 : i32
      %dma_start3A_219 = arith.constant 0 : i32
      %dma_start3A_220 = tpu.memref_slice %arg2[%mul3A_4, %dma_start3A_218, %dma_start3A_219] : memref<2560x2x128xi32, #tpu.memory_space<hbm>> -> memref<80x2x128xi32, #tpu.memory_space<hbm>>
      tpu.enqueue_dma source(%dma_start3A_220 : memref<80x2x128xi32, #tpu.memory_space<hbm>>) target(%arg4 : memref<80x2x128xi32, #tpu.memory_space<vmem>>) target_semaphore(%run_scoped3A : memref<!tpu.dma_semaphore, #tpu.memory_space<semaphore_mem>>)
      %dma_wait3A = arith.constant 0 : i32
      %dma_wait3A_221 = arith.constant 0 : i32
      %dma_wait3A_222 = tpu.memref_slice %arg2[%mul3A_4, %dma_wait3A, %dma_wait3A_221] : memref<2560x2x128xi32, #tpu.memory_space<hbm>> -> memref<80x2x128xi32, #tpu.memory_space<hbm>>
      %dma_wait3A_223 = arith.constant 0 : i32
      %dma_wait3A_224 = arith.constant 0 : i32
      %dma_wait3A_225 = tpu.memref_slice %arg2[%mul3A_4, %dma_wait3A_223, %dma_wait3A_224] : memref<2560x2x128xi32, #tpu.memory_space<hbm>> -> memref<80x2x128xi32, #tpu.memory_space<hbm>>
      tpu.wait_dma2 semaphore(%run_scoped3A : memref<!tpu.dma_semaphore, #tpu.memory_space<semaphore_mem>>) src(%dma_wait3A_225 : memref<80x2x128xi32, #tpu.memory_space<hbm>>) dst(%arg4 : memref<80x2x128xi32, #tpu.memory_space<vmem>>)
      tpu.yield
    }) : () -> ()
    %broadcast_in_dim3A = arith.constant 1.000000e+00 : f32
    %broadcast_in_dim3A_5 = vector.broadcast %broadcast_in_dim3A : f32 to vector<16xf32>
    %swap3A = arith.constant 0 : index
    %swap3A_6 = tpu.vector_load %arg5[%swap3A] {strides = array<i32>} : memref<128xf32, #tpu.memory_space<vmem>>, vector<16xf32>,
    %swap3A_7 = vector.shape_cast %swap3A_6 : vector<16xf32> to vector<16xf32>
    %swap3A_8 = vector.shape_cast %broadcast_in_dim3A_5 : vector<16xf32> to vector<16xf32>
    tpu.vector_store %arg5[%swap3A], %swap3A_8 {strides = array<i32>} : memref<128xf32, #tpu.memory_space<vmem>>, vector<16xf32>,
    %swap3A_9 = arith.constant 16 : index
    %swap3A_10 = tpu.vector_load %arg5[%swap3A_9] {strides = array<i32>} : memref<128xf32, #tpu.memory_space<vmem>>, vector<16xf32>,
    %swap3A_11 = vector.shape_cast %swap3A_10 : vector<16xf32> to vector<16xf32>
    %swap3A_12 = vector.shape_cast %broadcast_in_dim3A_5 : vector<16xf32> to vector<16xf32>
    tpu.vector_store %arg5[%swap3A_9], %swap3A_12 {strides = array<i32>} : memref<128xf32, #tpu.memory_space<vmem>>, vector<16xf32>,
    %swap3A_13 = arith.constant 32 : index
    %swap3A_14 = tpu.vector_load %arg5[%swap3A_13] {strides = array<i32>} : memref<128xf32, #tpu.memory_space<vmem>>, vector<16xf32>,
    %swap3A_15 = vector.shape_cast %swap3A_14 : vector<16xf32> to vector<16xf32>
    %swap3A_16 = vector.shape_cast %broadcast_in_dim3A_5 : vector<16xf32> to vector<16xf32>
    tpu.vector_store %arg5[%swap3A_13], %swap3A_16 {strides = array<i32>} : memref<128xf32, #tpu.memory_space<vmem>>, vector<16xf32>,
    %swap3A_17 = arith.constant 48 : index
    %swap3A_18 = tpu.vector_load %arg5[%swap3A_17] {strides = array<i32>} : memref<128xf32, #tpu.memory_space<vmem>>, vector<16xf32>,
    %swap3A_19 = vector.shape_cast %swap3A_18 : vector<16xf32> to vector<16xf32>
    %swap3A_20 = vector.shape_cast %broadcast_in_dim3A_5 : vector<16xf32> to vector<16xf32>
    tpu.vector_store %arg5[%swap3A_17], %swap3A_20 {strides = array<i32>} : memref<128xf32, #tpu.memory_space<vmem>>, vector<16xf32>,
    %swap3A_21 = arith.constant 64 : index
    %swap3A_22 = tpu.vector_load %arg5[%swap3A_21] {strides = array<i32>} : memref<128xf32, #tpu.memory_space<vmem>>, vector<16xf32>,
    %swap3A_23 = vector.shape_cast %swap3A_22 : vector<16xf32> to vector<16xf32>
    %swap3A_24 = vector.shape_cast %broadcast_in_dim3A_5 : vector<16xf32> to vector<16xf32>
    tpu.vector_store %arg5[%swap3A_21], %swap3A_24 {strides = array<i32>} : memref<128xf32, #tpu.memory_space<vmem>>, vector<16xf32>,
    %swap3A_25 = arith.constant 80 : index
    %swap3A_26 = tpu.vector_load %arg5[%swap3A_25] {strides = array<i32>} : memref<128xf32, #tpu.memory_space<vmem>>, vector<16xf32>,
    %swap3A_27 = vector.shape_cast %swap3A_26 : vector<16xf32> to vector<16xf32>
    %swap3A_28 = vector.shape_cast %broadcast_in_dim3A_5 : vector<16xf32> to vector<16xf32>
    tpu.vector_store %arg5[%swap3A_25], %swap3A_28 {strides = array<i32>} : memref<128xf32, #tpu.memory_space<vmem>>, vector<16xf32>,
    %swap3A_29 = arith.constant 96 : index
    %swap3A_30 = tpu.vector_load %arg5[%swap3A_29] {strides = array<i32>} : memref<128xf32, #tpu.memory_space<vmem>>, vector<16xf32>,
    %swap3A_31 = vector.shape_cast %swap3A_30 : vector<16xf32> to vector<16xf32>
    %swap3A_32 = vector.shape_cast %broadcast_in_dim3A_5 : vector<16xf32> to vector<16xf32>
    tpu.vector_store %arg5[%swap3A_29], %swap3A_32 {strides = array<i32>} : memref<128xf32, #tpu.memory_space<vmem>>, vector<16xf32>,
    %swap3A_33 = arith.constant 112 : index
    %swap3A_34 = tpu.vector_load %arg5[%swap3A_33] {strides = array<i32>} : memref<128xf32, #tpu.memory_space<vmem>>, vector<16xf32>,
    %swap3A_35 = vector.shape_cast %swap3A_34 : vector<16xf32> to vector<16xf32>
    %swap3A_36 = vector.shape_cast %broadcast_in_dim3A_5 : vector<16xf32> to vector<16xf32>
    tpu.vector_store %arg5[%swap3A_33], %swap3A_36 {strides = array<i32>} : memref<128xf32, #tpu.memory_space<vmem>>, vector<16xf32>,
    %broadcast_in_dim3A_37 = arith.constant 0.000000e+00 : f32
    %broadcast_in_dim3A_38 = vector.broadcast %broadcast_in_dim3A_37 : f32 to vector<16xf32>
    %swap3A_39 = arith.constant 0 : index
    %swap3A_40 = tpu.vector_load %arg6[%swap3A_39] {strides = array<i32>} : memref<632xf32, #tpu.memory_space<vmem>>, vector<16xf32>,
    %swap3A_41 = vector.shape_cast %swap3A_40 : vector<16xf32> to vector<16xf32>
    %swap3A_42 = vector.shape_cast %broadcast_in_dim3A_38 : vector<16xf32> to vector<16xf32>
    tpu.vector_store %arg6[%swap3A_39], %swap3A_42 {strides = array<i32>} : memref<632xf32, #tpu.memory_space<vmem>>, vector<16xf32>,
    %swap3A_43 = arith.constant 16 : index
    %swap3A_44 = tpu.vector_load %arg6[%swap3A_43] {strides = array<i32>} : memref<632xf32, #tpu.memory_space<vmem>>, vector<16xf32>,
    %swap3A_45 = vector.shape_cast %swap3A_44 : vector<16xf32> to vector<16xf32>
    %swap3A_46 = vector.shape_cast %broadcast_in_dim3A_38 : vector<16xf32> to vector<16xf32>
    tpu.vector_store %arg6[%swap3A_43], %swap3A_46 {strides = array<i32>} : memref<632xf32, #tpu.memory_space<vmem>>, vector<16xf32>,
    %swap3A_47 = arith.constant 32 : index
    %swap3A_48 = tpu.vector_load %arg6[%swap3A_47] {strides = array<i32>} : memref<632xf32, #tpu.memory_space<vmem>>, vector<16xf32>,
    %swap3A_49 = vector.shape_cast %swap3A_48 : vector<16xf32> to vector<16xf32>
    %swap3A_50 = vector.shape_cast %broadcast_in_dim3A_38 : vector<16xf32> to vector<16xf32>
    tpu.vector_store %arg6[%swap3A_47], %swap3A_50 {strides = array<i32>} : memref<632xf32, #tpu.memory_space<vmem>>, vector<16xf32>,
    %swap3A_51 = arith.constant 48 : index
    %swap3A_52 = tpu.vector_load %arg6[%swap3A_51] {strides = array<i32>} : memref<632xf32, #tpu.memory_space<vmem>>, vector<16xf32>,
    %swap3A_53 = vector.shape_cast %swap3A_52 : vector<16xf32> to vector<16xf32>
    %swap3A_54 = vector.shape_cast %broadcast_in_dim3A_38 : vector<16xf32> to vector<16xf32>
    tpu.vector_store %arg6[%swap3A_51], %swap3A_54 {strides = array<i32>} : memref<632xf32, #tpu.memory_space<vmem>>, vector<16xf32>,
    %swap3A_55 = arith.constant 64 : index
    %swap3A_56 = tpu.vector_load %arg6[%swap3A_55] {strides = array<i32>} : memref<632xf32, #tpu.memory_space<vmem>>, vector<16xf32>,
    %swap3A_57 = vector.shape_cast %swap3A_56 : vector<16xf32> to vector<16xf32>
    %swap3A_58 = vector.shape_cast %broadcast_in_dim3A_38 : vector<16xf32> to vector<16xf32>
    tpu.vector_store %arg6[%swap3A_55], %swap3A_58 {strides = array<i32>} : memref<632xf32, #tpu.memory_space<vmem>>, vector<16xf32>,
    %swap3A_59 = arith.constant 80 : index
    %swap3A_60 = tpu.vector_load %arg6[%swap3A_59] {strides = array<i32>} : memref<632xf32, #tpu.memory_space<vmem>>, vector<16xf32>,
    %swap3A_61 = vector.shape_cast %swap3A_60 : vector<16xf32> to vector<16xf32>
    %swap3A_62 = vector.shape_cast %broadcast_in_dim3A_38 : vector<16xf32> to vector<16xf32>
    tpu.vector_store %arg6[%swap3A_59], %swap3A_62 {strides = array<i32>} : memref<632xf32, #tpu.memory_space<vmem>>, vector<16xf32>,
    %swap3A_63 = arith.constant 96 : index
    %swap3A_64 = tpu.vector_load %arg6[%swap3A_63] {strides = array<i32>} : memref<632xf32, #tpu.memory_space<vmem>>, vector<16xf32>,
    %swap3A_65 = vector.shape_cast %swap3A_64 : vector<16xf32> to vector<16xf32>
    %swap3A_66 = vector.shape_cast %broadcast_in_dim3A_38 : vector<16xf32> to vector<16xf32>
    tpu.vector_store %arg6[%swap3A_63], %swap3A_66 {strides = array<i32>} : memref<632xf32, #tpu.memory_space<vmem>>, vector<16xf32>,
    %swap3A_67 = arith.constant 112 : index
    %swap3A_68 = tpu.vector_load %arg6[%swap3A_67] {strides = array<i32>} : memref<632xf32, #tpu.memory_space<vmem>>, vector<16xf32>,
    %swap3A_69 = vector.shape_cast %swap3A_68 : vector<16xf32> to vector<16xf32>
    %swap3A_70 = vector.shape_cast %broadcast_in_dim3A_38 : vector<16xf32> to vector<16xf32>
    tpu.vector_store %arg6[%swap3A_67], %swap3A_70 {strides = array<i32>} : memref<632xf32, #tpu.memory_space<vmem>>, vector<16xf32>,
    %swap3A_71 = arith.constant 128 : index
    %swap3A_72 = tpu.vector_load %arg6[%swap3A_71] {strides = array<i32>} : memref<632xf32, #tpu.memory_space<vmem>>, vector<16xf32>,
    %swap3A_73 = vector.shape_cast %swap3A_72 : vector<16xf32> to vector<16xf32>
    %swap3A_74 = vector.shape_cast %broadcast_in_dim3A_38 : vector<16xf32> to vector<16xf32>
    tpu.vector_store %arg6[%swap3A_71], %swap3A_74 {strides = array<i32>} : memref<632xf32, #tpu.memory_space<vmem>>, vector<16xf32>,
    %swap3A_75 = arith.constant 144 : index
    %swap3A_76 = tpu.vector_load %arg6[%swap3A_75] {strides = array<i32>} : memref<632xf32, #tpu.memory_space<vmem>>, vector<16xf32>,
    %swap3A_77 = vector.shape_cast %swap3A_76 : vector<16xf32> to vector<16xf32>
    %swap3A_78 = vector.shape_cast %broadcast_in_dim3A_38 : vector<16xf32> to vector<16xf32>
    tpu.vector_store %arg6[%swap3A_75], %swap3A_78 {strides = array<i32>} : memref<632xf32, #tpu.memory_space<vmem>>, vector<16xf32>,
    %swap3A_79 = arith.constant 160 : index
    %swap3A_80 = tpu.vector_load %arg6[%swap3A_79] {strides = array<i32>} : memref<632xf32, #tpu.memory_space<vmem>>, vector<16xf32>,
    %swap3A_81 = vector.shape_cast %swap3A_80 : vector<16xf32> to vector<16xf32>
    %swap3A_82 = vector.shape_cast %broadcast_in_dim3A_38 : vector<16xf32> to vector<16xf32>
    tpu.vector_store %arg6[%swap3A_79], %swap3A_82 {strides = array<i32>} : memref<632xf32, #tpu.memory_space<vmem>>, vector<16xf32>,
    %swap3A_83 = arith.constant 176 : index
    %swap3A_84 = tpu.vector_load %arg6[%swap3A_83] {strides = array<i32>} : memref<632xf32, #tpu.memory_space<vmem>>, vector<16xf32>,
    %swap3A_85 = vector.shape_cast %swap3A_84 : vector<16xf32> to vector<16xf32>
    %swap3A_86 = vector.shape_cast %broadcast_in_dim3A_38 : vector<16xf32> to vector<16xf32>
    tpu.vector_store %arg6[%swap3A_83], %swap3A_86 {strides = array<i32>} : memref<632xf32, #tpu.memory_space<vmem>>, vector<16xf32>,
    %swap3A_87 = arith.constant 192 : index
    %swap3A_88 = tpu.vector_load %arg6[%swap3A_87] {strides = array<i32>} : memref<632xf32, #tpu.memory_space<vmem>>, vector<16xf32>,
    %swap3A_89 = vector.shape_cast %swap3A_88 : vector<16xf32> to vector<16xf32>
    %swap3A_90 = vector.shape_cast %broadcast_in_dim3A_38 : vector<16xf32> to vector<16xf32>
    tpu.vector_store %arg6[%swap3A_87], %swap3A_90 {strides = array<i32>} : memref<632xf32, #tpu.memory_space<vmem>>, vector<16xf32>,
    %swap3A_91 = arith.constant 208 : index
    %swap3A_92 = tpu.vector_load %arg6[%swap3A_91] {strides = array<i32>} : memref<632xf32, #tpu.memory_space<vmem>>, vector<16xf32>,
    %swap3A_93 = vector.shape_cast %swap3A_92 : vector<16xf32> to vector<16xf32>
    %swap3A_94 = vector.shape_cast %broadcast_in_dim3A_38 : vector<16xf32> to vector<16xf32>
    tpu.vector_store %arg6[%swap3A_91], %swap3A_94 {strides = array<i32>} : memref<632xf32, #tpu.memory_space<vmem>>, vector<16xf32>,
    %swap3A_95 = arith.constant 224 : index
    %swap3A_96 = tpu.vector_load %arg6[%swap3A_95] {strides = array<i32>} : memref<632xf32, #tpu.memory_space<vmem>>, vector<16xf32>,
    %swap3A_97 = vector.shape_cast %swap3A_96 : vector<16xf32> to vector<16xf32>
    %swap3A_98 = vector.shape_cast %broadcast_in_dim3A_38 : vector<16xf32> to vector<16xf32>
    tpu.vector_store %arg6[%swap3A_95], %swap3A_98 {strides = array<i32>} : memref<632xf32, #tpu.memory_space<vmem>>, vector<16xf32>,
    %swap3A_99 = arith.constant 240 : index
    %swap3A_100 = tpu.vector_load %arg6[%swap3A_99] {strides = array<i32>} : memref<632xf32, #tpu.memory_space<vmem>>, vector<16xf32>,
    %swap3A_101 = vector.shape_cast %swap3A_100 : vector<16xf32> to vector<16xf32>
    %swap3A_102 = vector.shape_cast %broadcast_in_dim3A_38 : vector<16xf32> to vector<16xf32>
    tpu.vector_store %arg6[%swap3A_99], %swap3A_102 {strides = array<i32>} : memref<632xf32, #tpu.memory_space<vmem>>, vector<16xf32>,
    %swap3A_103 = arith.constant 256 : index
    %swap3A_104 = tpu.vector_load %arg6[%swap3A_103] {strides = array<i32>} : memref<632xf32, #tpu.memory_space<vmem>>, vector<16xf32>,
    %swap3A_105 = vector.shape_cast %swap3A_104 : vector<16xf32> to vector<16xf32>
    %swap3A_106 = vector.shape_cast %broadcast_in_dim3A_38 : vector<16xf32> to vector<16xf32>
    tpu.vector_store %arg6[%swap3A_103], %swap3A_106 {strides = array<i32>} : memref<632xf32, #tpu.memory_space<vmem>>, vector<16xf32>,
    %swap3A_107 = arith.constant 272 : index
    %swap3A_108 = tpu.vector_load %arg6[%swap3A_107] {strides = array<i32>} : memref<632xf32, #tpu.memory_space<vmem>>, vector<16xf32>,
    %swap3A_109 = vector.shape_cast %swap3A_108 : vector<16xf32> to vector<16xf32>
    %swap3A_110 = vector.shape_cast %broadcast_in_dim3A_38 : vector<16xf32> to vector<16xf32>
    tpu.vector_store %arg6[%swap3A_107], %swap3A_110 {strides = array<i32>} : memref<632xf32, #tpu.memory_space<vmem>>, vector<16xf32>,
    %swap3A_111 = arith.constant 288 : index
    %swap3A_112 = tpu.vector_load %arg6[%swap3A_111] {strides = array<i32>} : memref<632xf32, #tpu.memory_space<vmem>>, vector<16xf32>,
    %swap3A_113 = vector.shape_cast %swap3A_112 : vector<16xf32> to vector<16xf32>
    %swap3A_114 = vector.shape_cast %broadcast_in_dim3A_38 : vector<16xf32> to vector<16xf32>
    tpu.vector_store %arg6[%swap3A_111], %swap3A_114 {strides = array<i32>} : memref<632xf32, #tpu.memory_space<vmem>>, vector<16xf32>,
    %swap3A_115 = arith.constant 304 : index
    %swap3A_116 = tpu.vector_load %arg6[%swap3A_115] {strides = array<i32>} : memref<632xf32, #tpu.memory_space<vmem>>, vector<16xf32>,
    %swap3A_117 = vector.shape_cast %swap3A_116 : vector<16xf32> to vector<16xf32>
    %swap3A_118 = vector.shape_cast %broadcast_in_dim3A_38 : vector<16xf32> to vector<16xf32>
    tpu.vector_store %arg6[%swap3A_115], %swap3A_118 {strides = array<i32>} : memref<632xf32, #tpu.memory_space<vmem>>, vector<16xf32>,
    %swap3A_119 = arith.constant 320 : index
    %swap3A_120 = tpu.vector_load %arg6[%swap3A_119] {strides = array<i32>} : memref<632xf32, #tpu.memory_space<vmem>>, vector<16xf32>,
    %swap3A_121 = vector.shape_cast %swap3A_120 : vector<16xf32> to vector<16xf32>
    %swap3A_122 = vector.shape_cast %broadcast_in_dim3A_38 : vector<16xf32> to vector<16xf32>
    tpu.vector_store %arg6[%swap3A_119], %swap3A_122 {strides = array<i32>} : memref<632xf32, #tpu.memory_space<vmem>>, vector<16xf32>,
    %swap3A_123 = arith.constant 336 : index
    %swap3A_124 = tpu.vector_load %arg6[%swap3A_123] {strides = array<i32>} : memref<632xf32, #tpu.memory_space<vmem>>, vector<16xf32>,
    %swap3A_125 = vector.shape_cast %swap3A_124 : vector<16xf32> to vector<16xf32>
    %swap3A_126 = vector.shape_cast %broadcast_in_dim3A_38 : vector<16xf32> to vector<16xf32>
    tpu.vector_store %arg6[%swap3A_123], %swap3A_126 {strides = array<i32>} : memref<632xf32, #tpu.memory_space<vmem>>, vector<16xf32>,
    %swap3A_127 = arith.constant 352 : index
    %swap3A_128 = tpu.vector_load %arg6[%swap3A_127] {strides = array<i32>} : memref<632xf32, #tpu.memory_space<vmem>>, vector<16xf32>,
    %swap3A_129 = vector.shape_cast %swap3A_128 : vector<16xf32> to vector<16xf32>
    %swap3A_130 = vector.shape_cast %broadcast_in_dim3A_38 : vector<16xf32> to vector<16xf32>
    tpu.vector_store %arg6[%swap3A_127], %swap3A_130 {strides = array<i32>} : memref<632xf32, #tpu.memory_space<vmem>>, vector<16xf32>,
    %swap3A_131 = arith.constant 368 : index
    %swap3A_132 = tpu.vector_load %arg6[%swap3A_131] {strides = array<i32>} : memref<632xf32, #tpu.memory_space<vmem>>, vector<16xf32>,
    %swap3A_133 = vector.shape_cast %swap3A_132 : vector<16xf32> to vector<16xf32>
    %swap3A_134 = vector.shape_cast %broadcast_in_dim3A_38 : vector<16xf32> to vector<16xf32>
    tpu.vector_store %arg6[%swap3A_131], %swap3A_134 {strides = array<i32>} : memref<632xf32, #tpu.memory_space<vmem>>, vector<16xf32>,
    %swap3A_135 = arith.constant 384 : index
    %swap3A_136 = tpu.vector_load %arg6[%swap3A_135] {strides = array<i32>} : memref<632xf32, #tpu.memory_space<vmem>>, vector<16xf32>,
    %swap3A_137 = vector.shape_cast %swap3A_136 : vector<16xf32> to vector<16xf32>
    %swap3A_138 = vector.shape_cast %broadcast_in_dim3A_38 : vector<16xf32> to vector<16xf32>
    tpu.vector_store %arg6[%swap3A_135], %swap3A_138 {strides = array<i32>} : memref<632xf32, #tpu.memory_space<vmem>>, vector<16xf32>,
    %swap3A_139 = arith.constant 400 : index
    %swap3A_140 = tpu.vector_load %arg6[%swap3A_139] {strides = array<i32>} : memref<632xf32, #tpu.memory_space<vmem>>, vector<16xf32>,
    %swap3A_141 = vector.shape_cast %swap3A_140 : vector<16xf32> to vector<16xf32>
    %swap3A_142 = vector.shape_cast %broadcast_in_dim3A_38 : vector<16xf32> to vector<16xf32>
    tpu.vector_store %arg6[%swap3A_139], %swap3A_142 {strides = array<i32>} : memref<632xf32, #tpu.memory_space<vmem>>, vector<16xf32>,
    %swap3A_143 = arith.constant 416 : index
    %swap3A_144 = tpu.vector_load %arg6[%swap3A_143] {strides = array<i32>} : memref<632xf32, #tpu.memory_space<vmem>>, vector<16xf32>,
    %swap3A_145 = vector.shape_cast %swap3A_144 : vector<16xf32> to vector<16xf32>
    %swap3A_146 = vector.shape_cast %broadcast_in_dim3A_38 : vector<16xf32> to vector<16xf32>
    tpu.vector_store %arg6[%swap3A_143], %swap3A_146 {strides = array<i32>} : memref<632xf32, #tpu.memory_space<vmem>>, vector<16xf32>,
    %swap3A_147 = arith.constant 432 : index
    %swap3A_148 = tpu.vector_load %arg6[%swap3A_147] {strides = array<i32>} : memref<632xf32, #tpu.memory_space<vmem>>, vector<16xf32>,
    %swap3A_149 = vector.shape_cast %swap3A_148 : vector<16xf32> to vector<16xf32>
    %swap3A_150 = vector.shape_cast %broadcast_in_dim3A_38 : vector<16xf32> to vector<16xf32>
    tpu.vector_store %arg6[%swap3A_147], %swap3A_150 {strides = array<i32>} : memref<632xf32, #tpu.memory_space<vmem>>, vector<16xf32>,
    %swap3A_151 = arith.constant 448 : index
    %swap3A_152 = tpu.vector_load %arg6[%swap3A_151] {strides = array<i32>} : memref<632xf32, #tpu.memory_space<vmem>>, vector<16xf32>,
    %swap3A_153 = vector.shape_cast %swap3A_152 : vector<16xf32> to vector<16xf32>
    %swap3A_154 = vector.shape_cast %broadcast_in_dim3A_38 : vector<16xf32> to vector<16xf32>
    tpu.vector_store %arg6[%swap3A_151], %swap3A_154 {strides = array<i32>} : memref<632xf32, #tpu.memory_space<vmem>>, vector<16xf32>,
    %swap3A_155 = arith.constant 464 : index
    %swap3A_156 = tpu.vector_load %arg6[%swap3A_155] {strides = array<i32>} : memref<632xf32, #tpu.memory_space<vmem>>, vector<16xf32>,
    %swap3A_157 = vector.shape_cast %swap3A_156 : vector<16xf32> to vector<16xf32>
    %swap3A_158 = vector.shape_cast %broadcast_in_dim3A_38 : vector<16xf32> to vector<16xf32>
    tpu.vector_store %arg6[%swap3A_155], %swap3A_158 {strides = array<i32>} : memref<632xf32, #tpu.memory_space<vmem>>, vector<16xf32>,
    %swap3A_159 = arith.constant 480 : index
    %swap3A_160 = tpu.vector_load %arg6[%swap3A_159] {strides = array<i32>} : memref<632xf32, #tpu.memory_space<vmem>>, vector<16xf32>,
    %swap3A_161 = vector.shape_cast %swap3A_160 : vector<16xf32> to vector<16xf32>
    %swap3A_162 = vector.shape_cast %broadcast_in_dim3A_38 : vector<16xf32> to vector<16xf32>
    tpu.vector_store %arg6[%swap3A_159], %swap3A_162 {strides = array<i32>} : memref<632xf32, #tpu.memory_space<vmem>>, vector<16xf32>,
    %swap3A_163 = arith.constant 496 : index
    %swap3A_164 = tpu.vector_load %arg6[%swap3A_163] {strides = array<i32>} : memref<632xf32, #tpu.memory_space<vmem>>, vector<16xf32>,
    %swap3A_165 = vector.shape_cast %swap3A_164 : vector<16xf32> to vector<16xf32>
    %swap3A_166 = vector.shape_cast %broadcast_in_dim3A_38 : vector<16xf32> to vector<16xf32>
    tpu.vector_store %arg6[%swap3A_163], %swap3A_166 {strides = array<i32>} : memref<632xf32, #tpu.memory_space<vmem>>, vector<16xf32>,
    %swap3A_167 = arith.constant 512 : index
    %swap3A_168 = tpu.vector_load %arg6[%swap3A_167] {strides = array<i32>} : memref<632xf32, #tpu.memory_space<vmem>>, vector<16xf32>,
    %swap3A_169 = vector.shape_cast %swap3A_168 : vector<16xf32> to vector<16xf32>
    %swap3A_170 = vector.shape_cast %broadcast_in_dim3A_38 : vector<16xf32> to vector<16xf32>
    tpu.vector_store %arg6[%swap3A_167], %swap3A_170 {strides = array<i32>} : memref<632xf32, #tpu.memory_space<vmem>>, vector<16xf32>,
    %swap3A_171 = arith.constant 528 : index
    %swap3A_172 = tpu.vector_load %arg6[%swap3A_171] {strides = array<i32>} : memref<632xf32, #tpu.memory_space<vmem>>, vector<16xf32>,
    %swap3A_173 = vector.shape_cast %swap3A_172 : vector<16xf32> to vector<16xf32>
    %swap3A_174 = vector.shape_cast %broadcast_in_dim3A_38 : vector<16xf32> to vector<16xf32>
    tpu.vector_store %arg6[%swap3A_171], %swap3A_174 {strides = array<i32>} : memref<632xf32, #tpu.memory_space<vmem>>, vector<16xf32>,
    %swap3A_175 = arith.constant 544 : index
    %swap3A_176 = tpu.vector_load %arg6[%swap3A_175] {strides = array<i32>} : memref<632xf32, #tpu.memory_space<vmem>>, vector<16xf32>,
    %swap3A_177 = vector.shape_cast %swap3A_176 : vector<16xf32> to vector<16xf32>
    %swap3A_178 = vector.shape_cast %broadcast_in_dim3A_38 : vector<16xf32> to vector<16xf32>
    tpu.vector_store %arg6[%swap3A_175], %swap3A_178 {strides = array<i32>} : memref<632xf32, #tpu.memory_space<vmem>>, vector<16xf32>,
    %swap3A_179 = arith.constant 560 : index
    %swap3A_180 = tpu.vector_load %arg6[%swap3A_179] {strides = array<i32>} : memref<632xf32, #tpu.memory_space<vmem>>, vector<16xf32>,
    %swap3A_181 = vector.shape_cast %swap3A_180 : vector<16xf32> to vector<16xf32>
    %swap3A_182 = vector.shape_cast %broadcast_in_dim3A_38 : vector<16xf32> to vector<16xf32>
    tpu.vector_store %arg6[%swap3A_179], %swap3A_182 {strides = array<i32>} : memref<632xf32, #tpu.memory_space<vmem>>, vector<16xf32>,
    %swap3A_183 = arith.constant 576 : index
    %swap3A_184 = tpu.vector_load %arg6[%swap3A_183] {strides = array<i32>} : memref<632xf32, #tpu.memory_space<vmem>>, vector<16xf32>,
    %swap3A_185 = vector.shape_cast %swap3A_184 : vector<16xf32> to vector<16xf32>
    %swap3A_186 = vector.shape_cast %broadcast_in_dim3A_38 : vector<16xf32> to vector<16xf32>
    tpu.vector_store %arg6[%swap3A_183], %swap3A_186 {strides = array<i32>} : memref<632xf32, #tpu.memory_space<vmem>>, vector<16xf32>,
    %swap3A_187 = arith.constant 592 : index
    %swap3A_188 = tpu.vector_load %arg6[%swap3A_187] {strides = array<i32>} : memref<632xf32, #tpu.memory_space<vmem>>, vector<16xf32>,
    %swap3A_189 = vector.shape_cast %swap3A_188 : vector<16xf32> to vector<16xf32>
    %swap3A_190 = vector.shape_cast %broadcast_in_dim3A_38 : vector<16xf32> to vector<16xf32>
    tpu.vector_store %arg6[%swap3A_187], %swap3A_190 {strides = array<i32>} : memref<632xf32, #tpu.memory_space<vmem>>, vector<16xf32>,
    %swap3A_191 = arith.constant 608 : index
    %swap3A_192 = tpu.vector_load %arg6[%swap3A_191] {strides = array<i32>} : memref<632xf32, #tpu.memory_space<vmem>>, vector<16xf32>,
    %swap3A_193 = vector.shape_cast %swap3A_192 : vector<16xf32> to vector<16xf32>
    %swap3A_194 = vector.shape_cast %broadcast_in_dim3A_38 : vector<16xf32> to vector<16xf32>
    tpu.vector_store %arg6[%swap3A_191], %swap3A_194 {strides = array<i32>} : memref<632xf32, #tpu.memory_space<vmem>>, vector<16xf32>,
    %swap3A_195 = arith.constant 616 : index
    %swap3A_196 = tpu.vector_load %arg6[%swap3A_195] {strides = array<i32>} : memref<632xf32, #tpu.memory_space<vmem>>, vector<16xf32>,
    %swap3A_197 = vector.shape_cast %swap3A_196 : vector<16xf32> to vector<16xf32>
    %swap3A_198 = vector.shape_cast %broadcast_in_dim3A_38 : vector<16xf32> to vector<16xf32>
    tpu.vector_store %arg6[%swap3A_195], %swap3A_198 {strides = array<i32>} : memref<632xf32, #tpu.memory_space<vmem>>, vector<16xf32>,
    %eq3A = arith.constant 0 : i32
    %eq3A_199 = arith.cmpi eq, %arg0, %eq3A : i32
    %convert_element_type3A = arith.extui %eq3A_199 : i1 to i32
    %cond3A = arith.constant 0 : i32
    %cond3A_200 = arith.cmpi ne, %convert_element_type3A, %cond3A : i32
    scf.if %cond3A_200 {
      %broadcast_in_dim3A_216 = arith.constant 1.000000e+00 : f32
      %broadcast_in_dim3A_217 = vector.broadcast %broadcast_in_dim3A_216 : f32 to vector<16xf32>
      %swap3A_218 = arith.constant 0 : index
      %swap3A_219 = tpu.vector_load %arg6[%swap3A_218] {strides = array<i32>} : memref<632xf32, #tpu.memory_space<vmem>>, vector<16xf32>,
      %swap3A_220 = vector.shape_cast %swap3A_219 : vector<16xf32> to vector<16xf32>
      %swap3A_221 = vector.shape_cast %broadcast_in_dim3A_217 : vector<16xf32> to vector<16xf32>
      tpu.vector_store %arg6[%swap3A_218], %swap3A_221 {strides = array<i32>} : memref<632xf32, #tpu.memory_space<vmem>>, vector<16xf32>,
      %swap3A_222 = arith.constant 16 : index
      %swap3A_223 = tpu.vector_load %arg6[%swap3A_222] {strides = array<i32>} : memref<632xf32, #tpu.memory_space<vmem>>, vector<16xf32>,
      %swap3A_224 = vector.shape_cast %swap3A_223 : vector<16xf32> to vector<16xf32>
      %swap3A_225 = vector.shape_cast %broadcast_in_dim3A_217 : vector<16xf32> to vector<16xf32>
      tpu.vector_store %arg6[%swap3A_222], %swap3A_225 {strides = array<i32>} : memref<632xf32, #tpu.memory_space<vmem>>, vector<16xf32>,
      %swap3A_226 = arith.constant 32 : index
      %swap3A_227 = tpu.vector_load %arg6[%swap3A_226] {strides = array<i32>} : memref<632xf32, #tpu.memory_space<vmem>>, vector<16xf32>,
      %swap3A_228 = vector.shape_cast %swap3A_227 : vector<16xf32> to vector<16xf32>
      %swap3A_229 = vector.shape_cast %broadcast_in_dim3A_217 : vector<16xf32> to vector<16xf32>
      tpu.vector_store %arg6[%swap3A_226], %swap3A_229 {strides = array<i32>} : memref<632xf32, #tpu.memory_space<vmem>>, vector<16xf32>,
      %swap3A_230 = arith.constant 48 : index
      %swap3A_231 = tpu.vector_load %arg6[%swap3A_230] {strides = array<i32>} : memref<632xf32, #tpu.memory_space<vmem>>, vector<16xf32>,
      %swap3A_232 = vector.shape_cast %swap3A_231 : vector<16xf32> to vector<16xf32>
      %swap3A_233 = vector.shape_cast %broadcast_in_dim3A_217 : vector<16xf32> to vector<16xf32>
      tpu.vector_store %arg6[%swap3A_230], %swap3A_233 {strides = array<i32>} : memref<632xf32, #tpu.memory_space<vmem>>, vector<16xf32>,
      %swap3A_234 = arith.constant 64 : index
      %swap3A_235 = tpu.vector_load %arg6[%swap3A_234] {strides = array<i32>} : memref<632xf32, #tpu.memory_space<vmem>>, vector<16xf32>,
      %swap3A_236 = vector.shape_cast %swap3A_235 : vector<16xf32> to vector<16xf32>
      %swap3A_237 = vector.shape_cast %broadcast_in_dim3A_217 : vector<16xf32> to vector<16xf32>
      tpu.vector_store %arg6[%swap3A_234], %swap3A_237 {strides = array<i32>} : memref<632xf32, #tpu.memory_space<vmem>>, vector<16xf32>,
      %swap3A_238 = arith.constant 80 : index
      %swap3A_239 = tpu.vector_load %arg6[%swap3A_238] {strides = array<i32>} : memref<632xf32, #tpu.memory_space<vmem>>, vector<16xf32>,
      %swap3A_240 = vector.shape_cast %swap3A_239 : vector<16xf32> to vector<16xf32>
      %swap3A_241 = vector.shape_cast %broadcast_in_dim3A_217 : vector<16xf32> to vector<16xf32>
      tpu.vector_store %arg6[%swap3A_238], %swap3A_241 {strides = array<i32>} : memref<632xf32, #tpu.memory_space<vmem>>, vector<16xf32>,
      %swap3A_242 = arith.constant 96 : index
      %swap3A_243 = tpu.vector_load %arg6[%swap3A_242] {strides = array<i32>} : memref<632xf32, #tpu.memory_space<vmem>>, vector<16xf32>,
      %swap3A_244 = vector.shape_cast %swap3A_243 : vector<16xf32> to vector<16xf32>
      %swap3A_245 = vector.shape_cast %broadcast_in_dim3A_217 : vector<16xf32> to vector<16xf32>
      tpu.vector_store %arg6[%swap3A_242], %swap3A_245 {strides = array<i32>} : memref<632xf32, #tpu.memory_space<vmem>>, vector<16xf32>,
      %swap3A_246 = arith.constant 112 : index
      %swap3A_247 = tpu.vector_load %arg6[%swap3A_246] {strides = array<i32>} : memref<632xf32, #tpu.memory_space<vmem>>, vector<16xf32>,
      %swap3A_248 = vector.shape_cast %swap3A_247 : vector<16xf32> to vector<16xf32>
      %swap3A_249 = vector.shape_cast %broadcast_in_dim3A_217 : vector<16xf32> to vector<16xf32>
      tpu.vector_store %arg6[%swap3A_246], %swap3A_249 {strides = array<i32>} : memref<632xf32, #tpu.memory_space<vmem>>, vector<16xf32>,
      %swap3A_250 = arith.constant 128 : index
      %swap3A_251 = tpu.vector_load %arg6[%swap3A_250] {strides = array<i32>} : memref<632xf32, #tpu.memory_space<vmem>>, vector<16xf32>,
      %swap3A_252 = vector.shape_cast %swap3A_251 : vector<16xf32> to vector<16xf32>
      %swap3A_253 = vector.shape_cast %broadcast_in_dim3A_217 : vector<16xf32> to vector<16xf32>
      tpu.vector_store %arg6[%swap3A_250], %swap3A_253 {strides = array<i32>} : memref<632xf32, #tpu.memory_space<vmem>>, vector<16xf32>,
      %swap3A_254 = arith.constant 144 : index
      %swap3A_255 = tpu.vector_load %arg6[%swap3A_254] {strides = array<i32>} : memref<632xf32, #tpu.memory_space<vmem>>, vector<16xf32>,
      %swap3A_256 = vector.shape_cast %swap3A_255 : vector<16xf32> to vector<16xf32>
      %swap3A_257 = vector.shape_cast %broadcast_in_dim3A_217 : vector<16xf32> to vector<16xf32>
      tpu.vector_store %arg6[%swap3A_254], %swap3A_257 {strides = array<i32>} : memref<632xf32, #tpu.memory_space<vmem>>, vector<16xf32>,
      %swap3A_258 = arith.constant 160 : index
      %swap3A_259 = tpu.vector_load %arg6[%swap3A_258] {strides = array<i32>} : memref<632xf32, #tpu.memory_space<vmem>>, vector<16xf32>,
      %swap3A_260 = vector.shape_cast %swap3A_259 : vector<16xf32> to vector<16xf32>
      %swap3A_261 = vector.shape_cast %broadcast_in_dim3A_217 : vector<16xf32> to vector<16xf32>
      tpu.vector_store %arg6[%swap3A_258], %swap3A_261 {strides = array<i32>} : memref<632xf32, #tpu.memory_space<vmem>>, vector<16xf32>,
      %swap3A_262 = arith.constant 176 : index
      %swap3A_263 = tpu.vector_load %arg6[%swap3A_262] {strides = array<i32>} : memref<632xf32, #tpu.memory_space<vmem>>, vector<16xf32>,
      %swap3A_264 = vector.shape_cast %swap3A_263 : vector<16xf32> to vector<16xf32>
      %swap3A_265 = vector.shape_cast %broadcast_in_dim3A_217 : vector<16xf32> to vector<16xf32>
      tpu.vector_store %arg6[%swap3A_262], %swap3A_265 {strides = array<i32>} : memref<632xf32, #tpu.memory_space<vmem>>, vector<16xf32>,
      %swap3A_266 = arith.constant 192 : index
      %swap3A_267 = tpu.vector_load %arg6[%swap3A_266] {strides = array<i32>} : memref<632xf32, #tpu.memory_space<vmem>>, vector<16xf32>,
      %swap3A_268 = vector.shape_cast %swap3A_267 : vector<16xf32> to vector<16xf32>
      %swap3A_269 = vector.shape_cast %broadcast_in_dim3A_217 : vector<16xf32> to vector<16xf32>
      tpu.vector_store %arg6[%swap3A_266], %swap3A_269 {strides = array<i32>} : memref<632xf32, #tpu.memory_space<vmem>>, vector<16xf32>,
      %swap3A_270 = arith.constant 208 : index
      %swap3A_271 = tpu.vector_load %arg6[%swap3A_270] {strides = array<i32>} : memref<632xf32, #tpu.memory_space<vmem>>, vector<16xf32>,
      %swap3A_272 = vector.shape_cast %swap3A_271 : vector<16xf32> to vector<16xf32>
      %swap3A_273 = vector.shape_cast %broadcast_in_dim3A_217 : vector<16xf32> to vector<16xf32>
      tpu.vector_store %arg6[%swap3A_270], %swap3A_273 {strides = array<i32>} : memref<632xf32, #tpu.memory_space<vmem>>, vector<16xf32>,
      %swap3A_274 = arith.constant 224 : index
      %swap3A_275 = tpu.vector_load %arg6[%swap3A_274] {strides = array<i32>} : memref<632xf32, #tpu.memory_space<vmem>>, vector<16xf32>,
      %swap3A_276 = vector.shape_cast %swap3A_275 : vector<16xf32> to vector<16xf32>
      %swap3A_277 = vector.shape_cast %broadcast_in_dim3A_217 : vector<16xf32> to vector<16xf32>
      tpu.vector_store %arg6[%swap3A_274], %swap3A_277 {strides = array<i32>} : memref<632xf32, #tpu.memory_space<vmem>>, vector<16xf32>,
      %swap3A_278 = arith.constant 240 : index
      %swap3A_279 = tpu.vector_load %arg6[%swap3A_278] {strides = array<i32>} : memref<632xf32, #tpu.memory_space<vmem>>, vector<16xf32>,
      %swap3A_280 = vector.shape_cast %swap3A_279 : vector<16xf32> to vector<16xf32>
      %swap3A_281 = vector.shape_cast %broadcast_in_dim3A_217 : vector<16xf32> to vector<16xf32>
      tpu.vector_store %arg6[%swap3A_278], %swap3A_281 {strides = array<i32>} : memref<632xf32, #tpu.memory_space<vmem>>, vector<16xf32>,
      %swap3A_282 = arith.constant 256 : index
      %swap3A_283 = tpu.vector_load %arg6[%swap3A_282] {strides = array<i32>} : memref<632xf32, #tpu.memory_space<vmem>>, vector<16xf32>,
      %swap3A_284 = vector.shape_cast %swap3A_283 : vector<16xf32> to vector<16xf32>
      %swap3A_285 = vector.shape_cast %broadcast_in_dim3A_217 : vector<16xf32> to vector<16xf32>
      tpu.vector_store %arg6[%swap3A_282], %swap3A_285 {strides = array<i32>} : memref<632xf32, #tpu.memory_space<vmem>>, vector<16xf32>,
      %swap3A_286 = arith.constant 272 : index
      %swap3A_287 = tpu.vector_load %arg6[%swap3A_286] {strides = array<i32>} : memref<632xf32, #tpu.memory_space<vmem>>, vector<16xf32>,
      %swap3A_288 = vector.shape_cast %swap3A_287 : vector<16xf32> to vector<16xf32>
      %swap3A_289 = vector.shape_cast %broadcast_in_dim3A_217 : vector<16xf32> to vector<16xf32>
      tpu.vector_store %arg6[%swap3A_286], %swap3A_289 {strides = array<i32>} : memref<632xf32, #tpu.memory_space<vmem>>, vector<16xf32>,
      %swap3A_290 = arith.constant 288 : index
      %swap3A_291 = tpu.vector_load %arg6[%swap3A_290] {strides = array<i32>} : memref<632xf32, #tpu.memory_space<vmem>>, vector<16xf32>,
      %swap3A_292 = vector.shape_cast %swap3A_291 : vector<16xf32> to vector<16xf32>
      %swap3A_293 = vector.shape_cast %broadcast_in_dim3A_217 : vector<16xf32> to vector<16xf32>
      tpu.vector_store %arg6[%swap3A_290], %swap3A_293 {strides = array<i32>} : memref<632xf32, #tpu.memory_space<vmem>>, vector<16xf32>,
      %swap3A_294 = arith.constant 304 : index
      %swap3A_295 = tpu.vector_load %arg6[%swap3A_294] {strides = array<i32>} : memref<632xf32, #tpu.memory_space<vmem>>, vector<16xf32>,
      %swap3A_296 = vector.shape_cast %swap3A_295 : vector<16xf32> to vector<16xf32>
      %swap3A_297 = vector.shape_cast %broadcast_in_dim3A_217 : vector<16xf32> to vector<16xf32>
      tpu.vector_store %arg6[%swap3A_294], %swap3A_297 {strides = array<i32>} : memref<632xf32, #tpu.memory_space<vmem>>, vector<16xf32>,
      %swap3A_298 = arith.constant 320 : index
      %swap3A_299 = tpu.vector_load %arg6[%swap3A_298] {strides = array<i32>} : memref<632xf32, #tpu.memory_space<vmem>>, vector<16xf32>,
      %swap3A_300 = vector.shape_cast %swap3A_299 : vector<16xf32> to vector<16xf32>
      %swap3A_301 = vector.shape_cast %broadcast_in_dim3A_217 : vector<16xf32> to vector<16xf32>
      tpu.vector_store %arg6[%swap3A_298], %swap3A_301 {strides = array<i32>} : memref<632xf32, #tpu.memory_space<vmem>>, vector<16xf32>,
      %swap3A_302 = arith.constant 336 : index
      %swap3A_303 = tpu.vector_load %arg6[%swap3A_302] {strides = array<i32>} : memref<632xf32, #tpu.memory_space<vmem>>, vector<16xf32>,
      %swap3A_304 = vector.shape_cast %swap3A_303 : vector<16xf32> to vector<16xf32>
      %swap3A_305 = vector.shape_cast %broadcast_in_dim3A_217 : vector<16xf32> to vector<16xf32>
      tpu.vector_store %arg6[%swap3A_302], %swap3A_305 {strides = array<i32>} : memref<632xf32, #tpu.memory_space<vmem>>, vector<16xf32>,
      %swap3A_306 = arith.constant 352 : index
      %swap3A_307 = tpu.vector_load %arg6[%swap3A_306] {strides = array<i32>} : memref<632xf32, #tpu.memory_space<vmem>>, vector<16xf32>,
      %swap3A_308 = vector.shape_cast %swap3A_307 : vector<16xf32> to vector<16xf32>
      %swap3A_309 = vector.shape_cast %broadcast_in_dim3A_217 : vector<16xf32> to vector<16xf32>
      tpu.vector_store %arg6[%swap3A_306], %swap3A_309 {strides = array<i32>} : memref<632xf32, #tpu.memory_space<vmem>>, vector<16xf32>,
      %swap3A_310 = arith.constant 368 : index
      %swap3A_311 = tpu.vector_load %arg6[%swap3A_310] {strides = array<i32>} : memref<632xf32, #tpu.memory_space<vmem>>, vector<16xf32>,
      %swap3A_312 = vector.shape_cast %swap3A_311 : vector<16xf32> to vector<16xf32>
      %swap3A_313 = vector.shape_cast %broadcast_in_dim3A_217 : vector<16xf32> to vector<16xf32>
      tpu.vector_store %arg6[%swap3A_310], %swap3A_313 {strides = array<i32>} : memref<632xf32, #tpu.memory_space<vmem>>, vector<16xf32>,
      %swap3A_314 = arith.constant 384 : index
      %swap3A_315 = tpu.vector_load %arg6[%swap3A_314] {strides = array<i32>} : memref<632xf32, #tpu.memory_space<vmem>>, vector<16xf32>,
      %swap3A_316 = vector.shape_cast %swap3A_315 : vector<16xf32> to vector<16xf32>
      %swap3A_317 = vector.shape_cast %broadcast_in_dim3A_217 : vector<16xf32> to vector<16xf32>
      tpu.vector_store %arg6[%swap3A_314], %swap3A_317 {strides = array<i32>} : memref<632xf32, #tpu.memory_space<vmem>>, vector<16xf32>,
      %swap3A_318 = arith.constant 400 : index
      %swap3A_319 = tpu.vector_load %arg6[%swap3A_318] {strides = array<i32>} : memref<632xf32, #tpu.memory_space<vmem>>, vector<16xf32>,
      %swap3A_320 = vector.shape_cast %swap3A_319 : vector<16xf32> to vector<16xf32>
      %swap3A_321 = vector.shape_cast %broadcast_in_dim3A_217 : vector<16xf32> to vector<16xf32>
      tpu.vector_store %arg6[%swap3A_318], %swap3A_321 {strides = array<i32>} : memref<632xf32, #tpu.memory_space<vmem>>, vector<16xf32>,
      %swap3A_322 = arith.constant 416 : index
      %swap3A_323 = tpu.vector_load %arg6[%swap3A_322] {strides = array<i32>} : memref<632xf32, #tpu.memory_space<vmem>>, vector<16xf32>,
      %swap3A_324 = vector.shape_cast %swap3A_323 : vector<16xf32> to vector<16xf32>
      %swap3A_325 = vector.shape_cast %broadcast_in_dim3A_217 : vector<16xf32> to vector<16xf32>
      tpu.vector_store %arg6[%swap3A_322], %swap3A_325 {strides = array<i32>} : memref<632xf32, #tpu.memory_space<vmem>>, vector<16xf32>,
      %swap3A_326 = arith.constant 432 : index
      %swap3A_327 = tpu.vector_load %arg6[%swap3A_326] {strides = array<i32>} : memref<632xf32, #tpu.memory_space<vmem>>, vector<16xf32>,
      %swap3A_328 = vector.shape_cast %swap3A_327 : vector<16xf32> to vector<16xf32>
      %swap3A_329 = vector.shape_cast %broadcast_in_dim3A_217 : vector<16xf32> to vector<16xf32>
      tpu.vector_store %arg6[%swap3A_326], %swap3A_329 {strides = array<i32>} : memref<632xf32, #tpu.memory_space<vmem>>, vector<16xf32>,
      %swap3A_330 = arith.constant 448 : index
      %swap3A_331 = tpu.vector_load %arg6[%swap3A_330] {strides = array<i32>} : memref<632xf32, #tpu.memory_space<vmem>>, vector<16xf32>,
      %swap3A_332 = vector.shape_cast %swap3A_331 : vector<16xf32> to vector<16xf32>
      %swap3A_333 = vector.shape_cast %broadcast_in_dim3A_217 : vector<16xf32> to vector<16xf32>
      tpu.vector_store %arg6[%swap3A_330], %swap3A_333 {strides = array<i32>} : memref<632xf32, #tpu.memory_space<vmem>>, vector<16xf32>,
      %swap3A_334 = arith.constant 464 : index
      %swap3A_335 = tpu.vector_load %arg6[%swap3A_334] {strides = array<i32>} : memref<632xf32, #tpu.memory_space<vmem>>, vector<16xf32>,
      %swap3A_336 = vector.shape_cast %swap3A_335 : vector<16xf32> to vector<16xf32>
      %swap3A_337 = vector.shape_cast %broadcast_in_dim3A_217 : vector<16xf32> to vector<16xf32>
      tpu.vector_store %arg6[%swap3A_334], %swap3A_337 {strides = array<i32>} : memref<632xf32, #tpu.memory_space<vmem>>, vector<16xf32>,
      %swap3A_338 = arith.constant 480 : index
      %swap3A_339 = tpu.vector_load %arg6[%swap3A_338] {strides = array<i32>} : memref<632xf32, #tpu.memory_space<vmem>>, vector<16xf32>,
      %swap3A_340 = vector.shape_cast %swap3A_339 : vector<16xf32> to vector<16xf32>
      %swap3A_341 = vector.shape_cast %broadcast_in_dim3A_217 : vector<16xf32> to vector<16xf32>
      tpu.vector_store %arg6[%swap3A_338], %swap3A_341 {strides = array<i32>} : memref<632xf32, #tpu.memory_space<vmem>>, vector<16xf32>,
      %swap3A_342 = arith.constant 496 : index
      %swap3A_343 = tpu.vector_load %arg6[%swap3A_342] {strides = array<i32>} : memref<632xf32, #tpu.memory_space<vmem>>, vector<16xf32>,
      %swap3A_344 = vector.shape_cast %swap3A_343 : vector<16xf32> to vector<16xf32>
      %swap3A_345 = vector.shape_cast %broadcast_in_dim3A_217 : vector<16xf32> to vector<16xf32>
      tpu.vector_store %arg6[%swap3A_342], %swap3A_345 {strides = array<i32>} : memref<632xf32, #tpu.memory_space<vmem>>, vector<16xf32>,
      %swap3A_346 = arith.constant 512 : index
      %swap3A_347 = tpu.vector_load %arg6[%swap3A_346] {strides = array<i32>} : memref<632xf32, #tpu.memory_space<vmem>>, vector<16xf32>,
      %swap3A_348 = vector.shape_cast %swap3A_347 : vector<16xf32> to vector<16xf32>
      %swap3A_349 = vector.shape_cast %broadcast_in_dim3A_217 : vector<16xf32> to vector<16xf32>
      tpu.vector_store %arg6[%swap3A_346], %swap3A_349 {strides = array<i32>} : memref<632xf32, #tpu.memory_space<vmem>>, vector<16xf32>,
      %swap3A_350 = arith.constant 528 : index
      %swap3A_351 = tpu.vector_load %arg6[%swap3A_350] {strides = array<i32>} : memref<632xf32, #tpu.memory_space<vmem>>, vector<16xf32>,
      %swap3A_352 = vector.shape_cast %swap3A_351 : vector<16xf32> to vector<16xf32>
      %swap3A_353 = vector.shape_cast %broadcast_in_dim3A_217 : vector<16xf32> to vector<16xf32>
      tpu.vector_store %arg6[%swap3A_350], %swap3A_353 {strides = array<i32>} : memref<632xf32, #tpu.memory_space<vmem>>, vector<16xf32>,
      %swap3A_354 = arith.constant 544 : index
      %swap3A_355 = tpu.vector_load %arg6[%swap3A_354] {strides = array<i32>} : memref<632xf32, #tpu.memory_space<vmem>>, vector<16xf32>,
      %swap3A_356 = vector.shape_cast %swap3A_355 : vector<16xf32> to vector<16xf32>
      %swap3A_357 = vector.shape_cast %broadcast_in_dim3A_217 : vector<16xf32> to vector<16xf32>
      tpu.vector_store %arg6[%swap3A_354], %swap3A_357 {strides = array<i32>} : memref<632xf32, #tpu.memory_space<vmem>>, vector<16xf32>,
      %swap3A_358 = arith.constant 560 : index
      %swap3A_359 = tpu.vector_load %arg6[%swap3A_358] {strides = array<i32>} : memref<632xf32, #tpu.memory_space<vmem>>, vector<16xf32>,
      %swap3A_360 = vector.shape_cast %swap3A_359 : vector<16xf32> to vector<16xf32>
      %swap3A_361 = vector.shape_cast %broadcast_in_dim3A_217 : vector<16xf32> to vector<16xf32>
      tpu.vector_store %arg6[%swap3A_358], %swap3A_361 {strides = array<i32>} : memref<632xf32, #tpu.memory_space<vmem>>, vector<16xf32>,
      %swap3A_362 = arith.constant 576 : index
      %swap3A_363 = tpu.vector_load %arg6[%swap3A_362] {strides = array<i32>} : memref<632xf32, #tpu.memory_space<vmem>>, vector<16xf32>,
      %swap3A_364 = vector.shape_cast %swap3A_363 : vector<16xf32> to vector<16xf32>
      %swap3A_365 = vector.shape_cast %broadcast_in_dim3A_217 : vector<16xf32> to vector<16xf32>
      tpu.vector_store %arg6[%swap3A_362], %swap3A_365 {strides = array<i32>} : memref<632xf32, #tpu.memory_space<vmem>>, vector<16xf32>,
      %swap3A_366 = arith.constant 592 : index
      %swap3A_367 = tpu.vector_load %arg6[%swap3A_366] {strides = array<i32>} : memref<632xf32, #tpu.memory_space<vmem>>, vector<16xf32>,
      %swap3A_368 = vector.shape_cast %swap3A_367 : vector<16xf32> to vector<16xf32>
      %swap3A_369 = vector.shape_cast %broadcast_in_dim3A_217 : vector<16xf32> to vector<16xf32>
      tpu.vector_store %arg6[%swap3A_366], %swap3A_369 {strides = array<i32>} : memref<632xf32, #tpu.memory_space<vmem>>, vector<16xf32>,
      %swap3A_370 = arith.constant 608 : index
      %swap3A_371 = tpu.vector_load %arg6[%swap3A_370] {strides = array<i32>} : memref<632xf32, #tpu.memory_space<vmem>>, vector<16xf32>,
      %swap3A_372 = vector.shape_cast %swap3A_371 : vector<16xf32> to vector<16xf32>
      %swap3A_373 = vector.shape_cast %broadcast_in_dim3A_217 : vector<16xf32> to vector<16xf32>
      tpu.vector_store %arg6[%swap3A_370], %swap3A_373 {strides = array<i32>} : memref<632xf32, #tpu.memory_space<vmem>>, vector<16xf32>,
      %swap3A_374 = arith.constant 616 : index
      %swap3A_375 = tpu.vector_load %arg6[%swap3A_374] {strides = array<i32>} : memref<632xf32, #tpu.memory_space<vmem>>, vector<16xf32>,
      %swap3A_376 = vector.shape_cast %swap3A_375 : vector<16xf32> to vector<16xf32>
      %swap3A_377 = vector.shape_cast %broadcast_in_dim3A_217 : vector<16xf32> to vector<16xf32>
      tpu.vector_store %arg6[%swap3A_374], %swap3A_377 {strides = array<i32>} : memref<632xf32, #tpu.memory_space<vmem>>, vector<16xf32>,
    } else {
    }
    "tpu.region"() ({
      %run_scoped3A = tpu.sem_alloc : memref<!tpu.dma_semaphore, #tpu.memory_space<semaphore_mem>>
      %dma_start3A = tpu.memref_slice %arg7[%mul3A_2] : memref<10112xf32, #tpu.memory_space<vmem_shared>> -> memref<632xf32, #tpu.memory_space<vmem_shared>>
      %dma_start3A_216 = tpu.memref_slice %arg7[%mul3A_2] : memref<10112xf32, #tpu.memory_space<vmem_shared>> -> memref<632xf32, #tpu.memory_space<vmem_shared>>
      tpu.enqueue_dma source(%arg6 : memref<632xf32, #tpu.memory_space<vmem>>) target(%dma_start3A_216 : memref<632xf32, #tpu.memory_space<vmem_shared>>) target_semaphore(%run_scoped3A : memref<!tpu.dma_semaphore, #tpu.memory_space<semaphore_mem>>)
      %dma_wait3A = tpu.memref_slice %arg7[%mul3A_2] : memref<10112xf32, #tpu.memory_space<vmem_shared>> -> memref<632xf32, #tpu.memory_space<vmem_shared>>
      %dma_wait3A_217 = tpu.memref_slice %arg7[%mul3A_2] : memref<10112xf32, #tpu.memory_space<vmem_shared>> -> memref<632xf32, #tpu.memory_space<vmem_shared>>
      tpu.wait_dma2 semaphore(%run_scoped3A : memref<!tpu.dma_semaphore, #tpu.memory_space<semaphore_mem>>) src(%arg6 : memref<632xf32, #tpu.memory_space<vmem>>) dst(%dma_wait3A_217 : memref<632xf32, #tpu.memory_space<vmem_shared>>)
      tpu.yield
    }) : () -> ()
    %barrier3A = arith.constant 0 : index
    tpu.barrier barrier_id(%barrier3A)
    %scan3A = arith.constant 0 : i32
    %scan3A_201 = arith.constant 0 : i32
    %scan3A_202 = arith.constant 80 : i32
    %scan3A_203 = arith.addi %scan3A_201, %scan3A_202 : i32
    %scan3A_204 = arith.constant 1 : i32
    scf.for %scan3A_216 = %scan3A_201 to %scan3A_203 step %scan3A_204  : i32 {
      %dma_start3A = arith.constant 1 : i32
      %dma_start3A_217 = arith.constant 0 : i32
      %dma_start3A_218 = tpu.memref_slice %arg4[%scan3A_216, %dma_start3A, %dma_start3A_217] : memref<80x2x128xi32, #tpu.memory_space<vmem>> -> memref<1x1x128xi32, #tpu.memory_space<vmem>>
      %dma_start3A_219 = tpu.memref_squeeze %dma_start3A_218 : memref<1x1x128xi32, #tpu.memory_space<vmem>> -> memref<128xi32, #tpu.memory_space<vmem>>
      %dma_start3A_220 = arith.constant 0 : i32
      %dma_start3A_221 = tpu.memref_slice %arg7[%dma_start3A_220] : memref<10112xf32, #tpu.memory_space<vmem_shared>> -> memref<10112xf32, #tpu.memory_space<vmem_shared>>
      tpu.enqueue_indirect_dma source(%arg5 : memref<128xf32, #tpu.memory_space<vmem>>) target(%dma_start3A_221 : memref<10112xf32, #tpu.memory_space<vmem_shared>>) offsets(%dma_start3A_219 : memref<128xi32, #tpu.memory_space<vmem>>) semaphore(%arg8 : memref<!tpu.dma_semaphore, #tpu.memory_space<semaphore_mem>>) {add = true}
    }
    %scan3A_205 = arith.constant 80 : i32
    %scan3A_206 = arith.constant 0 : i32
    %scan3A_207 = arith.constant 0 : i32
    %scan3A_208 = arith.constant 80 : i32
    %scan3A_209 = arith.addi %scan3A_207, %scan3A_208 : i32
    %scan3A_210 = arith.constant 1 : i32
    scf.for %scan3A_216 = %scan3A_207 to %scan3A_209 step %scan3A_210  : i32 {
      %dma_wait3A = arith.constant 0 : i32
      %dma_wait3A_217 = arith.constant 1 : i32
      %dma_wait3A_218 = arith.constant 0 : i32
      %dma_wait3A_219 = tpu.memref_slice %arg4[%dma_wait3A, %dma_wait3A_217, %dma_wait3A_218] : memref<80x2x128xi32, #tpu.memory_space<vmem>> -> memref<1x1x128xi32, #tpu.memory_space<vmem>>
      %dma_wait3A_220 = tpu.memref_squeeze %dma_wait3A_219 : memref<1x1x128xi32, #tpu.memory_space<vmem>> -> memref<128xi32, #tpu.memory_space<vmem>>
      %dma_wait3A_221 = arith.constant 0 : i32
      %dma_wait3A_222 = tpu.memref_slice %arg7[%dma_wait3A_221] : memref<10112xf32, #tpu.memory_space<vmem_shared>> -> memref<10112xf32, #tpu.memory_space<vmem_shared>>
      tpu.wait_indirect_dma semaphore(%arg8 : memref<!tpu.dma_semaphore, #tpu.memory_space<semaphore_mem>>) src(%arg5 : memref<128xf32, #tpu.memory_space<vmem>>) dst(%dma_wait3A_222 : memref<10112xf32, #tpu.memory_space<vmem_shared>>)
    }
    %scan3A_211 = arith.constant 80 : i32
    %barrier3A_212 = arith.constant 0 : index
    tpu.barrier barrier_id(%barrier3A_212)
    "tpu.region"() ({
      %run_scoped3A = tpu.sem_alloc : memref<!tpu.dma_semaphore, #tpu.memory_space<semaphore_mem>>
      %dma_start3A = tpu.memref_slice %arg7[%mul3A_2] : memref<10112xf32, #tpu.memory_space<vmem_shared>> -> memref<632xf32, #tpu.memory_space<vmem_shared>>
      %dma_start3A_216 = tpu.memref_slice %arg7[%mul3A_2] : memref<10112xf32, #tpu.memory_space<vmem_shared>> -> memref<632xf32, #tpu.memory_space<vmem_shared>>
      tpu.enqueue_dma source(%dma_start3A_216 : memref<632xf32, #tpu.memory_space<vmem_shared>>) target(%arg6 : memref<632xf32, #tpu.memory_space<vmem>>) target_semaphore(%run_scoped3A : memref<!tpu.dma_semaphore, #tpu.memory_space<semaphore_mem>>)
      %dma_wait3A = tpu.memref_slice %arg7[%mul3A_2] : memref<10112xf32, #tpu.memory_space<vmem_shared>> -> memref<632xf32, #tpu.memory_space<vmem_shared>>
      %dma_wait3A_217 = tpu.memref_slice %arg7[%mul3A_2] : memref<10112xf32, #tpu.memory_space<vmem_shared>> -> memref<632xf32, #tpu.memory_space<vmem_shared>>
      tpu.wait_dma2 semaphore(%run_scoped3A : memref<!tpu.dma_semaphore, #tpu.memory_space<semaphore_mem>>) src(%dma_wait3A_217 : memref<632xf32, #tpu.memory_space<vmem_shared>>) dst(%arg6 : memref<632xf32, #tpu.memory_space<vmem>>)
      tpu.yield
    }) : () -> ()
    %mul3A_213 = arith.constant 10112 : i32
    %mul3A_214 = arith.muli %arg0, %mul3A_213 : i32
    %add3A_215 = arith.addi %mul3A_214, %mul3A_2 : i32
    "tpu.region"() ({
      %run_scoped3A = tpu.sem_alloc : memref<!tpu.dma_semaphore, #tpu.memory_space<semaphore_mem>>
      %dma_start3A = tpu.memref_slice %arg3[%add3A_215] : memref<20224xf32, #tpu.memory_space<hbm>> -> memref<632xf32, #tpu.memory_space<hbm>>
      %dma_start3A_216 = tpu.memref_slice %arg3[%add3A_215] : memref<20224xf32, #tpu.memory_space<hbm>> -> memref<632xf32, #tpu.memory_space<hbm>>
      tpu.enqueue_dma source(%arg6 : memref<632xf32, #tpu.memory_space<vmem>>) target(%dma_start3A_216 : memref<632xf32, #tpu.memory_space<hbm>>) target_semaphore(%run_scoped3A : memref<!tpu.dma_semaphore, #tpu.memory_space<semaphore_mem>>)
      %dma_wait3A = tpu.memref_slice %arg3[%add3A_215] : memref<20224xf32, #tpu.memory_space<hbm>> -> memref<632xf32, #tpu.memory_space<hbm>>
      %dma_wait3A_217 = tpu.memref_slice %arg3[%add3A_215] : memref<20224xf32, #tpu.memory_space<hbm>> -> memref<632xf32, #tpu.memory_space<hbm>>
      tpu.wait_dma2 semaphore(%run_scoped3A : memref<!tpu.dma_semaphore, #tpu.memory_space<semaphore_mem>>) src(%arg6 : memref<632xf32, #tpu.memory_space<vmem>>) dst(%dma_wait3A_217 : memref<632xf32, #tpu.memory_space<hbm>>)
      tpu.yield
    }) : () -> ()
    return
  }
}

#map = affine_map<(d0, d1) -> (0, 0, 0)>
#map1 = affine_map<(d0, d1) -> (0, 0)>
module attributes {stable_mosaic.version = 14 : i64} {
  func.func @_agg1_kernel(%arg0: i32, %arg1: i32, %arg2: memref<2560x2x128xi32, #tpu.memory_space<hbm>>, %arg3: memref<2x10112x64xf32, #tpu.memory_space<hbm>>, %arg4: memref<20224x64xf32, #tpu.memory_space<hbm>>, %arg5: memref<160x2x128xi32, #tpu.memory_space<vmem>>, %arg6: memref<128x64xf32, #tpu.memory_space<vmem>>, %arg7: memref<128x64xf32, #tpu.memory_space<vmem>>, %arg8: memref<128x64xf32, #tpu.memory_space<vmem>>, %arg9: memref<128x64xf32, #tpu.memory_space<vmem>>, %arg10: memref<128x64xf32, #tpu.memory_space<vmem>>, %arg11: memref<10112x64xf32, #tpu.memory_space<vmem_shared>>, %arg12: memref<!tpu.dma_semaphore, #tpu.memory_space<semaphore_mem>>, %arg13: memref<!tpu.dma_semaphore, #tpu.memory_space<semaphore_mem>>, %arg14: memref<!tpu.dma_semaphore, #tpu.memory_space<semaphore_mem>>, %arg15: memref<!tpu.dma_semaphore, #tpu.memory_space<semaphore_mem>>, %arg16: memref<!tpu.dma_semaphore, #tpu.memory_space<semaphore_mem>>, %arg17: memref<!tpu.dma_semaphore, #tpu.memory_space<semaphore_mem>>, %arg18: memref<!tpu.dma_semaphore, #tpu.memory_space<semaphore_mem>>, %arg19: memref<!tpu.dma_semaphore, #tpu.memory_space<semaphore_mem>>, %arg20: memref<!tpu.dma_semaphore, #tpu.memory_space<semaphore_mem>>, %arg21: memref<!tpu.dma_semaphore, #tpu.memory_space<semaphore_mem>>) attributes {dimension_semantics = [#tpu.dimension_semantics<core_parallel>, #tpu.dimension_semantics<subcore_parallel>], iteration_bounds = array<i64: 2, 16>, scalar_prefetch = 0 : i64, scratch_operands = 17 : i64, tpu.core_type = #tpu.core_type<sc_vector_subcore>, window_params = [{transform_indices = #map}, {transform_indices = #map}, {transform_indices = #map1}]} {
    %mul3A = arith.constant 632 : i32
    %mul3A_0 = arith.muli %arg1, %mul3A : i32
    %mul3A_1 = arith.constant 160 : i32
    %mul3A_2 = arith.muli %arg1, %mul3A_1 : i32
    "tpu.region"() ({
      %run_scoped3A = tpu.sem_alloc : memref<!tpu.dma_semaphore, #tpu.memory_space<semaphore_mem>>
      %dma_start3A_137 = arith.constant 0 : i32
      %dma_start3A_138 = arith.constant 0 : i32
      %dma_start3A_139 = tpu.memref_slice %arg2[%mul3A_2, %dma_start3A_137, %dma_start3A_138] : memref<2560x2x128xi32, #tpu.memory_space<hbm>> -> memref<160x2x128xi32, #tpu.memory_space<hbm>>
      %dma_start3A_140 = arith.constant 0 : i32
      %dma_start3A_141 = arith.constant 0 : i32
      %dma_start3A_142 = tpu.memref_slice %arg2[%mul3A_2, %dma_start3A_140, %dma_start3A_141] : memref<2560x2x128xi32, #tpu.memory_space<hbm>> -> memref<160x2x128xi32, #tpu.memory_space<hbm>>
      tpu.enqueue_dma source(%dma_start3A_142 : memref<160x2x128xi32, #tpu.memory_space<hbm>>) target(%arg5 : memref<160x2x128xi32, #tpu.memory_space<vmem>>) target_semaphore(%run_scoped3A : memref<!tpu.dma_semaphore, #tpu.memory_space<semaphore_mem>>)
      %dma_wait3A_143 = arith.constant 0 : i32
      %dma_wait3A_144 = arith.constant 0 : i32
      %dma_wait3A_145 = tpu.memref_slice %arg2[%mul3A_2, %dma_wait3A_143, %dma_wait3A_144] : memref<2560x2x128xi32, #tpu.memory_space<hbm>> -> memref<160x2x128xi32, #tpu.memory_space<hbm>>
      %dma_wait3A_146 = arith.constant 0 : i32
      %dma_wait3A_147 = arith.constant 0 : i32
      %dma_wait3A_148 = tpu.memref_slice %arg2[%mul3A_2, %dma_wait3A_146, %dma_wait3A_147] : memref<2560x2x128xi32, #tpu.memory_space<hbm>> -> memref<160x2x128xi32, #tpu.memory_space<hbm>>
      tpu.wait_dma2 semaphore(%run_scoped3A : memref<!tpu.dma_semaphore, #tpu.memory_space<semaphore_mem>>) src(%dma_wait3A_148 : memref<160x2x128xi32, #tpu.memory_space<hbm>>) dst(%arg5 : memref<160x2x128xi32, #tpu.memory_space<vmem>>)
      tpu.yield
    }) : () -> ()
    %add3A = arith.constant 0 : i32
    %add3A_3 = arith.addi %mul3A_0, %add3A : i32
    "tpu.region"() ({
      %run_scoped3A = tpu.sem_alloc : memref<!tpu.dma_semaphore, #tpu.memory_space<semaphore_mem>>
      %dma_start3A_137 = arith.constant 0 : i32
      %dma_start3A_138 = arith.constant 0 : i32
      %dma_start3A_139 = tpu.memref_slice %arg6[%dma_start3A_137, %dma_start3A_138] : memref<128x64xf32, #tpu.memory_space<vmem>> -> memref<128x64xf32, #tpu.memory_space<vmem>>
      %dma_start3A_140 = arith.constant 0 : i32
      %dma_start3A_141 = arith.constant 0 : i32
      %dma_start3A_142 = tpu.memref_slice %arg3[%arg0, %dma_start3A_140, %dma_start3A_141] : memref<2x10112x64xf32, #tpu.memory_space<hbm>> -> memref<1x10112x64xf32, #tpu.memory_space<hbm>>
      %dma_start3A_143 = tpu.memref_squeeze %dma_start3A_142 : memref<1x10112x64xf32, #tpu.memory_space<hbm>> -> memref<10112x64xf32, #tpu.memory_space<hbm>>
      %dma_start3A_144 = arith.constant 0 : i32
      %dma_start3A_145 = tpu.memref_slice %dma_start3A_143[%add3A_3, %dma_start3A_144] : memref<10112x64xf32, #tpu.memory_space<hbm>> -> memref<128x64xf32, #tpu.memory_space<hbm>>
      %dma_start3A_146 = arith.constant 0 : i32
      %dma_start3A_147 = arith.constant 0 : i32
      %dma_start3A_148 = tpu.memref_slice %arg6[%dma_start3A_146, %dma_start3A_147] : memref<128x64xf32, #tpu.memory_space<vmem>> -> memref<128x64xf32, #tpu.memory_space<vmem>>
      %dma_start3A_149 = arith.constant 0 : i32
      %dma_start3A_150 = arith.constant 0 : i32
      %dma_start3A_151 = tpu.memref_slice %arg3[%arg0, %dma_start3A_149, %dma_start3A_150] : memref<2x10112x64xf32, #tpu.memory_space<hbm>> -> memref<1x10112x64xf32, #tpu.memory_space<hbm>>
      %dma_start3A_152 = tpu.memref_squeeze %dma_start3A_151 : memref<1x10112x64xf32, #tpu.memory_space<hbm>> -> memref<10112x64xf32, #tpu.memory_space<hbm>>
      %dma_start3A_153 = arith.constant 0 : i32
      %dma_start3A_154 = tpu.memref_slice %dma_start3A_152[%add3A_3, %dma_start3A_153] : memref<10112x64xf32, #tpu.memory_space<hbm>> -> memref<128x64xf32, #tpu.memory_space<hbm>>
      tpu.enqueue_dma source(%dma_start3A_154 : memref<128x64xf32, #tpu.memory_space<hbm>>) target(%dma_start3A_148 : memref<128x64xf32, #tpu.memory_space<vmem>>) target_semaphore(%run_scoped3A : memref<!tpu.dma_semaphore, #tpu.memory_space<semaphore_mem>>)
      %dma_wait3A_155 = arith.constant 0 : i32
      %dma_wait3A_156 = arith.constant 0 : i32
      %dma_wait3A_157 = tpu.memref_slice %arg6[%dma_wait3A_155, %dma_wait3A_156] : memref<128x64xf32, #tpu.memory_space<vmem>> -> memref<128x64xf32, #tpu.memory_space<vmem>>
      %dma_wait3A_158 = arith.constant 0 : i32
      %dma_wait3A_159 = arith.constant 0 : i32
      %dma_wait3A_160 = tpu.memref_slice %arg3[%arg0, %dma_wait3A_158, %dma_wait3A_159] : memref<2x10112x64xf32, #tpu.memory_space<hbm>> -> memref<1x10112x64xf32, #tpu.memory_space<hbm>>
      %dma_wait3A_161 = tpu.memref_squeeze %dma_wait3A_160 : memref<1x10112x64xf32, #tpu.memory_space<hbm>> -> memref<10112x64xf32, #tpu.memory_space<hbm>>
      %dma_wait3A_162 = arith.constant 0 : i32
      %dma_wait3A_163 = tpu.memref_slice %dma_wait3A_161[%add3A_3, %dma_wait3A_162] : memref<10112x64xf32, #tpu.memory_space<hbm>> -> memref<128x64xf32, #tpu.memory_space<hbm>>
      %dma_wait3A_164 = arith.constant 0 : i32
      %dma_wait3A_165 = arith.constant 0 : i32
      %dma_wait3A_166 = tpu.memref_slice %arg6[%dma_wait3A_164, %dma_wait3A_165] : memref<128x64xf32, #tpu.memory_space<vmem>> -> memref<128x64xf32, #tpu.memory_space<vmem>>
      %dma_wait3A_167 = arith.constant 0 : i32
      %dma_wait3A_168 = arith.constant 0 : i32
      %dma_wait3A_169 = tpu.memref_slice %arg3[%arg0, %dma_wait3A_167, %dma_wait3A_168] : memref<2x10112x64xf32, #tpu.memory_space<hbm>> -> memref<1x10112x64xf32, #tpu.memory_space<hbm>>
      %dma_wait3A_170 = tpu.memref_squeeze %dma_wait3A_169 : memref<1x10112x64xf32, #tpu.memory_space<hbm>> -> memref<10112x64xf32, #tpu.memory_space<hbm>>
      %dma_wait3A_171 = arith.constant 0 : i32
      %dma_wait3A_172 = tpu.memref_slice %dma_wait3A_170[%add3A_3, %dma_wait3A_171] : memref<10112x64xf32, #tpu.memory_space<hbm>> -> memref<128x64xf32, #tpu.memory_space<hbm>>
      tpu.wait_dma2 semaphore(%run_scoped3A : memref<!tpu.dma_semaphore, #tpu.memory_space<semaphore_mem>>) src(%dma_wait3A_172 : memref<128x64xf32, #tpu.memory_space<hbm>>) dst(%dma_wait3A_166 : memref<128x64xf32, #tpu.memory_space<vmem>>)
      tpu.yield
    }) : () -> ()
    %add3A_4 = arith.constant 0 : i32
    %add3A_5 = arith.addi %mul3A_0, %add3A_4 : i32
    "tpu.region"() ({
      %run_scoped3A = tpu.sem_alloc : memref<!tpu.dma_semaphore, #tpu.memory_space<semaphore_mem>>
      %dma_start3A_137 = arith.constant 0 : i32
      %dma_start3A_138 = arith.constant 0 : i32
      %dma_start3A_139 = tpu.memref_slice %arg6[%dma_start3A_137, %dma_start3A_138] : memref<128x64xf32, #tpu.memory_space<vmem>> -> memref<128x64xf32, #tpu.memory_space<vmem>>
      %dma_start3A_140 = arith.constant 0 : i32
      %dma_start3A_141 = tpu.memref_slice %arg11[%add3A_5, %dma_start3A_140] : memref<10112x64xf32, #tpu.memory_space<vmem_shared>> -> memref<128x64xf32, #tpu.memory_space<vmem_shared>>
      %dma_start3A_142 = arith.constant 0 : i32
      %dma_start3A_143 = tpu.memref_slice %arg11[%add3A_5, %dma_start3A_142] : memref<10112x64xf32, #tpu.memory_space<vmem_shared>> -> memref<128x64xf32, #tpu.memory_space<vmem_shared>>
      %dma_start3A_144 = arith.constant 0 : i32
      %dma_start3A_145 = arith.constant 0 : i32
      %dma_start3A_146 = tpu.memref_slice %arg6[%dma_start3A_144, %dma_start3A_145] : memref<128x64xf32, #tpu.memory_space<vmem>> -> memref<128x64xf32, #tpu.memory_space<vmem>>
      tpu.enqueue_dma source(%dma_start3A_146 : memref<128x64xf32, #tpu.memory_space<vmem>>) target(%dma_start3A_143 : memref<128x64xf32, #tpu.memory_space<vmem_shared>>) target_semaphore(%run_scoped3A : memref<!tpu.dma_semaphore, #tpu.memory_space<semaphore_mem>>)
      %dma_wait3A_147 = arith.constant 0 : i32
      %dma_wait3A_148 = arith.constant 0 : i32
      %dma_wait3A_149 = tpu.memref_slice %arg6[%dma_wait3A_147, %dma_wait3A_148] : memref<128x64xf32, #tpu.memory_space<vmem>> -> memref<128x64xf32, #tpu.memory_space<vmem>>
      %dma_wait3A_150 = arith.constant 0 : i32
      %dma_wait3A_151 = tpu.memref_slice %arg11[%add3A_5, %dma_wait3A_150] : memref<10112x64xf32, #tpu.memory_space<vmem_shared>> -> memref<128x64xf32, #tpu.memory_space<vmem_shared>>
      %dma_wait3A_152 = arith.constant 0 : i32
      %dma_wait3A_153 = tpu.memref_slice %arg11[%add3A_5, %dma_wait3A_152] : memref<10112x64xf32, #tpu.memory_space<vmem_shared>> -> memref<128x64xf32, #tpu.memory_space<vmem_shared>>
      %dma_wait3A_154 = arith.constant 0 : i32
      %dma_wait3A_155 = arith.constant 0 : i32
      %dma_wait3A_156 = tpu.memref_slice %arg6[%dma_wait3A_154, %dma_wait3A_155] : memref<128x64xf32, #tpu.memory_space<vmem>> -> memref<128x64xf32, #tpu.memory_space<vmem>>
      tpu.wait_dma2 semaphore(%run_scoped3A : memref<!tpu.dma_semaphore, #tpu.memory_space<semaphore_mem>>) src(%dma_wait3A_156 : memref<128x64xf32, #tpu.memory_space<vmem>>) dst(%dma_wait3A_153 : memref<128x64xf32, #tpu.memory_space<vmem_shared>>)
      tpu.yield
    }) : () -> ()
    %add3A_6 = arith.constant 128 : i32
    %add3A_7 = arith.addi %mul3A_0, %add3A_6 : i32
    "tpu.region"() ({
      %run_scoped3A = tpu.sem_alloc : memref<!tpu.dma_semaphore, #tpu.memory_space<semaphore_mem>>
      %dma_start3A_137 = arith.constant 0 : i32
      %dma_start3A_138 = arith.constant 0 : i32
      %dma_start3A_139 = tpu.memref_slice %arg6[%dma_start3A_137, %dma_start3A_138] : memref<128x64xf32, #tpu.memory_space<vmem>> -> memref<128x64xf32, #tpu.memory_space<vmem>>
      %dma_start3A_140 = arith.constant 0 : i32
      %dma_start3A_141 = arith.constant 0 : i32
      %dma_start3A_142 = tpu.memref_slice %arg3[%arg0, %dma_start3A_140, %dma_start3A_141] : memref<2x10112x64xf32, #tpu.memory_space<hbm>> -> memref<1x10112x64xf32, #tpu.memory_space<hbm>>
      %dma_start3A_143 = tpu.memref_squeeze %dma_start3A_142 : memref<1x10112x64xf32, #tpu.memory_space<hbm>> -> memref<10112x64xf32, #tpu.memory_space<hbm>>
      %dma_start3A_144 = arith.constant 0 : i32
      %dma_start3A_145 = tpu.memref_slice %dma_start3A_143[%add3A_7, %dma_start3A_144] : memref<10112x64xf32, #tpu.memory_space<hbm>> -> memref<128x64xf32, #tpu.memory_space<hbm>>
      %dma_start3A_146 = arith.constant 0 : i32
      %dma_start3A_147 = arith.constant 0 : i32
      %dma_start3A_148 = tpu.memref_slice %arg6[%dma_start3A_146, %dma_start3A_147] : memref<128x64xf32, #tpu.memory_space<vmem>> -> memref<128x64xf32, #tpu.memory_space<vmem>>
      %dma_start3A_149 = arith.constant 0 : i32
      %dma_start3A_150 = arith.constant 0 : i32
      %dma_start3A_151 = tpu.memref_slice %arg3[%arg0, %dma_start3A_149, %dma_start3A_150] : memref<2x10112x64xf32, #tpu.memory_space<hbm>> -> memref<1x10112x64xf32, #tpu.memory_space<hbm>>
      %dma_start3A_152 = tpu.memref_squeeze %dma_start3A_151 : memref<1x10112x64xf32, #tpu.memory_space<hbm>> -> memref<10112x64xf32, #tpu.memory_space<hbm>>
      %dma_start3A_153 = arith.constant 0 : i32
      %dma_start3A_154 = tpu.memref_slice %dma_start3A_152[%add3A_7, %dma_start3A_153] : memref<10112x64xf32, #tpu.memory_space<hbm>> -> memref<128x64xf32, #tpu.memory_space<hbm>>
      tpu.enqueue_dma source(%dma_start3A_154 : memref<128x64xf32, #tpu.memory_space<hbm>>) target(%dma_start3A_148 : memref<128x64xf32, #tpu.memory_space<vmem>>) target_semaphore(%run_scoped3A : memref<!tpu.dma_semaphore, #tpu.memory_space<semaphore_mem>>)
      %dma_wait3A_155 = arith.constant 0 : i32
      %dma_wait3A_156 = arith.constant 0 : i32
      %dma_wait3A_157 = tpu.memref_slice %arg6[%dma_wait3A_155, %dma_wait3A_156] : memref<128x64xf32, #tpu.memory_space<vmem>> -> memref<128x64xf32, #tpu.memory_space<vmem>>
      %dma_wait3A_158 = arith.constant 0 : i32
      %dma_wait3A_159 = arith.constant 0 : i32
      %dma_wait3A_160 = tpu.memref_slice %arg3[%arg0, %dma_wait3A_158, %dma_wait3A_159] : memref<2x10112x64xf32, #tpu.memory_space<hbm>> -> memref<1x10112x64xf32, #tpu.memory_space<hbm>>
      %dma_wait3A_161 = tpu.memref_squeeze %dma_wait3A_160 : memref<1x10112x64xf32, #tpu.memory_space<hbm>> -> memref<10112x64xf32, #tpu.memory_space<hbm>>
      %dma_wait3A_162 = arith.constant 0 : i32
      %dma_wait3A_163 = tpu.memref_slice %dma_wait3A_161[%add3A_7, %dma_wait3A_162] : memref<10112x64xf32, #tpu.memory_space<hbm>> -> memref<128x64xf32, #tpu.memory_space<hbm>>
      %dma_wait3A_164 = arith.constant 0 : i32
      %dma_wait3A_165 = arith.constant 0 : i32
      %dma_wait3A_166 = tpu.memref_slice %arg6[%dma_wait3A_164, %dma_wait3A_165] : memref<128x64xf32, #tpu.memory_space<vmem>> -> memref<128x64xf32, #tpu.memory_space<vmem>>
      %dma_wait3A_167 = arith.constant 0 : i32
      %dma_wait3A_168 = arith.constant 0 : i32
      %dma_wait3A_169 = tpu.memref_slice %arg3[%arg0, %dma_wait3A_167, %dma_wait3A_168] : memref<2x10112x64xf32, #tpu.memory_space<hbm>> -> memref<1x10112x64xf32, #tpu.memory_space<hbm>>
      %dma_wait3A_170 = tpu.memref_squeeze %dma_wait3A_169 : memref<1x10112x64xf32, #tpu.memory_space<hbm>> -> memref<10112x64xf32, #tpu.memory_space<hbm>>
      %dma_wait3A_171 = arith.constant 0 : i32
      %dma_wait3A_172 = tpu.memref_slice %dma_wait3A_170[%add3A_7, %dma_wait3A_171] : memref<10112x64xf32, #tpu.memory_space<hbm>> -> memref<128x64xf32, #tpu.memory_space<hbm>>
      tpu.wait_dma2 semaphore(%run_scoped3A : memref<!tpu.dma_semaphore, #tpu.memory_space<semaphore_mem>>) src(%dma_wait3A_172 : memref<128x64xf32, #tpu.memory_space<hbm>>) dst(%dma_wait3A_166 : memref<128x64xf32, #tpu.memory_space<vmem>>)
      tpu.yield
    }) : () -> ()
    %add3A_8 = arith.constant 128 : i32
    %add3A_9 = arith.addi %mul3A_0, %add3A_8 : i32
    "tpu.region"() ({
      %run_scoped3A = tpu.sem_alloc : memref<!tpu.dma_semaphore, #tpu.memory_space<semaphore_mem>>
      %dma_start3A_137 = arith.constant 0 : i32
      %dma_start3A_138 = arith.constant 0 : i32
      %dma_start3A_139 = tpu.memref_slice %arg6[%dma_start3A_137, %dma_start3A_138] : memref<128x64xf32, #tpu.memory_space<vmem>> -> memref<128x64xf32, #tpu.memory_space<vmem>>
      %dma_start3A_140 = arith.constant 0 : i32
      %dma_start3A_141 = tpu.memref_slice %arg11[%add3A_9, %dma_start3A_140] : memref<10112x64xf32, #tpu.memory_space<vmem_shared>> -> memref<128x64xf32, #tpu.memory_space<vmem_shared>>
      %dma_start3A_142 = arith.constant 0 : i32
      %dma_start3A_143 = tpu.memref_slice %arg11[%add3A_9, %dma_start3A_142] : memref<10112x64xf32, #tpu.memory_space<vmem_shared>> -> memref<128x64xf32, #tpu.memory_space<vmem_shared>>
      %dma_start3A_144 = arith.constant 0 : i32
      %dma_start3A_145 = arith.constant 0 : i32
      %dma_start3A_146 = tpu.memref_slice %arg6[%dma_start3A_144, %dma_start3A_145] : memref<128x64xf32, #tpu.memory_space<vmem>> -> memref<128x64xf32, #tpu.memory_space<vmem>>
      tpu.enqueue_dma source(%dma_start3A_146 : memref<128x64xf32, #tpu.memory_space<vmem>>) target(%dma_start3A_143 : memref<128x64xf32, #tpu.memory_space<vmem_shared>>) target_semaphore(%run_scoped3A : memref<!tpu.dma_semaphore, #tpu.memory_space<semaphore_mem>>)
      %dma_wait3A_147 = arith.constant 0 : i32
      %dma_wait3A_148 = arith.constant 0 : i32
      %dma_wait3A_149 = tpu.memref_slice %arg6[%dma_wait3A_147, %dma_wait3A_148] : memref<128x64xf32, #tpu.memory_space<vmem>> -> memref<128x64xf32, #tpu.memory_space<vmem>>
      %dma_wait3A_150 = arith.constant 0 : i32
      %dma_wait3A_151 = tpu.memref_slice %arg11[%add3A_9, %dma_wait3A_150] : memref<10112x64xf32, #tpu.memory_space<vmem_shared>> -> memref<128x64xf32, #tpu.memory_space<vmem_shared>>
      %dma_wait3A_152 = arith.constant 0 : i32
      %dma_wait3A_153 = tpu.memref_slice %arg11[%add3A_9, %dma_wait3A_152] : memref<10112x64xf32, #tpu.memory_space<vmem_shared>> -> memref<128x64xf32, #tpu.memory_space<vmem_shared>>
      %dma_wait3A_154 = arith.constant 0 : i32
      %dma_wait3A_155 = arith.constant 0 : i32
      %dma_wait3A_156 = tpu.memref_slice %arg6[%dma_wait3A_154, %dma_wait3A_155] : memref<128x64xf32, #tpu.memory_space<vmem>> -> memref<128x64xf32, #tpu.memory_space<vmem>>
      tpu.wait_dma2 semaphore(%run_scoped3A : memref<!tpu.dma_semaphore, #tpu.memory_space<semaphore_mem>>) src(%dma_wait3A_156 : memref<128x64xf32, #tpu.memory_space<vmem>>) dst(%dma_wait3A_153 : memref<128x64xf32, #tpu.memory_space<vmem_shared>>)
      tpu.yield
    }) : () -> ()
    %add3A_10 = arith.constant 256 : i32
    %add3A_11 = arith.addi %mul3A_0, %add3A_10 : i32
    "tpu.region"() ({
      %run_scoped3A = tpu.sem_alloc : memref<!tpu.dma_semaphore, #tpu.memory_space<semaphore_mem>>
      %dma_start3A_137 = arith.constant 0 : i32
      %dma_start3A_138 = arith.constant 0 : i32
      %dma_start3A_139 = tpu.memref_slice %arg6[%dma_start3A_137, %dma_start3A_138] : memref<128x64xf32, #tpu.memory_space<vmem>> -> memref<128x64xf32, #tpu.memory_space<vmem>>
      %dma_start3A_140 = arith.constant 0 : i32
      %dma_start3A_141 = arith.constant 0 : i32
      %dma_start3A_142 = tpu.memref_slice %arg3[%arg0, %dma_start3A_140, %dma_start3A_141] : memref<2x10112x64xf32, #tpu.memory_space<hbm>> -> memref<1x10112x64xf32, #tpu.memory_space<hbm>>
      %dma_start3A_143 = tpu.memref_squeeze %dma_start3A_142 : memref<1x10112x64xf32, #tpu.memory_space<hbm>> -> memref<10112x64xf32, #tpu.memory_space<hbm>>
      %dma_start3A_144 = arith.constant 0 : i32
      %dma_start3A_145 = tpu.memref_slice %dma_start3A_143[%add3A_11, %dma_start3A_144] : memref<10112x64xf32, #tpu.memory_space<hbm>> -> memref<128x64xf32, #tpu.memory_space<hbm>>
      %dma_start3A_146 = arith.constant 0 : i32
      %dma_start3A_147 = arith.constant 0 : i32
      %dma_start3A_148 = tpu.memref_slice %arg6[%dma_start3A_146, %dma_start3A_147] : memref<128x64xf32, #tpu.memory_space<vmem>> -> memref<128x64xf32, #tpu.memory_space<vmem>>
      %dma_start3A_149 = arith.constant 0 : i32
      %dma_start3A_150 = arith.constant 0 : i32
      %dma_start3A_151 = tpu.memref_slice %arg3[%arg0, %dma_start3A_149, %dma_start3A_150] : memref<2x10112x64xf32, #tpu.memory_space<hbm>> -> memref<1x10112x64xf32, #tpu.memory_space<hbm>>
      %dma_start3A_152 = tpu.memref_squeeze %dma_start3A_151 : memref<1x10112x64xf32, #tpu.memory_space<hbm>> -> memref<10112x64xf32, #tpu.memory_space<hbm>>
      %dma_start3A_153 = arith.constant 0 : i32
      %dma_start3A_154 = tpu.memref_slice %dma_start3A_152[%add3A_11, %dma_start3A_153] : memref<10112x64xf32, #tpu.memory_space<hbm>> -> memref<128x64xf32, #tpu.memory_space<hbm>>
      tpu.enqueue_dma source(%dma_start3A_154 : memref<128x64xf32, #tpu.memory_space<hbm>>) target(%dma_start3A_148 : memref<128x64xf32, #tpu.memory_space<vmem>>) target_semaphore(%run_scoped3A : memref<!tpu.dma_semaphore, #tpu.memory_space<semaphore_mem>>)
      %dma_wait3A_155 = arith.constant 0 : i32
      %dma_wait3A_156 = arith.constant 0 : i32
      %dma_wait3A_157 = tpu.memref_slice %arg6[%dma_wait3A_155, %dma_wait3A_156] : memref<128x64xf32, #tpu.memory_space<vmem>> -> memref<128x64xf32, #tpu.memory_space<vmem>>
      %dma_wait3A_158 = arith.constant 0 : i32
      %dma_wait3A_159 = arith.constant 0 : i32
      %dma_wait3A_160 = tpu.memref_slice %arg3[%arg0, %dma_wait3A_158, %dma_wait3A_159] : memref<2x10112x64xf32, #tpu.memory_space<hbm>> -> memref<1x10112x64xf32, #tpu.memory_space<hbm>>
      %dma_wait3A_161 = tpu.memref_squeeze %dma_wait3A_160 : memref<1x10112x64xf32, #tpu.memory_space<hbm>> -> memref<10112x64xf32, #tpu.memory_space<hbm>>
      %dma_wait3A_162 = arith.constant 0 : i32
      %dma_wait3A_163 = tpu.memref_slice %dma_wait3A_161[%add3A_11, %dma_wait3A_162] : memref<10112x64xf32, #tpu.memory_space<hbm>> -> memref<128x64xf32, #tpu.memory_space<hbm>>
      %dma_wait3A_164 = arith.constant 0 : i32
      %dma_wait3A_165 = arith.constant 0 : i32
      %dma_wait3A_166 = tpu.memref_slice %arg6[%dma_wait3A_164, %dma_wait3A_165] : memref<128x64xf32, #tpu.memory_space<vmem>> -> memref<128x64xf32, #tpu.memory_space<vmem>>
      %dma_wait3A_167 = arith.constant 0 : i32
      %dma_wait3A_168 = arith.constant 0 : i32
      %dma_wait3A_169 = tpu.memref_slice %arg3[%arg0, %dma_wait3A_167, %dma_wait3A_168] : memref<2x10112x64xf32, #tpu.memory_space<hbm>> -> memref<1x10112x64xf32, #tpu.memory_space<hbm>>
      %dma_wait3A_170 = tpu.memref_squeeze %dma_wait3A_169 : memref<1x10112x64xf32, #tpu.memory_space<hbm>> -> memref<10112x64xf32, #tpu.memory_space<hbm>>
      %dma_wait3A_171 = arith.constant 0 : i32
      %dma_wait3A_172 = tpu.memref_slice %dma_wait3A_170[%add3A_11, %dma_wait3A_171] : memref<10112x64xf32, #tpu.memory_space<hbm>> -> memref<128x64xf32, #tpu.memory_space<hbm>>
      tpu.wait_dma2 semaphore(%run_scoped3A : memref<!tpu.dma_semaphore, #tpu.memory_space<semaphore_mem>>) src(%dma_wait3A_172 : memref<128x64xf32, #tpu.memory_space<hbm>>) dst(%dma_wait3A_166 : memref<128x64xf32, #tpu.memory_space<vmem>>)
      tpu.yield
    }) : () -> ()
    %add3A_12 = arith.constant 256 : i32
    %add3A_13 = arith.addi %mul3A_0, %add3A_12 : i32
    "tpu.region"() ({
      %run_scoped3A = tpu.sem_alloc : memref<!tpu.dma_semaphore, #tpu.memory_space<semaphore_mem>>
      %dma_start3A_137 = arith.constant 0 : i32
      %dma_start3A_138 = arith.constant 0 : i32
      %dma_start3A_139 = tpu.memref_slice %arg6[%dma_start3A_137, %dma_start3A_138] : memref<128x64xf32, #tpu.memory_space<vmem>> -> memref<128x64xf32, #tpu.memory_space<vmem>>
      %dma_start3A_140 = arith.constant 0 : i32
      %dma_start3A_141 = tpu.memref_slice %arg11[%add3A_13, %dma_start3A_140] : memref<10112x64xf32, #tpu.memory_space<vmem_shared>> -> memref<128x64xf32, #tpu.memory_space<vmem_shared>>
      %dma_start3A_142 = arith.constant 0 : i32
      %dma_start3A_143 = tpu.memref_slice %arg11[%add3A_13, %dma_start3A_142] : memref<10112x64xf32, #tpu.memory_space<vmem_shared>> -> memref<128x64xf32, #tpu.memory_space<vmem_shared>>
      %dma_start3A_144 = arith.constant 0 : i32
      %dma_start3A_145 = arith.constant 0 : i32
      %dma_start3A_146 = tpu.memref_slice %arg6[%dma_start3A_144, %dma_start3A_145] : memref<128x64xf32, #tpu.memory_space<vmem>> -> memref<128x64xf32, #tpu.memory_space<vmem>>
      tpu.enqueue_dma source(%dma_start3A_146 : memref<128x64xf32, #tpu.memory_space<vmem>>) target(%dma_start3A_143 : memref<128x64xf32, #tpu.memory_space<vmem_shared>>) target_semaphore(%run_scoped3A : memref<!tpu.dma_semaphore, #tpu.memory_space<semaphore_mem>>)
      %dma_wait3A_147 = arith.constant 0 : i32
      %dma_wait3A_148 = arith.constant 0 : i32
      %dma_wait3A_149 = tpu.memref_slice %arg6[%dma_wait3A_147, %dma_wait3A_148] : memref<128x64xf32, #tpu.memory_space<vmem>> -> memref<128x64xf32, #tpu.memory_space<vmem>>
      %dma_wait3A_150 = arith.constant 0 : i32
      %dma_wait3A_151 = tpu.memref_slice %arg11[%add3A_13, %dma_wait3A_150] : memref<10112x64xf32, #tpu.memory_space<vmem_shared>> -> memref<128x64xf32, #tpu.memory_space<vmem_shared>>
      %dma_wait3A_152 = arith.constant 0 : i32
      %dma_wait3A_153 = tpu.memref_slice %arg11[%add3A_13, %dma_wait3A_152] : memref<10112x64xf32, #tpu.memory_space<vmem_shared>> -> memref<128x64xf32, #tpu.memory_space<vmem_shared>>
      %dma_wait3A_154 = arith.constant 0 : i32
      %dma_wait3A_155 = arith.constant 0 : i32
      %dma_wait3A_156 = tpu.memref_slice %arg6[%dma_wait3A_154, %dma_wait3A_155] : memref<128x64xf32, #tpu.memory_space<vmem>> -> memref<128x64xf32, #tpu.memory_space<vmem>>
      tpu.wait_dma2 semaphore(%run_scoped3A : memref<!tpu.dma_semaphore, #tpu.memory_space<semaphore_mem>>) src(%dma_wait3A_156 : memref<128x64xf32, #tpu.memory_space<vmem>>) dst(%dma_wait3A_153 : memref<128x64xf32, #tpu.memory_space<vmem_shared>>)
      tpu.yield
    }) : () -> ()
    %add3A_14 = arith.constant 384 : i32
    %add3A_15 = arith.addi %mul3A_0, %add3A_14 : i32
    "tpu.region"() ({
      %run_scoped3A = tpu.sem_alloc : memref<!tpu.dma_semaphore, #tpu.memory_space<semaphore_mem>>
      %dma_start3A_137 = arith.constant 0 : i32
      %dma_start3A_138 = arith.constant 0 : i32
      %dma_start3A_139 = tpu.memref_slice %arg6[%dma_start3A_137, %dma_start3A_138] : memref<128x64xf32, #tpu.memory_space<vmem>> -> memref<128x64xf32, #tpu.memory_space<vmem>>
      %dma_start3A_140 = arith.constant 0 : i32
      %dma_start3A_141 = arith.constant 0 : i32
      %dma_start3A_142 = tpu.memref_slice %arg3[%arg0, %dma_start3A_140, %dma_start3A_141] : memref<2x10112x64xf32, #tpu.memory_space<hbm>> -> memref<1x10112x64xf32, #tpu.memory_space<hbm>>
      %dma_start3A_143 = tpu.memref_squeeze %dma_start3A_142 : memref<1x10112x64xf32, #tpu.memory_space<hbm>> -> memref<10112x64xf32, #tpu.memory_space<hbm>>
      %dma_start3A_144 = arith.constant 0 : i32
      %dma_start3A_145 = tpu.memref_slice %dma_start3A_143[%add3A_15, %dma_start3A_144] : memref<10112x64xf32, #tpu.memory_space<hbm>> -> memref<128x64xf32, #tpu.memory_space<hbm>>
      %dma_start3A_146 = arith.constant 0 : i32
      %dma_start3A_147 = arith.constant 0 : i32
      %dma_start3A_148 = tpu.memref_slice %arg6[%dma_start3A_146, %dma_start3A_147] : memref<128x64xf32, #tpu.memory_space<vmem>> -> memref<128x64xf32, #tpu.memory_space<vmem>>
      %dma_start3A_149 = arith.constant 0 : i32
      %dma_start3A_150 = arith.constant 0 : i32
      %dma_start3A_151 = tpu.memref_slice %arg3[%arg0, %dma_start3A_149, %dma_start3A_150] : memref<2x10112x64xf32, #tpu.memory_space<hbm>> -> memref<1x10112x64xf32, #tpu.memory_space<hbm>>
      %dma_start3A_152 = tpu.memref_squeeze %dma_start3A_151 : memref<1x10112x64xf32, #tpu.memory_space<hbm>> -> memref<10112x64xf32, #tpu.memory_space<hbm>>
      %dma_start3A_153 = arith.constant 0 : i32
      %dma_start3A_154 = tpu.memref_slice %dma_start3A_152[%add3A_15, %dma_start3A_153] : memref<10112x64xf32, #tpu.memory_space<hbm>> -> memref<128x64xf32, #tpu.memory_space<hbm>>
      tpu.enqueue_dma source(%dma_start3A_154 : memref<128x64xf32, #tpu.memory_space<hbm>>) target(%dma_start3A_148 : memref<128x64xf32, #tpu.memory_space<vmem>>) target_semaphore(%run_scoped3A : memref<!tpu.dma_semaphore, #tpu.memory_space<semaphore_mem>>)
      %dma_wait3A_155 = arith.constant 0 : i32
      %dma_wait3A_156 = arith.constant 0 : i32
      %dma_wait3A_157 = tpu.memref_slice %arg6[%dma_wait3A_155, %dma_wait3A_156] : memref<128x64xf32, #tpu.memory_space<vmem>> -> memref<128x64xf32, #tpu.memory_space<vmem>>
      %dma_wait3A_158 = arith.constant 0 : i32
      %dma_wait3A_159 = arith.constant 0 : i32
      %dma_wait3A_160 = tpu.memref_slice %arg3[%arg0, %dma_wait3A_158, %dma_wait3A_159] : memref<2x10112x64xf32, #tpu.memory_space<hbm>> -> memref<1x10112x64xf32, #tpu.memory_space<hbm>>
      %dma_wait3A_161 = tpu.memref_squeeze %dma_wait3A_160 : memref<1x10112x64xf32, #tpu.memory_space<hbm>> -> memref<10112x64xf32, #tpu.memory_space<hbm>>
      %dma_wait3A_162 = arith.constant 0 : i32
      %dma_wait3A_163 = tpu.memref_slice %dma_wait3A_161[%add3A_15, %dma_wait3A_162] : memref<10112x64xf32, #tpu.memory_space<hbm>> -> memref<128x64xf32, #tpu.memory_space<hbm>>
      %dma_wait3A_164 = arith.constant 0 : i32
      %dma_wait3A_165 = arith.constant 0 : i32
      %dma_wait3A_166 = tpu.memref_slice %arg6[%dma_wait3A_164, %dma_wait3A_165] : memref<128x64xf32, #tpu.memory_space<vmem>> -> memref<128x64xf32, #tpu.memory_space<vmem>>
      %dma_wait3A_167 = arith.constant 0 : i32
      %dma_wait3A_168 = arith.constant 0 : i32
      %dma_wait3A_169 = tpu.memref_slice %arg3[%arg0, %dma_wait3A_167, %dma_wait3A_168] : memref<2x10112x64xf32, #tpu.memory_space<hbm>> -> memref<1x10112x64xf32, #tpu.memory_space<hbm>>
      %dma_wait3A_170 = tpu.memref_squeeze %dma_wait3A_169 : memref<1x10112x64xf32, #tpu.memory_space<hbm>> -> memref<10112x64xf32, #tpu.memory_space<hbm>>
      %dma_wait3A_171 = arith.constant 0 : i32
      %dma_wait3A_172 = tpu.memref_slice %dma_wait3A_170[%add3A_15, %dma_wait3A_171] : memref<10112x64xf32, #tpu.memory_space<hbm>> -> memref<128x64xf32, #tpu.memory_space<hbm>>
      tpu.wait_dma2 semaphore(%run_scoped3A : memref<!tpu.dma_semaphore, #tpu.memory_space<semaphore_mem>>) src(%dma_wait3A_172 : memref<128x64xf32, #tpu.memory_space<hbm>>) dst(%dma_wait3A_166 : memref<128x64xf32, #tpu.memory_space<vmem>>)
      tpu.yield
    }) : () -> ()
    %add3A_16 = arith.constant 384 : i32
    %add3A_17 = arith.addi %mul3A_0, %add3A_16 : i32
    "tpu.region"() ({
      %run_scoped3A = tpu.sem_alloc : memref<!tpu.dma_semaphore, #tpu.memory_space<semaphore_mem>>
      %dma_start3A_137 = arith.constant 0 : i32
      %dma_start3A_138 = arith.constant 0 : i32
      %dma_start3A_139 = tpu.memref_slice %arg6[%dma_start3A_137, %dma_start3A_138] : memref<128x64xf32, #tpu.memory_space<vmem>> -> memref<128x64xf32, #tpu.memory_space<vmem>>
      %dma_start3A_140 = arith.constant 0 : i32
      %dma_start3A_141 = tpu.memref_slice %arg11[%add3A_17, %dma_start3A_140] : memref<10112x64xf32, #tpu.memory_space<vmem_shared>> -> memref<128x64xf32, #tpu.memory_space<vmem_shared>>
      %dma_start3A_142 = arith.constant 0 : i32
      %dma_start3A_143 = tpu.memref_slice %arg11[%add3A_17, %dma_start3A_142] : memref<10112x64xf32, #tpu.memory_space<vmem_shared>> -> memref<128x64xf32, #tpu.memory_space<vmem_shared>>
      %dma_start3A_144 = arith.constant 0 : i32
      %dma_start3A_145 = arith.constant 0 : i32
      %dma_start3A_146 = tpu.memref_slice %arg6[%dma_start3A_144, %dma_start3A_145] : memref<128x64xf32, #tpu.memory_space<vmem>> -> memref<128x64xf32, #tpu.memory_space<vmem>>
      tpu.enqueue_dma source(%dma_start3A_146 : memref<128x64xf32, #tpu.memory_space<vmem>>) target(%dma_start3A_143 : memref<128x64xf32, #tpu.memory_space<vmem_shared>>) target_semaphore(%run_scoped3A : memref<!tpu.dma_semaphore, #tpu.memory_space<semaphore_mem>>)
      %dma_wait3A_147 = arith.constant 0 : i32
      %dma_wait3A_148 = arith.constant 0 : i32
      %dma_wait3A_149 = tpu.memref_slice %arg6[%dma_wait3A_147, %dma_wait3A_148] : memref<128x64xf32, #tpu.memory_space<vmem>> -> memref<128x64xf32, #tpu.memory_space<vmem>>
      %dma_wait3A_150 = arith.constant 0 : i32
      %dma_wait3A_151 = tpu.memref_slice %arg11[%add3A_17, %dma_wait3A_150] : memref<10112x64xf32, #tpu.memory_space<vmem_shared>> -> memref<128x64xf32, #tpu.memory_space<vmem_shared>>
      %dma_wait3A_152 = arith.constant 0 : i32
      %dma_wait3A_153 = tpu.memref_slice %arg11[%add3A_17, %dma_wait3A_152] : memref<10112x64xf32, #tpu.memory_space<vmem_shared>> -> memref<128x64xf32, #tpu.memory_space<vmem_shared>>
      %dma_wait3A_154 = arith.constant 0 : i32
      %dma_wait3A_155 = arith.constant 0 : i32
      %dma_wait3A_156 = tpu.memref_slice %arg6[%dma_wait3A_154, %dma_wait3A_155] : memref<128x64xf32, #tpu.memory_space<vmem>> -> memref<128x64xf32, #tpu.memory_space<vmem>>
      tpu.wait_dma2 semaphore(%run_scoped3A : memref<!tpu.dma_semaphore, #tpu.memory_space<semaphore_mem>>) src(%dma_wait3A_156 : memref<128x64xf32, #tpu.memory_space<vmem>>) dst(%dma_wait3A_153 : memref<128x64xf32, #tpu.memory_space<vmem_shared>>)
      tpu.yield
    }) : () -> ()
    %add3A_18 = arith.constant 512 : i32
    %add3A_19 = arith.addi %mul3A_0, %add3A_18 : i32
    "tpu.region"() ({
      %run_scoped3A = tpu.sem_alloc : memref<!tpu.dma_semaphore, #tpu.memory_space<semaphore_mem>>
      %dma_start3A_137 = arith.constant 0 : i32
      %dma_start3A_138 = arith.constant 0 : i32
      %dma_start3A_139 = tpu.memref_slice %arg6[%dma_start3A_137, %dma_start3A_138] : memref<128x64xf32, #tpu.memory_space<vmem>> -> memref<120x64xf32, #tpu.memory_space<vmem>>
      %dma_start3A_140 = arith.constant 0 : i32
      %dma_start3A_141 = arith.constant 0 : i32
      %dma_start3A_142 = tpu.memref_slice %arg3[%arg0, %dma_start3A_140, %dma_start3A_141] : memref<2x10112x64xf32, #tpu.memory_space<hbm>> -> memref<1x10112x64xf32, #tpu.memory_space<hbm>>
      %dma_start3A_143 = tpu.memref_squeeze %dma_start3A_142 : memref<1x10112x64xf32, #tpu.memory_space<hbm>> -> memref<10112x64xf32, #tpu.memory_space<hbm>>
      %dma_start3A_144 = arith.constant 0 : i32
      %dma_start3A_145 = tpu.memref_slice %dma_start3A_143[%add3A_19, %dma_start3A_144] : memref<10112x64xf32, #tpu.memory_space<hbm>> -> memref<120x64xf32, #tpu.memory_space<hbm>>
      %dma_start3A_146 = arith.constant 0 : i32
      %dma_start3A_147 = arith.constant 0 : i32
      %dma_start3A_148 = tpu.memref_slice %arg6[%dma_start3A_146, %dma_start3A_147] : memref<128x64xf32, #tpu.memory_space<vmem>> -> memref<120x64xf32, #tpu.memory_space<vmem>>
      %dma_start3A_149 = arith.constant 0 : i32
      %dma_start3A_150 = arith.constant 0 : i32
      %dma_start3A_151 = tpu.memref_slice %arg3[%arg0, %dma_start3A_149, %dma_start3A_150] : memref<2x10112x64xf32, #tpu.memory_space<hbm>> -> memref<1x10112x64xf32, #tpu.memory_space<hbm>>
      %dma_start3A_152 = tpu.memref_squeeze %dma_start3A_151 : memref<1x10112x64xf32, #tpu.memory_space<hbm>> -> memref<10112x64xf32, #tpu.memory_space<hbm>>
      %dma_start3A_153 = arith.constant 0 : i32
      %dma_start3A_154 = tpu.memref_slice %dma_start3A_152[%add3A_19, %dma_start3A_153] : memref<10112x64xf32, #tpu.memory_space<hbm>> -> memref<120x64xf32, #tpu.memory_space<hbm>>
      tpu.enqueue_dma source(%dma_start3A_154 : memref<120x64xf32, #tpu.memory_space<hbm>>) target(%dma_start3A_148 : memref<120x64xf32, #tpu.memory_space<vmem>>) target_semaphore(%run_scoped3A : memref<!tpu.dma_semaphore, #tpu.memory_space<semaphore_mem>>)
      %dma_wait3A_155 = arith.constant 0 : i32
      %dma_wait3A_156 = arith.constant 0 : i32
      %dma_wait3A_157 = tpu.memref_slice %arg6[%dma_wait3A_155, %dma_wait3A_156] : memref<128x64xf32, #tpu.memory_space<vmem>> -> memref<120x64xf32, #tpu.memory_space<vmem>>
      %dma_wait3A_158 = arith.constant 0 : i32
      %dma_wait3A_159 = arith.constant 0 : i32
      %dma_wait3A_160 = tpu.memref_slice %arg3[%arg0, %dma_wait3A_158, %dma_wait3A_159] : memref<2x10112x64xf32, #tpu.memory_space<hbm>> -> memref<1x10112x64xf32, #tpu.memory_space<hbm>>
      %dma_wait3A_161 = tpu.memref_squeeze %dma_wait3A_160 : memref<1x10112x64xf32, #tpu.memory_space<hbm>> -> memref<10112x64xf32, #tpu.memory_space<hbm>>
      %dma_wait3A_162 = arith.constant 0 : i32
      %dma_wait3A_163 = tpu.memref_slice %dma_wait3A_161[%add3A_19, %dma_wait3A_162] : memref<10112x64xf32, #tpu.memory_space<hbm>> -> memref<120x64xf32, #tpu.memory_space<hbm>>
      %dma_wait3A_164 = arith.constant 0 : i32
      %dma_wait3A_165 = arith.constant 0 : i32
      %dma_wait3A_166 = tpu.memref_slice %arg6[%dma_wait3A_164, %dma_wait3A_165] : memref<128x64xf32, #tpu.memory_space<vmem>> -> memref<120x64xf32, #tpu.memory_space<vmem>>
      %dma_wait3A_167 = arith.constant 0 : i32
      %dma_wait3A_168 = arith.constant 0 : i32
      %dma_wait3A_169 = tpu.memref_slice %arg3[%arg0, %dma_wait3A_167, %dma_wait3A_168] : memref<2x10112x64xf32, #tpu.memory_space<hbm>> -> memref<1x10112x64xf32, #tpu.memory_space<hbm>>
      %dma_wait3A_170 = tpu.memref_squeeze %dma_wait3A_169 : memref<1x10112x64xf32, #tpu.memory_space<hbm>> -> memref<10112x64xf32, #tpu.memory_space<hbm>>
      %dma_wait3A_171 = arith.constant 0 : i32
      %dma_wait3A_172 = tpu.memref_slice %dma_wait3A_170[%add3A_19, %dma_wait3A_171] : memref<10112x64xf32, #tpu.memory_space<hbm>> -> memref<120x64xf32, #tpu.memory_space<hbm>>
      tpu.wait_dma2 semaphore(%run_scoped3A : memref<!tpu.dma_semaphore, #tpu.memory_space<semaphore_mem>>) src(%dma_wait3A_172 : memref<120x64xf32, #tpu.memory_space<hbm>>) dst(%dma_wait3A_166 : memref<120x64xf32, #tpu.memory_space<vmem>>)
      tpu.yield
    }) : () -> ()
    %add3A_20 = arith.constant 512 : i32
    %add3A_21 = arith.addi %mul3A_0, %add3A_20 : i32
    "tpu.region"() ({
      %run_scoped3A = tpu.sem_alloc : memref<!tpu.dma_semaphore, #tpu.memory_space<semaphore_mem>>
      %dma_start3A_137 = arith.constant 0 : i32
      %dma_start3A_138 = arith.constant 0 : i32
      %dma_start3A_139 = tpu.memref_slice %arg6[%dma_start3A_137, %dma_start3A_138] : memref<128x64xf32, #tpu.memory_space<vmem>> -> memref<120x64xf32, #tpu.memory_space<vmem>>
      %dma_start3A_140 = arith.constant 0 : i32
      %dma_start3A_141 = tpu.memref_slice %arg11[%add3A_21, %dma_start3A_140] : memref<10112x64xf32, #tpu.memory_space<vmem_shared>> -> memref<120x64xf32, #tpu.memory_space<vmem_shared>>
      %dma_start3A_142 = arith.constant 0 : i32
      %dma_start3A_143 = tpu.memref_slice %arg11[%add3A_21, %dma_start3A_142] : memref<10112x64xf32, #tpu.memory_space<vmem_shared>> -> memref<120x64xf32, #tpu.memory_space<vmem_shared>>
      %dma_start3A_144 = arith.constant 0 : i32
      %dma_start3A_145 = arith.constant 0 : i32
      %dma_start3A_146 = tpu.memref_slice %arg6[%dma_start3A_144, %dma_start3A_145] : memref<128x64xf32, #tpu.memory_space<vmem>> -> memref<120x64xf32, #tpu.memory_space<vmem>>
      tpu.enqueue_dma source(%dma_start3A_146 : memref<120x64xf32, #tpu.memory_space<vmem>>) target(%dma_start3A_143 : memref<120x64xf32, #tpu.memory_space<vmem_shared>>) target_semaphore(%run_scoped3A : memref<!tpu.dma_semaphore, #tpu.memory_space<semaphore_mem>>)
      %dma_wait3A_147 = arith.constant 0 : i32
      %dma_wait3A_148 = arith.constant 0 : i32
      %dma_wait3A_149 = tpu.memref_slice %arg6[%dma_wait3A_147, %dma_wait3A_148] : memref<128x64xf32, #tpu.memory_space<vmem>> -> memref<120x64xf32, #tpu.memory_space<vmem>>
      %dma_wait3A_150 = arith.constant 0 : i32
      %dma_wait3A_151 = tpu.memref_slice %arg11[%add3A_21, %dma_wait3A_150] : memref<10112x64xf32, #tpu.memory_space<vmem_shared>> -> memref<120x64xf32, #tpu.memory_space<vmem_shared>>
      %dma_wait3A_152 = arith.constant 0 : i32
      %dma_wait3A_153 = tpu.memref_slice %arg11[%add3A_21, %dma_wait3A_152] : memref<10112x64xf32, #tpu.memory_space<vmem_shared>> -> memref<120x64xf32, #tpu.memory_space<vmem_shared>>
      %dma_wait3A_154 = arith.constant 0 : i32
      %dma_wait3A_155 = arith.constant 0 : i32
      %dma_wait3A_156 = tpu.memref_slice %arg6[%dma_wait3A_154, %dma_wait3A_155] : memref<128x64xf32, #tpu.memory_space<vmem>> -> memref<120x64xf32, #tpu.memory_space<vmem>>
      tpu.wait_dma2 semaphore(%run_scoped3A : memref<!tpu.dma_semaphore, #tpu.memory_space<semaphore_mem>>) src(%dma_wait3A_156 : memref<120x64xf32, #tpu.memory_space<vmem>>) dst(%dma_wait3A_153 : memref<120x64xf32, #tpu.memory_space<vmem_shared>>)
      tpu.yield
    }) : () -> ()
    %barrier3A = arith.constant 0 : index
    tpu.barrier barrier_id(%barrier3A)
    %dma_start3A = arith.constant 0 : i32
    %dma_start3A_22 = arith.constant 0 : i32
    %dma_start3A_23 = arith.constant 0 : i32
    %dma_start3A_24 = tpu.memref_slice %arg5[%dma_start3A, %dma_start3A_22, %dma_start3A_23] : memref<160x2x128xi32, #tpu.memory_space<vmem>> -> memref<1x1x128xi32, #tpu.memory_space<vmem>>
    %dma_start3A_25 = tpu.memref_squeeze %dma_start3A_24 : memref<1x1x128xi32, #tpu.memory_space<vmem>> -> memref<128xi32, #tpu.memory_space<vmem>>
    %dma_start3A_26 = arith.constant 0 : i32
    %dma_start3A_27 = arith.constant 0 : i32
    %dma_start3A_28 = tpu.memref_slice %arg3[%arg0, %dma_start3A_26, %dma_start3A_27] : memref<2x10112x64xf32, #tpu.memory_space<hbm>> -> memref<1x10112x64xf32, #tpu.memory_space<hbm>>
    %dma_start3A_29 = tpu.memref_squeeze %dma_start3A_28 : memref<1x10112x64xf32, #tpu.memory_space<hbm>> -> memref<10112x64xf32, #tpu.memory_space<hbm>>
    %dma_start3A_30 = arith.constant 0 : i32
    %dma_start3A_31 = arith.constant 0 : i32
    %dma_start3A_32 = tpu.memref_slice %dma_start3A_29[%dma_start3A_30, %dma_start3A_31] : memref<10112x64xf32, #tpu.memory_space<hbm>> -> memref<10112x64xf32, #tpu.memory_space<hbm>>
    tpu.enqueue_indirect_dma source(%dma_start3A_32 : memref<10112x64xf32, #tpu.memory_space<hbm>>) target(%arg6 : memref<128x64xf32, #tpu.memory_space<vmem>>) offsets(%dma_start3A_25 : memref<128xi32, #tpu.memory_space<vmem>>) semaphore(%arg12 : memref<!tpu.dma_semaphore, #tpu.memory_space<semaphore_mem>>)
    %dma_start3A_33 = arith.constant 1 : i32
    %dma_start3A_34 = arith.constant 0 : i32
    %dma_start3A_35 = arith.constant 0 : i32
    %dma_start3A_36 = tpu.memref_slice %arg5[%dma_start3A_33, %dma_start3A_34, %dma_start3A_35] : memref<160x2x128xi32, #tpu.memory_space<vmem>> -> memref<1x1x128xi32, #tpu.memory_space<vmem>>
    %dma_start3A_37 = tpu.memref_squeeze %dma_start3A_36 : memref<1x1x128xi32, #tpu.memory_space<vmem>> -> memref<128xi32, #tpu.memory_space<vmem>>
    %dma_start3A_38 = arith.constant 0 : i32
    %dma_start3A_39 = arith.constant 0 : i32
    %dma_start3A_40 = tpu.memref_slice %arg3[%arg0, %dma_start3A_38, %dma_start3A_39] : memref<2x10112x64xf32, #tpu.memory_space<hbm>> -> memref<1x10112x64xf32, #tpu.memory_space<hbm>>
    %dma_start3A_41 = tpu.memref_squeeze %dma_start3A_40 : memref<1x10112x64xf32, #tpu.memory_space<hbm>> -> memref<10112x64xf32, #tpu.memory_space<hbm>>
    %dma_start3A_42 = arith.constant 0 : i32
    %dma_start3A_43 = arith.constant 0 : i32
    %dma_start3A_44 = tpu.memref_slice %dma_start3A_41[%dma_start3A_42, %dma_start3A_43] : memref<10112x64xf32, #tpu.memory_space<hbm>> -> memref<10112x64xf32, #tpu.memory_space<hbm>>
    tpu.enqueue_indirect_dma source(%dma_start3A_44 : memref<10112x64xf32, #tpu.memory_space<hbm>>) target(%arg7 : memref<128x64xf32, #tpu.memory_space<vmem>>) offsets(%dma_start3A_37 : memref<128xi32, #tpu.memory_space<vmem>>) semaphore(%arg13 : memref<!tpu.dma_semaphore, #tpu.memory_space<semaphore_mem>>)
    %dma_start3A_45 = arith.constant 2 : i32
    %dma_start3A_46 = arith.constant 0 : i32
    %dma_start3A_47 = arith.constant 0 : i32
    %dma_start3A_48 = tpu.memref_slice %arg5[%dma_start3A_45, %dma_start3A_46, %dma_start3A_47] : memref<160x2x128xi32, #tpu.memory_space<vmem>> -> memref<1x1x128xi32, #tpu.memory_space<vmem>>
    %dma_start3A_49 = tpu.memref_squeeze %dma_start3A_48 : memref<1x1x128xi32, #tpu.memory_space<vmem>> -> memref<128xi32, #tpu.memory_space<vmem>>
    %dma_start3A_50 = arith.constant 0 : i32
    %dma_start3A_51 = arith.constant 0 : i32
    %dma_start3A_52 = tpu.memref_slice %arg3[%arg0, %dma_start3A_50, %dma_start3A_51] : memref<2x10112x64xf32, #tpu.memory_space<hbm>> -> memref<1x10112x64xf32, #tpu.memory_space<hbm>>
    %dma_start3A_53 = tpu.memref_squeeze %dma_start3A_52 : memref<1x10112x64xf32, #tpu.memory_space<hbm>> -> memref<10112x64xf32, #tpu.memory_space<hbm>>
    %dma_start3A_54 = arith.constant 0 : i32
    %dma_start3A_55 = arith.constant 0 : i32
    %dma_start3A_56 = tpu.memref_slice %dma_start3A_53[%dma_start3A_54, %dma_start3A_55] : memref<10112x64xf32, #tpu.memory_space<hbm>> -> memref<10112x64xf32, #tpu.memory_space<hbm>>
    tpu.enqueue_indirect_dma source(%dma_start3A_56 : memref<10112x64xf32, #tpu.memory_space<hbm>>) target(%arg8 : memref<128x64xf32, #tpu.memory_space<vmem>>) offsets(%dma_start3A_49 : memref<128xi32, #tpu.memory_space<vmem>>) semaphore(%arg14 : memref<!tpu.dma_semaphore, #tpu.memory_space<semaphore_mem>>)
    %scan3A = arith.constant 0 : i32
    %scan3A_57 = arith.constant 0 : i32
    %scan3A_58 = arith.constant 32 : i32
    %scan3A_59 = arith.addi %scan3A_57, %scan3A_58 : i32
    %scan3A_60 = arith.constant 1 : i32
    scf.for %scan3A_137 = %scan3A_57 to %scan3A_59 step %scan3A_60  : i32 {
      %mul3A_138 = arith.constant 5 : i32
      %mul3A_139 = arith.muli %scan3A_137, %mul3A_138 : i32
      %add3A_140 = arith.constant 0 : i32
      %add3A_141 = arith.addi %mul3A_139, %add3A_140 : i32
      %dma_wait3A_142 = arith.constant 0 : i32
      %dma_wait3A_143 = arith.constant 0 : i32
      %dma_wait3A_144 = tpu.memref_slice %arg3[%arg0, %dma_wait3A_142, %dma_wait3A_143] : memref<2x10112x64xf32, #tpu.memory_space<hbm>> -> memref<1x10112x64xf32, #tpu.memory_space<hbm>>
      %dma_wait3A_145 = tpu.memref_squeeze %dma_wait3A_144 : memref<1x10112x64xf32, #tpu.memory_space<hbm>> -> memref<10112x64xf32, #tpu.memory_space<hbm>>
      %dma_wait3A_146 = arith.constant 0 : i32
      %dma_wait3A_147 = arith.constant 0 : i32
      %dma_wait3A_148 = tpu.memref_slice %dma_wait3A_145[%dma_wait3A_146, %dma_wait3A_147] : memref<10112x64xf32, #tpu.memory_space<hbm>> -> memref<128x64xf32, #tpu.memory_space<hbm>>
      %dma_wait3A_149 = arith.constant 0 : i32
      %dma_wait3A_150 = arith.constant 0 : i32
      %dma_wait3A_151 = tpu.memref_slice %arg3[%arg0, %dma_wait3A_149, %dma_wait3A_150] : memref<2x10112x64xf32, #tpu.memory_space<hbm>> -> memref<1x10112x64xf32, #tpu.memory_space<hbm>>
      %dma_wait3A_152 = tpu.memref_squeeze %dma_wait3A_151 : memref<1x10112x64xf32, #tpu.memory_space<hbm>> -> memref<10112x64xf32, #tpu.memory_space<hbm>>
      %dma_wait3A_153 = arith.constant 0 : i32
      %dma_wait3A_154 = arith.constant 0 : i32
      %dma_wait3A_155 = tpu.memref_slice %dma_wait3A_152[%dma_wait3A_153, %dma_wait3A_154] : memref<10112x64xf32, #tpu.memory_space<hbm>> -> memref<128x64xf32, #tpu.memory_space<hbm>>
      tpu.wait_dma2 semaphore(%arg12 : memref<!tpu.dma_semaphore, #tpu.memory_space<semaphore_mem>>) src(%dma_wait3A_155 : memref<128x64xf32, #tpu.memory_space<hbm>>) dst(%arg6 : memref<128x64xf32, #tpu.memory_space<vmem>>)
      %dma_start3A_156 = arith.constant 1 : i32
      %dma_start3A_157 = arith.constant 0 : i32
      %dma_start3A_158 = tpu.memref_slice %arg5[%add3A_141, %dma_start3A_156, %dma_start3A_157] : memref<160x2x128xi32, #tpu.memory_space<vmem>> -> memref<1x1x128xi32, #tpu.memory_space<vmem>>
      %dma_start3A_159 = tpu.memref_squeeze %dma_start3A_158 : memref<1x1x128xi32, #tpu.memory_space<vmem>> -> memref<128xi32, #tpu.memory_space<vmem>>
      %dma_start3A_160 = arith.constant 0 : i32
      %dma_start3A_161 = arith.constant 0 : i32
      %dma_start3A_162 = tpu.memref_slice %arg11[%dma_start3A_160, %dma_start3A_161] : memref<10112x64xf32, #tpu.memory_space<vmem_shared>> -> memref<10112x64xf32, #tpu.memory_space<vmem_shared>>
      tpu.enqueue_indirect_dma source(%arg6 : memref<128x64xf32, #tpu.memory_space<vmem>>) target(%dma_start3A_162 : memref<10112x64xf32, #tpu.memory_space<vmem_shared>>) offsets(%dma_start3A_159 : memref<128xi32, #tpu.memory_space<vmem>>) semaphore(%arg17 : memref<!tpu.dma_semaphore, #tpu.memory_space<semaphore_mem>>) {add = true}
      %add3A_163 = arith.constant 3 : i32
      %add3A_164 = arith.addi %add3A_141, %add3A_163 : i32
      %lt3A = arith.constant 160 : i32
      %lt3A_165 = arith.cmpi slt, %add3A_164, %lt3A : i32
      %convert_element_type3A = arith.extui %lt3A_165 : i1 to i32
      %cond3A = arith.constant 0 : i32
      %cond3A_166 = arith.cmpi ne, %convert_element_type3A, %cond3A : i32
      scf.if %cond3A_166 {
        %ge3A = arith.constant 2 : i32
        %ge3A_287 = arith.cmpi sge, %add3A_141, %ge3A : i32
        %convert_element_type3A_288 = arith.extui %ge3A_287 : i1 to i32
        %cond3A_289 = arith.constant 0 : i32
        %cond3A_290 = arith.cmpi ne, %convert_element_type3A_288, %cond3A_289 : i32
        scf.if %cond3A_290 {
          %dma_wait3A_304 = arith.constant 0 : i32
          %dma_wait3A_305 = arith.constant 1 : i32
          %dma_wait3A_306 = arith.constant 0 : i32
          %dma_wait3A_307 = tpu.memref_slice %arg5[%dma_wait3A_304, %dma_wait3A_305, %dma_wait3A_306] : memref<160x2x128xi32, #tpu.memory_space<vmem>> -> memref<1x1x128xi32, #tpu.memory_space<vmem>>
          %dma_wait3A_308 = tpu.memref_squeeze %dma_wait3A_307 : memref<1x1x128xi32, #tpu.memory_space<vmem>> -> memref<128xi32, #tpu.memory_space<vmem>>
          %dma_wait3A_309 = arith.constant 0 : i32
          %dma_wait3A_310 = arith.constant 0 : i32
          %dma_wait3A_311 = tpu.memref_slice %arg11[%dma_wait3A_309, %dma_wait3A_310] : memref<10112x64xf32, #tpu.memory_space<vmem_shared>> -> memref<10112x64xf32, #tpu.memory_space<vmem_shared>>
          tpu.wait_indirect_dma semaphore(%arg20 : memref<!tpu.dma_semaphore, #tpu.memory_space<semaphore_mem>>) src(%arg9 : memref<128x64xf32, #tpu.memory_space<vmem>>) dst(%dma_wait3A_311 : memref<10112x64xf32, #tpu.memory_space<vmem_shared>>)
        } else {
        }
        %add3A_291 = arith.constant 3 : i32
        %add3A_292 = arith.addi %add3A_141, %add3A_291 : i32
        %dma_start3A_293 = arith.constant 0 : i32
        %dma_start3A_294 = arith.constant 0 : i32
        %dma_start3A_295 = tpu.memref_slice %arg5[%add3A_292, %dma_start3A_293, %dma_start3A_294] : memref<160x2x128xi32, #tpu.memory_space<vmem>> -> memref<1x1x128xi32, #tpu.memory_space<vmem>>
        %dma_start3A_296 = tpu.memref_squeeze %dma_start3A_295 : memref<1x1x128xi32, #tpu.memory_space<vmem>> -> memref<128xi32, #tpu.memory_space<vmem>>
        %dma_start3A_297 = arith.constant 0 : i32
        %dma_start3A_298 = arith.constant 0 : i32
        %dma_start3A_299 = tpu.memref_slice %arg3[%arg0, %dma_start3A_297, %dma_start3A_298] : memref<2x10112x64xf32, #tpu.memory_space<hbm>> -> memref<1x10112x64xf32, #tpu.memory_space<hbm>>
        %dma_start3A_300 = tpu.memref_squeeze %dma_start3A_299 : memref<1x10112x64xf32, #tpu.memory_space<hbm>> -> memref<10112x64xf32, #tpu.memory_space<hbm>>
        %dma_start3A_301 = arith.constant 0 : i32
        %dma_start3A_302 = arith.constant 0 : i32
        %dma_start3A_303 = tpu.memref_slice %dma_start3A_300[%dma_start3A_301, %dma_start3A_302] : memref<10112x64xf32, #tpu.memory_space<hbm>> -> memref<10112x64xf32, #tpu.memory_space<hbm>>
        tpu.enqueue_indirect_dma source(%dma_start3A_303 : memref<10112x64xf32, #tpu.memory_space<hbm>>) target(%arg9 : memref<128x64xf32, #tpu.memory_space<vmem>>) offsets(%dma_start3A_296 : memref<128xi32, #tpu.memory_space<vmem>>) semaphore(%arg15 : memref<!tpu.dma_semaphore, #tpu.memory_space<semaphore_mem>>)
      } else {
      }
      %add3A_167 = arith.constant 1 : i32
      %add3A_168 = arith.addi %mul3A_139, %add3A_167 : i32
      %dma_wait3A_169 = arith.constant 0 : i32
      %dma_wait3A_170 = arith.constant 0 : i32
      %dma_wait3A_171 = tpu.memref_slice %arg3[%arg0, %dma_wait3A_169, %dma_wait3A_170] : memref<2x10112x64xf32, #tpu.memory_space<hbm>> -> memref<1x10112x64xf32, #tpu.memory_space<hbm>>
      %dma_wait3A_172 = tpu.memref_squeeze %dma_wait3A_171 : memref<1x10112x64xf32, #tpu.memory_space<hbm>> -> memref<10112x64xf32, #tpu.memory_space<hbm>>
      %dma_wait3A_173 = arith.constant 0 : i32
      %dma_wait3A_174 = arith.constant 0 : i32
      %dma_wait3A_175 = tpu.memref_slice %dma_wait3A_172[%dma_wait3A_173, %dma_wait3A_174] : memref<10112x64xf32, #tpu.memory_space<hbm>> -> memref<128x64xf32, #tpu.memory_space<hbm>>
      %dma_wait3A_176 = arith.constant 0 : i32
      %dma_wait3A_177 = arith.constant 0 : i32
      %dma_wait3A_178 = tpu.memref_slice %arg3[%arg0, %dma_wait3A_176, %dma_wait3A_177] : memref<2x10112x64xf32, #tpu.memory_space<hbm>> -> memref<1x10112x64xf32, #tpu.memory_space<hbm>>
      %dma_wait3A_179 = tpu.memref_squeeze %dma_wait3A_178 : memref<1x10112x64xf32, #tpu.memory_space<hbm>> -> memref<10112x64xf32, #tpu.memory_space<hbm>>
      %dma_wait3A_180 = arith.constant 0 : i32
      %dma_wait3A_181 = arith.constant 0 : i32
      %dma_wait3A_182 = tpu.memref_slice %dma_wait3A_179[%dma_wait3A_180, %dma_wait3A_181] : memref<10112x64xf32, #tpu.memory_space<hbm>> -> memref<128x64xf32, #tpu.memory_space<hbm>>
      tpu.wait_dma2 semaphore(%arg13 : memref<!tpu.dma_semaphore, #tpu.memory_space<semaphore_mem>>) src(%dma_wait3A_182 : memref<128x64xf32, #tpu.memory_space<hbm>>) dst(%arg7 : memref<128x64xf32, #tpu.memory_space<vmem>>)
      %dma_start3A_183 = arith.constant 1 : i32
      %dma_start3A_184 = arith.constant 0 : i32
      %dma_start3A_185 = tpu.memref_slice %arg5[%add3A_168, %dma_start3A_183, %dma_start3A_184] : memref<160x2x128xi32, #tpu.memory_space<vmem>> -> memref<1x1x128xi32, #tpu.memory_space<vmem>>
      %dma_start3A_186 = tpu.memref_squeeze %dma_start3A_185 : memref<1x1x128xi32, #tpu.memory_space<vmem>> -> memref<128xi32, #tpu.memory_space<vmem>>
      %dma_start3A_187 = arith.constant 0 : i32
      %dma_start3A_188 = arith.constant 0 : i32
      %dma_start3A_189 = tpu.memref_slice %arg11[%dma_start3A_187, %dma_start3A_188] : memref<10112x64xf32, #tpu.memory_space<vmem_shared>> -> memref<10112x64xf32, #tpu.memory_space<vmem_shared>>
      tpu.enqueue_indirect_dma source(%arg7 : memref<128x64xf32, #tpu.memory_space<vmem>>) target(%dma_start3A_189 : memref<10112x64xf32, #tpu.memory_space<vmem_shared>>) offsets(%dma_start3A_186 : memref<128xi32, #tpu.memory_space<vmem>>) semaphore(%arg18 : memref<!tpu.dma_semaphore, #tpu.memory_space<semaphore_mem>>) {add = true}
      %add3A_190 = arith.constant 3 : i32
      %add3A_191 = arith.addi %add3A_168, %add3A_190 : i32
      %lt3A_192 = arith.constant 160 : i32
      %lt3A_193 = arith.cmpi slt, %add3A_191, %lt3A_192 : i32
      %convert_element_type3A_194 = arith.extui %lt3A_193 : i1 to i32
      %cond3A_195 = arith.constant 0 : i32
      %cond3A_196 = arith.cmpi ne, %convert_element_type3A_194, %cond3A_195 : i32
      scf.if %cond3A_196 {
        %ge3A = arith.constant 2 : i32
        %ge3A_287 = arith.cmpi sge, %add3A_168, %ge3A : i32
        %convert_element_type3A_288 = arith.extui %ge3A_287 : i1 to i32
        %cond3A_289 = arith.constant 0 : i32
        %cond3A_290 = arith.cmpi ne, %convert_element_type3A_288, %cond3A_289 : i32
        scf.if %cond3A_290 {
          %dma_wait3A_304 = arith.constant 0 : i32
          %dma_wait3A_305 = arith.constant 1 : i32
          %dma_wait3A_306 = arith.constant 0 : i32
          %dma_wait3A_307 = tpu.memref_slice %arg5[%dma_wait3A_304, %dma_wait3A_305, %dma_wait3A_306] : memref<160x2x128xi32, #tpu.memory_space<vmem>> -> memref<1x1x128xi32, #tpu.memory_space<vmem>>
          %dma_wait3A_308 = tpu.memref_squeeze %dma_wait3A_307 : memref<1x1x128xi32, #tpu.memory_space<vmem>> -> memref<128xi32, #tpu.memory_space<vmem>>
          %dma_wait3A_309 = arith.constant 0 : i32
          %dma_wait3A_310 = arith.constant 0 : i32
          %dma_wait3A_311 = tpu.memref_slice %arg11[%dma_wait3A_309, %dma_wait3A_310] : memref<10112x64xf32, #tpu.memory_space<vmem_shared>> -> memref<10112x64xf32, #tpu.memory_space<vmem_shared>>
          tpu.wait_indirect_dma semaphore(%arg21 : memref<!tpu.dma_semaphore, #tpu.memory_space<semaphore_mem>>) src(%arg10 : memref<128x64xf32, #tpu.memory_space<vmem>>) dst(%dma_wait3A_311 : memref<10112x64xf32, #tpu.memory_space<vmem_shared>>)
        } else {
        }
        %add3A_291 = arith.constant 3 : i32
        %add3A_292 = arith.addi %add3A_168, %add3A_291 : i32
        %dma_start3A_293 = arith.constant 0 : i32
        %dma_start3A_294 = arith.constant 0 : i32
        %dma_start3A_295 = tpu.memref_slice %arg5[%add3A_292, %dma_start3A_293, %dma_start3A_294] : memref<160x2x128xi32, #tpu.memory_space<vmem>> -> memref<1x1x128xi32, #tpu.memory_space<vmem>>
        %dma_start3A_296 = tpu.memref_squeeze %dma_start3A_295 : memref<1x1x128xi32, #tpu.memory_space<vmem>> -> memref<128xi32, #tpu.memory_space<vmem>>
        %dma_start3A_297 = arith.constant 0 : i32
        %dma_start3A_298 = arith.constant 0 : i32
        %dma_start3A_299 = tpu.memref_slice %arg3[%arg0, %dma_start3A_297, %dma_start3A_298] : memref<2x10112x64xf32, #tpu.memory_space<hbm>> -> memref<1x10112x64xf32, #tpu.memory_space<hbm>>
        %dma_start3A_300 = tpu.memref_squeeze %dma_start3A_299 : memref<1x10112x64xf32, #tpu.memory_space<hbm>> -> memref<10112x64xf32, #tpu.memory_space<hbm>>
        %dma_start3A_301 = arith.constant 0 : i32
        %dma_start3A_302 = arith.constant 0 : i32
        %dma_start3A_303 = tpu.memref_slice %dma_start3A_300[%dma_start3A_301, %dma_start3A_302] : memref<10112x64xf32, #tpu.memory_space<hbm>> -> memref<10112x64xf32, #tpu.memory_space<hbm>>
        tpu.enqueue_indirect_dma source(%dma_start3A_303 : memref<10112x64xf32, #tpu.memory_space<hbm>>) target(%arg10 : memref<128x64xf32, #tpu.memory_space<vmem>>) offsets(%dma_start3A_296 : memref<128xi32, #tpu.memory_space<vmem>>) semaphore(%arg16 : memref<!tpu.dma_semaphore, #tpu.memory_space<semaphore_mem>>)
      } else {
      }
      %add3A_197 = arith.constant 2 : i32
      %add3A_198 = arith.addi %mul3A_139, %add3A_197 : i32
      %dma_wait3A_199 = arith.constant 0 : i32
      %dma_wait3A_200 = arith.constant 0 : i32
      %dma_wait3A_201 = tpu.memref_slice %arg3[%arg0, %dma_wait3A_199, %dma_wait3A_200] : memref<2x10112x64xf32, #tpu.memory_space<hbm>> -> memref<1x10112x64xf32, #tpu.memory_space<hbm>>
      %dma_wait3A_202 = tpu.memref_squeeze %dma_wait3A_201 : memref<1x10112x64xf32, #tpu.memory_space<hbm>> -> memref<10112x64xf32, #tpu.memory_space<hbm>>
      %dma_wait3A_203 = arith.constant 0 : i32
      %dma_wait3A_204 = arith.constant 0 : i32
      %dma_wait3A_205 = tpu.memref_slice %dma_wait3A_202[%dma_wait3A_203, %dma_wait3A_204] : memref<10112x64xf32, #tpu.memory_space<hbm>> -> memref<128x64xf32, #tpu.memory_space<hbm>>
      %dma_wait3A_206 = arith.constant 0 : i32
      %dma_wait3A_207 = arith.constant 0 : i32
      %dma_wait3A_208 = tpu.memref_slice %arg3[%arg0, %dma_wait3A_206, %dma_wait3A_207] : memref<2x10112x64xf32, #tpu.memory_space<hbm>> -> memref<1x10112x64xf32, #tpu.memory_space<hbm>>
      %dma_wait3A_209 = tpu.memref_squeeze %dma_wait3A_208 : memref<1x10112x64xf32, #tpu.memory_space<hbm>> -> memref<10112x64xf32, #tpu.memory_space<hbm>>
      %dma_wait3A_210 = arith.constant 0 : i32
      %dma_wait3A_211 = arith.constant 0 : i32
      %dma_wait3A_212 = tpu.memref_slice %dma_wait3A_209[%dma_wait3A_210, %dma_wait3A_211] : memref<10112x64xf32, #tpu.memory_space<hbm>> -> memref<128x64xf32, #tpu.memory_space<hbm>>
      tpu.wait_dma2 semaphore(%arg14 : memref<!tpu.dma_semaphore, #tpu.memory_space<semaphore_mem>>) src(%dma_wait3A_212 : memref<128x64xf32, #tpu.memory_space<hbm>>) dst(%arg8 : memref<128x64xf32, #tpu.memory_space<vmem>>)
      %dma_start3A_213 = arith.constant 1 : i32
      %dma_start3A_214 = arith.constant 0 : i32
      %dma_start3A_215 = tpu.memref_slice %arg5[%add3A_198, %dma_start3A_213, %dma_start3A_214] : memref<160x2x128xi32, #tpu.memory_space<vmem>> -> memref<1x1x128xi32, #tpu.memory_space<vmem>>
      %dma_start3A_216 = tpu.memref_squeeze %dma_start3A_215 : memref<1x1x128xi32, #tpu.memory_space<vmem>> -> memref<128xi32, #tpu.memory_space<vmem>>
      %dma_start3A_217 = arith.constant 0 : i32
      %dma_start3A_218 = arith.constant 0 : i32
      %dma_start3A_219 = tpu.memref_slice %arg11[%dma_start3A_217, %dma_start3A_218] : memref<10112x64xf32, #tpu.memory_space<vmem_shared>> -> memref<10112x64xf32, #tpu.memory_space<vmem_shared>>
      tpu.enqueue_indirect_dma source(%arg8 : memref<128x64xf32, #tpu.memory_space<vmem>>) target(%dma_start3A_219 : memref<10112x64xf32, #tpu.memory_space<vmem_shared>>) offsets(%dma_start3A_216 : memref<128xi32, #tpu.memory_space<vmem>>) semaphore(%arg19 : memref<!tpu.dma_semaphore, #tpu.memory_space<semaphore_mem>>) {add = true}
      %add3A_220 = arith.constant 3 : i32
      %add3A_221 = arith.addi %add3A_198, %add3A_220 : i32
      %lt3A_222 = arith.constant 160 : i32
      %lt3A_223 = arith.cmpi slt, %add3A_221, %lt3A_222 : i32
      %convert_element_type3A_224 = arith.extui %lt3A_223 : i1 to i32
      %cond3A_225 = arith.constant 0 : i32
      %cond3A_226 = arith.cmpi ne, %convert_element_type3A_224, %cond3A_225 : i32
      scf.if %cond3A_226 {
        %ge3A = arith.constant 2 : i32
        %ge3A_287 = arith.cmpi sge, %add3A_198, %ge3A : i32
        %convert_element_type3A_288 = arith.extui %ge3A_287 : i1 to i32
        %cond3A_289 = arith.constant 0 : i32
        %cond3A_290 = arith.cmpi ne, %convert_element_type3A_288, %cond3A_289 : i32
        scf.if %cond3A_290 {
          %dma_wait3A_304 = arith.constant 0 : i32
          %dma_wait3A_305 = arith.constant 1 : i32
          %dma_wait3A_306 = arith.constant 0 : i32
          %dma_wait3A_307 = tpu.memref_slice %arg5[%dma_wait3A_304, %dma_wait3A_305, %dma_wait3A_306] : memref<160x2x128xi32, #tpu.memory_space<vmem>> -> memref<1x1x128xi32, #tpu.memory_space<vmem>>
          %dma_wait3A_308 = tpu.memref_squeeze %dma_wait3A_307 : memref<1x1x128xi32, #tpu.memory_space<vmem>> -> memref<128xi32, #tpu.memory_space<vmem>>
          %dma_wait3A_309 = arith.constant 0 : i32
          %dma_wait3A_310 = arith.constant 0 : i32
          %dma_wait3A_311 = tpu.memref_slice %arg11[%dma_wait3A_309, %dma_wait3A_310] : memref<10112x64xf32, #tpu.memory_space<vmem_shared>> -> memref<10112x64xf32, #tpu.memory_space<vmem_shared>>
          tpu.wait_indirect_dma semaphore(%arg17 : memref<!tpu.dma_semaphore, #tpu.memory_space<semaphore_mem>>) src(%arg6 : memref<128x64xf32, #tpu.memory_space<vmem>>) dst(%dma_wait3A_311 : memref<10112x64xf32, #tpu.memory_space<vmem_shared>>)
        } else {
        }
        %add3A_291 = arith.constant 3 : i32
        %add3A_292 = arith.addi %add3A_198, %add3A_291 : i32
        %dma_start3A_293 = arith.constant 0 : i32
        %dma_start3A_294 = arith.constant 0 : i32
        %dma_start3A_295 = tpu.memref_slice %arg5[%add3A_292, %dma_start3A_293, %dma_start3A_294] : memref<160x2x128xi32, #tpu.memory_space<vmem>> -> memref<1x1x128xi32, #tpu.memory_space<vmem>>
        %dma_start3A_296 = tpu.memref_squeeze %dma_start3A_295 : memref<1x1x128xi32, #tpu.memory_space<vmem>> -> memref<128xi32, #tpu.memory_space<vmem>>
        %dma_start3A_297 = arith.constant 0 : i32
        %dma_start3A_298 = arith.constant 0 : i32
        %dma_start3A_299 = tpu.memref_slice %arg3[%arg0, %dma_start3A_297, %dma_start3A_298] : memref<2x10112x64xf32, #tpu.memory_space<hbm>> -> memref<1x10112x64xf32, #tpu.memory_space<hbm>>
        %dma_start3A_300 = tpu.memref_squeeze %dma_start3A_299 : memref<1x10112x64xf32, #tpu.memory_space<hbm>> -> memref<10112x64xf32, #tpu.memory_space<hbm>>
        %dma_start3A_301 = arith.constant 0 : i32
        %dma_start3A_302 = arith.constant 0 : i32
        %dma_start3A_303 = tpu.memref_slice %dma_start3A_300[%dma_start3A_301, %dma_start3A_302] : memref<10112x64xf32, #tpu.memory_space<hbm>> -> memref<10112x64xf32, #tpu.memory_space<hbm>>
        tpu.enqueue_indirect_dma source(%dma_start3A_303 : memref<10112x64xf32, #tpu.memory_space<hbm>>) target(%arg6 : memref<128x64xf32, #tpu.memory_space<vmem>>) offsets(%dma_start3A_296 : memref<128xi32, #tpu.memory_space<vmem>>) semaphore(%arg12 : memref<!tpu.dma_semaphore, #tpu.memory_space<semaphore_mem>>)
      } else {
      }
      %add3A_227 = arith.constant 3 : i32
      %add3A_228 = arith.addi %mul3A_139, %add3A_227 : i32
      %dma_wait3A_229 = arith.constant 0 : i32
      %dma_wait3A_230 = arith.constant 0 : i32
      %dma_wait3A_231 = tpu.memref_slice %arg3[%arg0, %dma_wait3A_229, %dma_wait3A_230] : memref<2x10112x64xf32, #tpu.memory_space<hbm>> -> memref<1x10112x64xf32, #tpu.memory_space<hbm>>
      %dma_wait3A_232 = tpu.memref_squeeze %dma_wait3A_231 : memref<1x10112x64xf32, #tpu.memory_space<hbm>> -> memref<10112x64xf32, #tpu.memory_space<hbm>>
      %dma_wait3A_233 = arith.constant 0 : i32
      %dma_wait3A_234 = arith.constant 0 : i32
      %dma_wait3A_235 = tpu.memref_slice %dma_wait3A_232[%dma_wait3A_233, %dma_wait3A_234] : memref<10112x64xf32, #tpu.memory_space<hbm>> -> memref<128x64xf32, #tpu.memory_space<hbm>>
      %dma_wait3A_236 = arith.constant 0 : i32
      %dma_wait3A_237 = arith.constant 0 : i32
      %dma_wait3A_238 = tpu.memref_slice %arg3[%arg0, %dma_wait3A_236, %dma_wait3A_237] : memref<2x10112x64xf32, #tpu.memory_space<hbm>> -> memref<1x10112x64xf32, #tpu.memory_space<hbm>>
      %dma_wait3A_239 = tpu.memref_squeeze %dma_wait3A_238 : memref<1x10112x64xf32, #tpu.memory_space<hbm>> -> memref<10112x64xf32, #tpu.memory_space<hbm>>
      %dma_wait3A_240 = arith.constant 0 : i32
      %dma_wait3A_241 = arith.constant 0 : i32
      %dma_wait3A_242 = tpu.memref_slice %dma_wait3A_239[%dma_wait3A_240, %dma_wait3A_241] : memref<10112x64xf32, #tpu.memory_space<hbm>> -> memref<128x64xf32, #tpu.memory_space<hbm>>
      tpu.wait_dma2 semaphore(%arg15 : memref<!tpu.dma_semaphore, #tpu.memory_space<semaphore_mem>>) src(%dma_wait3A_242 : memref<128x64xf32, #tpu.memory_space<hbm>>) dst(%arg9 : memref<128x64xf32, #tpu.memory_space<vmem>>)
      %dma_start3A_243 = arith.constant 1 : i32
      %dma_start3A_244 = arith.constant 0 : i32
      %dma_start3A_245 = tpu.memref_slice %arg5[%add3A_228, %dma_start3A_243, %dma_start3A_244] : memref<160x2x128xi32, #tpu.memory_space<vmem>> -> memref<1x1x128xi32, #tpu.memory_space<vmem>>
      %dma_start3A_246 = tpu.memref_squeeze %dma_start3A_245 : memref<1x1x128xi32, #tpu.memory_space<vmem>> -> memref<128xi32, #tpu.memory_space<vmem>>
      %dma_start3A_247 = arith.constant 0 : i32
      %dma_start3A_248 = arith.constant 0 : i32
      %dma_start3A_249 = tpu.memref_slice %arg11[%dma_start3A_247, %dma_start3A_248] : memref<10112x64xf32, #tpu.memory_space<vmem_shared>> -> memref<10112x64xf32, #tpu.memory_space<vmem_shared>>
      tpu.enqueue_indirect_dma source(%arg9 : memref<128x64xf32, #tpu.memory_space<vmem>>) target(%dma_start3A_249 : memref<10112x64xf32, #tpu.memory_space<vmem_shared>>) offsets(%dma_start3A_246 : memref<128xi32, #tpu.memory_space<vmem>>) semaphore(%arg20 : memref<!tpu.dma_semaphore, #tpu.memory_space<semaphore_mem>>) {add = true}
      %add3A_250 = arith.constant 3 : i32
      %add3A_251 = arith.addi %add3A_228, %add3A_250 : i32
      %lt3A_252 = arith.constant 160 : i32
      %lt3A_253 = arith.cmpi slt, %add3A_251, %lt3A_252 : i32
      %convert_element_type3A_254 = arith.extui %lt3A_253 : i1 to i32
      %cond3A_255 = arith.constant 0 : i32
      %cond3A_256 = arith.cmpi ne, %convert_element_type3A_254, %cond3A_255 : i32
      scf.if %cond3A_256 {
        %ge3A = arith.constant 2 : i32
        %ge3A_287 = arith.cmpi sge, %add3A_228, %ge3A : i32
        %convert_element_type3A_288 = arith.extui %ge3A_287 : i1 to i32
        %cond3A_289 = arith.constant 0 : i32
        %cond3A_290 = arith.cmpi ne, %convert_element_type3A_288, %cond3A_289 : i32
        scf.if %cond3A_290 {
          %dma_wait3A_304 = arith.constant 0 : i32
          %dma_wait3A_305 = arith.constant 1 : i32
          %dma_wait3A_306 = arith.constant 0 : i32
          %dma_wait3A_307 = tpu.memref_slice %arg5[%dma_wait3A_304, %dma_wait3A_305, %dma_wait3A_306] : memref<160x2x128xi32, #tpu.memory_space<vmem>> -> memref<1x1x128xi32, #tpu.memory_space<vmem>>
          %dma_wait3A_308 = tpu.memref_squeeze %dma_wait3A_307 : memref<1x1x128xi32, #tpu.memory_space<vmem>> -> memref<128xi32, #tpu.memory_space<vmem>>
          %dma_wait3A_309 = arith.constant 0 : i32
          %dma_wait3A_310 = arith.constant 0 : i32
          %dma_wait3A_311 = tpu.memref_slice %arg11[%dma_wait3A_309, %dma_wait3A_310] : memref<10112x64xf32, #tpu.memory_space<vmem_shared>> -> memref<10112x64xf32, #tpu.memory_space<vmem_shared>>
          tpu.wait_indirect_dma semaphore(%arg18 : memref<!tpu.dma_semaphore, #tpu.memory_space<semaphore_mem>>) src(%arg7 : memref<128x64xf32, #tpu.memory_space<vmem>>) dst(%dma_wait3A_311 : memref<10112x64xf32, #tpu.memory_space<vmem_shared>>)
        } else {
        }
        %add3A_291 = arith.constant 3 : i32
        %add3A_292 = arith.addi %add3A_228, %add3A_291 : i32
        %dma_start3A_293 = arith.constant 0 : i32
        %dma_start3A_294 = arith.constant 0 : i32
        %dma_start3A_295 = tpu.memref_slice %arg5[%add3A_292, %dma_start3A_293, %dma_start3A_294] : memref<160x2x128xi32, #tpu.memory_space<vmem>> -> memref<1x1x128xi32, #tpu.memory_space<vmem>>
        %dma_start3A_296 = tpu.memref_squeeze %dma_start3A_295 : memref<1x1x128xi32, #tpu.memory_space<vmem>> -> memref<128xi32, #tpu.memory_space<vmem>>
        %dma_start3A_297 = arith.constant 0 : i32
        %dma_start3A_298 = arith.constant 0 : i32
        %dma_start3A_299 = tpu.memref_slice %arg3[%arg0, %dma_start3A_297, %dma_start3A_298] : memref<2x10112x64xf32, #tpu.memory_space<hbm>> -> memref<1x10112x64xf32, #tpu.memory_space<hbm>>
        %dma_start3A_300 = tpu.memref_squeeze %dma_start3A_299 : memref<1x10112x64xf32, #tpu.memory_space<hbm>> -> memref<10112x64xf32, #tpu.memory_space<hbm>>
        %dma_start3A_301 = arith.constant 0 : i32
        %dma_start3A_302 = arith.constant 0 : i32
        %dma_start3A_303 = tpu.memref_slice %dma_start3A_300[%dma_start3A_301, %dma_start3A_302] : memref<10112x64xf32, #tpu.memory_space<hbm>> -> memref<10112x64xf32, #tpu.memory_space<hbm>>
        tpu.enqueue_indirect_dma source(%dma_start3A_303 : memref<10112x64xf32, #tpu.memory_space<hbm>>) target(%arg7 : memref<128x64xf32, #tpu.memory_space<vmem>>) offsets(%dma_start3A_296 : memref<128xi32, #tpu.memory_space<vmem>>) semaphore(%arg13 : memref<!tpu.dma_semaphore, #tpu.memory_space<semaphore_mem>>)
      } else {
      }
      %add3A_257 = arith.constant 4 : i32
      %add3A_258 = arith.addi %mul3A_139, %add3A_257 : i32
      %dma_wait3A_259 = arith.constant 0 : i32
      %dma_wait3A_260 = arith.constant 0 : i32
      %dma_wait3A_261 = tpu.memref_slice %arg3[%arg0, %dma_wait3A_259, %dma_wait3A_260] : memref<2x10112x64xf32, #tpu.memory_space<hbm>> -> memref<1x10112x64xf32, #tpu.memory_space<hbm>>
      %dma_wait3A_262 = tpu.memref_squeeze %dma_wait3A_261 : memref<1x10112x64xf32, #tpu.memory_space<hbm>> -> memref<10112x64xf32, #tpu.memory_space<hbm>>
      %dma_wait3A_263 = arith.constant 0 : i32
      %dma_wait3A_264 = arith.constant 0 : i32
      %dma_wait3A_265 = tpu.memref_slice %dma_wait3A_262[%dma_wait3A_263, %dma_wait3A_264] : memref<10112x64xf32, #tpu.memory_space<hbm>> -> memref<128x64xf32, #tpu.memory_space<hbm>>
      %dma_wait3A_266 = arith.constant 0 : i32
      %dma_wait3A_267 = arith.constant 0 : i32
      %dma_wait3A_268 = tpu.memref_slice %arg3[%arg0, %dma_wait3A_266, %dma_wait3A_267] : memref<2x10112x64xf32, #tpu.memory_space<hbm>> -> memref<1x10112x64xf32, #tpu.memory_space<hbm>>
      %dma_wait3A_269 = tpu.memref_squeeze %dma_wait3A_268 : memref<1x10112x64xf32, #tpu.memory_space<hbm>> -> memref<10112x64xf32, #tpu.memory_space<hbm>>
      %dma_wait3A_270 = arith.constant 0 : i32
      %dma_wait3A_271 = arith.constant 0 : i32
      %dma_wait3A_272 = tpu.memref_slice %dma_wait3A_269[%dma_wait3A_270, %dma_wait3A_271] : memref<10112x64xf32, #tpu.memory_space<hbm>> -> memref<128x64xf32, #tpu.memory_space<hbm>>
      tpu.wait_dma2 semaphore(%arg16 : memref<!tpu.dma_semaphore, #tpu.memory_space<semaphore_mem>>) src(%dma_wait3A_272 : memref<128x64xf32, #tpu.memory_space<hbm>>) dst(%arg10 : memref<128x64xf32, #tpu.memory_space<vmem>>)
      %dma_start3A_273 = arith.constant 1 : i32
      %dma_start3A_274 = arith.constant 0 : i32
      %dma_start3A_275 = tpu.memref_slice %arg5[%add3A_258, %dma_start3A_273, %dma_start3A_274] : memref<160x2x128xi32, #tpu.memory_space<vmem>> -> memref<1x1x128xi32, #tpu.memory_space<vmem>>
      %dma_start3A_276 = tpu.memref_squeeze %dma_start3A_275 : memref<1x1x128xi32, #tpu.memory_space<vmem>> -> memref<128xi32, #tpu.memory_space<vmem>>
      %dma_start3A_277 = arith.constant 0 : i32
      %dma_start3A_278 = arith.constant 0 : i32
      %dma_start3A_279 = tpu.memref_slice %arg11[%dma_start3A_277, %dma_start3A_278] : memref<10112x64xf32, #tpu.memory_space<vmem_shared>> -> memref<10112x64xf32, #tpu.memory_space<vmem_shared>>
      tpu.enqueue_indirect_dma source(%arg10 : memref<128x64xf32, #tpu.memory_space<vmem>>) target(%dma_start3A_279 : memref<10112x64xf32, #tpu.memory_space<vmem_shared>>) offsets(%dma_start3A_276 : memref<128xi32, #tpu.memory_space<vmem>>) semaphore(%arg21 : memref<!tpu.dma_semaphore, #tpu.memory_space<semaphore_mem>>) {add = true}
      %add3A_280 = arith.constant 3 : i32
      %add3A_281 = arith.addi %add3A_258, %add3A_280 : i32
      %lt3A_282 = arith.constant 160 : i32
      %lt3A_283 = arith.cmpi slt, %add3A_281, %lt3A_282 : i32
      %convert_element_type3A_284 = arith.extui %lt3A_283 : i1 to i32
      %cond3A_285 = arith.constant 0 : i32
      %cond3A_286 = arith.cmpi ne, %convert_element_type3A_284, %cond3A_285 : i32
      scf.if %cond3A_286 {
        %ge3A = arith.constant 2 : i32
        %ge3A_287 = arith.cmpi sge, %add3A_258, %ge3A : i32
        %convert_element_type3A_288 = arith.extui %ge3A_287 : i1 to i32
        %cond3A_289 = arith.constant 0 : i32
        %cond3A_290 = arith.cmpi ne, %convert_element_type3A_288, %cond3A_289 : i32
        scf.if %cond3A_290 {
          %dma_wait3A_304 = arith.constant 0 : i32
          %dma_wait3A_305 = arith.constant 1 : i32
          %dma_wait3A_306 = arith.constant 0 : i32
          %dma_wait3A_307 = tpu.memref_slice %arg5[%dma_wait3A_304, %dma_wait3A_305, %dma_wait3A_306] : memref<160x2x128xi32, #tpu.memory_space<vmem>> -> memref<1x1x128xi32, #tpu.memory_space<vmem>>
          %dma_wait3A_308 = tpu.memref_squeeze %dma_wait3A_307 : memref<1x1x128xi32, #tpu.memory_space<vmem>> -> memref<128xi32, #tpu.memory_space<vmem>>
          %dma_wait3A_309 = arith.constant 0 : i32
          %dma_wait3A_310 = arith.constant 0 : i32
          %dma_wait3A_311 = tpu.memref_slice %arg11[%dma_wait3A_309, %dma_wait3A_310] : memref<10112x64xf32, #tpu.memory_space<vmem_shared>> -> memref<10112x64xf32, #tpu.memory_space<vmem_shared>>
          tpu.wait_indirect_dma semaphore(%arg19 : memref<!tpu.dma_semaphore, #tpu.memory_space<semaphore_mem>>) src(%arg8 : memref<128x64xf32, #tpu.memory_space<vmem>>) dst(%dma_wait3A_311 : memref<10112x64xf32, #tpu.memory_space<vmem_shared>>)
        } else {
        }
        %add3A_291 = arith.constant 3 : i32
        %add3A_292 = arith.addi %add3A_258, %add3A_291 : i32
        %dma_start3A_293 = arith.constant 0 : i32
        %dma_start3A_294 = arith.constant 0 : i32
        %dma_start3A_295 = tpu.memref_slice %arg5[%add3A_292, %dma_start3A_293, %dma_start3A_294] : memref<160x2x128xi32, #tpu.memory_space<vmem>> -> memref<1x1x128xi32, #tpu.memory_space<vmem>>
        %dma_start3A_296 = tpu.memref_squeeze %dma_start3A_295 : memref<1x1x128xi32, #tpu.memory_space<vmem>> -> memref<128xi32, #tpu.memory_space<vmem>>
        %dma_start3A_297 = arith.constant 0 : i32
        %dma_start3A_298 = arith.constant 0 : i32
        %dma_start3A_299 = tpu.memref_slice %arg3[%arg0, %dma_start3A_297, %dma_start3A_298] : memref<2x10112x64xf32, #tpu.memory_space<hbm>> -> memref<1x10112x64xf32, #tpu.memory_space<hbm>>
        %dma_start3A_300 = tpu.memref_squeeze %dma_start3A_299 : memref<1x10112x64xf32, #tpu.memory_space<hbm>> -> memref<10112x64xf32, #tpu.memory_space<hbm>>
        %dma_start3A_301 = arith.constant 0 : i32
        %dma_start3A_302 = arith.constant 0 : i32
        %dma_start3A_303 = tpu.memref_slice %dma_start3A_300[%dma_start3A_301, %dma_start3A_302] : memref<10112x64xf32, #tpu.memory_space<hbm>> -> memref<10112x64xf32, #tpu.memory_space<hbm>>
        tpu.enqueue_indirect_dma source(%dma_start3A_303 : memref<10112x64xf32, #tpu.memory_space<hbm>>) target(%arg8 : memref<128x64xf32, #tpu.memory_space<vmem>>) offsets(%dma_start3A_296 : memref<128xi32, #tpu.memory_space<vmem>>) semaphore(%arg14 : memref<!tpu.dma_semaphore, #tpu.memory_space<semaphore_mem>>)
      } else {
      }
    }
    %scan3A_61 = arith.constant 32 : i32
    %dma_wait3A = arith.constant 0 : i32
    %dma_wait3A_62 = arith.constant 1 : i32
    %dma_wait3A_63 = arith.constant 0 : i32
    %dma_wait3A_64 = tpu.memref_slice %arg5[%dma_wait3A, %dma_wait3A_62, %dma_wait3A_63] : memref<160x2x128xi32, #tpu.memory_space<vmem>> -> memref<1x1x128xi32, #tpu.memory_space<vmem>>
    %dma_wait3A_65 = tpu.memref_squeeze %dma_wait3A_64 : memref<1x1x128xi32, #tpu.memory_space<vmem>> -> memref<128xi32, #tpu.memory_space<vmem>>
    %dma_wait3A_66 = arith.constant 0 : i32
    %dma_wait3A_67 = arith.constant 0 : i32
    %dma_wait3A_68 = tpu.memref_slice %arg11[%dma_wait3A_66, %dma_wait3A_67] : memref<10112x64xf32, #tpu.memory_space<vmem_shared>> -> memref<10112x64xf32, #tpu.memory_space<vmem_shared>>
    tpu.wait_indirect_dma semaphore(%arg17 : memref<!tpu.dma_semaphore, #tpu.memory_space<semaphore_mem>>) src(%arg6 : memref<128x64xf32, #tpu.memory_space<vmem>>) dst(%dma_wait3A_68 : memref<10112x64xf32, #tpu.memory_space<vmem_shared>>)
    %dma_wait3A_69 = arith.constant 0 : i32
    %dma_wait3A_70 = arith.constant 1 : i32
    %dma_wait3A_71 = arith.constant 0 : i32
    %dma_wait3A_72 = tpu.memref_slice %arg5[%dma_wait3A_69, %dma_wait3A_70, %dma_wait3A_71] : memref<160x2x128xi32, #tpu.memory_space<vmem>> -> memref<1x1x128xi32, #tpu.memory_space<vmem>>
    %dma_wait3A_73 = tpu.memref_squeeze %dma_wait3A_72 : memref<1x1x128xi32, #tpu.memory_space<vmem>> -> memref<128xi32, #tpu.memory_space<vmem>>
    %dma_wait3A_74 = arith.constant 0 : i32
    %dma_wait3A_75 = arith.constant 0 : i32
    %dma_wait3A_76 = tpu.memref_slice %arg11[%dma_wait3A_74, %dma_wait3A_75] : memref<10112x64xf32, #tpu.memory_space<vmem_shared>> -> memref<10112x64xf32, #tpu.memory_space<vmem_shared>>
    tpu.wait_indirect_dma semaphore(%arg18 : memref<!tpu.dma_semaphore, #tpu.memory_space<semaphore_mem>>) src(%arg7 : memref<128x64xf32, #tpu.memory_space<vmem>>) dst(%dma_wait3A_76 : memref<10112x64xf32, #tpu.memory_space<vmem_shared>>)
    %dma_wait3A_77 = arith.constant 0 : i32
    %dma_wait3A_78 = arith.constant 1 : i32
    %dma_wait3A_79 = arith.constant 0 : i32
    %dma_wait3A_80 = tpu.memref_slice %arg5[%dma_wait3A_77, %dma_wait3A_78, %dma_wait3A_79] : memref<160x2x128xi32, #tpu.memory_space<vmem>> -> memref<1x1x128xi32, #tpu.memory_space<vmem>>
    %dma_wait3A_81 = tpu.memref_squeeze %dma_wait3A_80 : memref<1x1x128xi32, #tpu.memory_space<vmem>> -> memref<128xi32, #tpu.memory_space<vmem>>
    %dma_wait3A_82 = arith.constant 0 : i32
    %dma_wait3A_83 = arith.constant 0 : i32
    %dma_wait3A_84 = tpu.memref_slice %arg11[%dma_wait3A_82, %dma_wait3A_83] : memref<10112x64xf32, #tpu.memory_space<vmem_shared>> -> memref<10112x64xf32, #tpu.memory_space<vmem_shared>>
    tpu.wait_indirect_dma semaphore(%arg19 : memref<!tpu.dma_semaphore, #tpu.memory_space<semaphore_mem>>) src(%arg8 : memref<128x64xf32, #tpu.memory_space<vmem>>) dst(%dma_wait3A_84 : memref<10112x64xf32, #tpu.memory_space<vmem_shared>>)
    %dma_wait3A_85 = arith.constant 0 : i32
    %dma_wait3A_86 = arith.constant 1 : i32
    %dma_wait3A_87 = arith.constant 0 : i32
    %dma_wait3A_88 = tpu.memref_slice %arg5[%dma_wait3A_85, %dma_wait3A_86, %dma_wait3A_87] : memref<160x2x128xi32, #tpu.memory_space<vmem>> -> memref<1x1x128xi32, #tpu.memory_space<vmem>>
    %dma_wait3A_89 = tpu.memref_squeeze %dma_wait3A_88 : memref<1x1x128xi32, #tpu.memory_space<vmem>> -> memref<128xi32, #tpu.memory_space<vmem>>
    %dma_wait3A_90 = arith.constant 0 : i32
    %dma_wait3A_91 = arith.constant 0 : i32
    %dma_wait3A_92 = tpu.memref_slice %arg11[%dma_wait3A_90, %dma_wait3A_91] : memref<10112x64xf32, #tpu.memory_space<vmem_shared>> -> memref<10112x64xf32, #tpu.memory_space<vmem_shared>>
    tpu.wait_indirect_dma semaphore(%arg20 : memref<!tpu.dma_semaphore, #tpu.memory_space<semaphore_mem>>) src(%arg9 : memref<128x64xf32, #tpu.memory_space<vmem>>) dst(%dma_wait3A_92 : memref<10112x64xf32, #tpu.memory_space<vmem_shared>>)
    %dma_wait3A_93 = arith.constant 0 : i32
    %dma_wait3A_94 = arith.constant 1 : i32
    %dma_wait3A_95 = arith.constant 0 : i32
    %dma_wait3A_96 = tpu.memref_slice %arg5[%dma_wait3A_93, %dma_wait3A_94, %dma_wait3A_95] : memref<160x2x128xi32, #tpu.memory_space<vmem>> -> memref<1x1x128xi32, #tpu.memory_space<vmem>>
    %dma_wait3A_97 = tpu.memref_squeeze %dma_wait3A_96 : memref<1x1x128xi32, #tpu.memory_space<vmem>> -> memref<128xi32, #tpu.memory_space<vmem>>
    %dma_wait3A_98 = arith.constant 0 : i32
    %dma_wait3A_99 = arith.constant 0 : i32
    %dma_wait3A_100 = tpu.memref_slice %arg11[%dma_wait3A_98, %dma_wait3A_99] : memref<10112x64xf32, #tpu.memory_space<vmem_shared>> -> memref<10112x64xf32, #tpu.memory_space<vmem_shared>>
    tpu.wait_indirect_dma semaphore(%arg21 : memref<!tpu.dma_semaphore, #tpu.memory_space<semaphore_mem>>) src(%arg10 : memref<128x64xf32, #tpu.memory_space<vmem>>) dst(%dma_wait3A_100 : memref<10112x64xf32, #tpu.memory_space<vmem_shared>>)
    %barrier3A_101 = arith.constant 0 : index
    tpu.barrier barrier_id(%barrier3A_101)
    %add3A_102 = arith.constant 0 : i32
    %add3A_103 = arith.addi %mul3A_0, %add3A_102 : i32
    "tpu.region"() ({
      %run_scoped3A = tpu.sem_alloc : memref<!tpu.dma_semaphore, #tpu.memory_space<semaphore_mem>>
      %dma_start3A_137 = arith.constant 0 : i32
      %dma_start3A_138 = arith.constant 0 : i32
      %dma_start3A_139 = tpu.memref_slice %arg6[%dma_start3A_137, %dma_start3A_138] : memref<128x64xf32, #tpu.memory_space<vmem>> -> memref<128x64xf32, #tpu.memory_space<vmem>>
      %dma_start3A_140 = arith.constant 0 : i32
      %dma_start3A_141 = tpu.memref_slice %arg11[%add3A_103, %dma_start3A_140] : memref<10112x64xf32, #tpu.memory_space<vmem_shared>> -> memref<128x64xf32, #tpu.memory_space<vmem_shared>>
      %dma_start3A_142 = arith.constant 0 : i32
      %dma_start3A_143 = arith.constant 0 : i32
      %dma_start3A_144 = tpu.memref_slice %arg6[%dma_start3A_142, %dma_start3A_143] : memref<128x64xf32, #tpu.memory_space<vmem>> -> memref<128x64xf32, #tpu.memory_space<vmem>>
      %dma_start3A_145 = arith.constant 0 : i32
      %dma_start3A_146 = tpu.memref_slice %arg11[%add3A_103, %dma_start3A_145] : memref<10112x64xf32, #tpu.memory_space<vmem_shared>> -> memref<128x64xf32, #tpu.memory_space<vmem_shared>>
      tpu.enqueue_dma source(%dma_start3A_146 : memref<128x64xf32, #tpu.memory_space<vmem_shared>>) target(%dma_start3A_144 : memref<128x64xf32, #tpu.memory_space<vmem>>) target_semaphore(%run_scoped3A : memref<!tpu.dma_semaphore, #tpu.memory_space<semaphore_mem>>)
      %dma_wait3A_147 = arith.constant 0 : i32
      %dma_wait3A_148 = arith.constant 0 : i32
      %dma_wait3A_149 = tpu.memref_slice %arg6[%dma_wait3A_147, %dma_wait3A_148] : memref<128x64xf32, #tpu.memory_space<vmem>> -> memref<128x64xf32, #tpu.memory_space<vmem>>
      %dma_wait3A_150 = arith.constant 0 : i32
      %dma_wait3A_151 = tpu.memref_slice %arg11[%add3A_103, %dma_wait3A_150] : memref<10112x64xf32, #tpu.memory_space<vmem_shared>> -> memref<128x64xf32, #tpu.memory_space<vmem_shared>>
      %dma_wait3A_152 = arith.constant 0 : i32
      %dma_wait3A_153 = arith.constant 0 : i32
      %dma_wait3A_154 = tpu.memref_slice %arg6[%dma_wait3A_152, %dma_wait3A_153] : memref<128x64xf32, #tpu.memory_space<vmem>> -> memref<128x64xf32, #tpu.memory_space<vmem>>
      %dma_wait3A_155 = arith.constant 0 : i32
      %dma_wait3A_156 = tpu.memref_slice %arg11[%add3A_103, %dma_wait3A_155] : memref<10112x64xf32, #tpu.memory_space<vmem_shared>> -> memref<128x64xf32, #tpu.memory_space<vmem_shared>>
      tpu.wait_dma2 semaphore(%run_scoped3A : memref<!tpu.dma_semaphore, #tpu.memory_space<semaphore_mem>>) src(%dma_wait3A_156 : memref<128x64xf32, #tpu.memory_space<vmem_shared>>) dst(%dma_wait3A_154 : memref<128x64xf32, #tpu.memory_space<vmem>>)
      tpu.yield
    }) : () -> ()
    %mul3A_104 = arith.constant 10112 : i32
    %mul3A_105 = arith.muli %arg0, %mul3A_104 : i32
    %add3A_106 = arith.addi %mul3A_105, %mul3A_0 : i32
    %add3A_107 = arith.constant 0 : i32
    %add3A_108 = arith.addi %add3A_106, %add3A_107 : i32
    "tpu.region"() ({
      %run_scoped3A = tpu.sem_alloc : memref<!tpu.dma_semaphore, #tpu.memory_space<semaphore_mem>>
      %dma_start3A_137 = arith.constant 0 : i32
      %dma_start3A_138 = arith.constant 0 : i32
      %dma_start3A_139 = tpu.memref_slice %arg6[%dma_start3A_137, %dma_start3A_138] : memref<128x64xf32, #tpu.memory_space<vmem>> -> memref<128x64xf32, #tpu.memory_space<vmem>>
      %dma_start3A_140 = arith.constant 0 : i32
      %dma_start3A_141 = tpu.memref_slice %arg4[%add3A_108, %dma_start3A_140] : memref<20224x64xf32, #tpu.memory_space<hbm>> -> memref<128x64xf32, #tpu.memory_space<hbm>>
      %dma_start3A_142 = arith.constant 0 : i32
      %dma_start3A_143 = tpu.memref_slice %arg4[%add3A_108, %dma_start3A_142] : memref<20224x64xf32, #tpu.memory_space<hbm>> -> memref<128x64xf32, #tpu.memory_space<hbm>>
      %dma_start3A_144 = arith.constant 0 : i32
      %dma_start3A_145 = arith.constant 0 : i32
      %dma_start3A_146 = tpu.memref_slice %arg6[%dma_start3A_144, %dma_start3A_145] : memref<128x64xf32, #tpu.memory_space<vmem>> -> memref<128x64xf32, #tpu.memory_space<vmem>>
      tpu.enqueue_dma source(%dma_start3A_146 : memref<128x64xf32, #tpu.memory_space<vmem>>) target(%dma_start3A_143 : memref<128x64xf32, #tpu.memory_space<hbm>>) target_semaphore(%run_scoped3A : memref<!tpu.dma_semaphore, #tpu.memory_space<semaphore_mem>>)
      %dma_wait3A_147 = arith.constant 0 : i32
      %dma_wait3A_148 = arith.constant 0 : i32
      %dma_wait3A_149 = tpu.memref_slice %arg6[%dma_wait3A_147, %dma_wait3A_148] : memref<128x64xf32, #tpu.memory_space<vmem>> -> memref<128x64xf32, #tpu.memory_space<vmem>>
      %dma_wait3A_150 = arith.constant 0 : i32
      %dma_wait3A_151 = tpu.memref_slice %arg4[%add3A_108, %dma_wait3A_150] : memref<20224x64xf32, #tpu.memory_space<hbm>> -> memref<128x64xf32, #tpu.memory_space<hbm>>
      %dma_wait3A_152 = arith.constant 0 : i32
      %dma_wait3A_153 = tpu.memref_slice %arg4[%add3A_108, %dma_wait3A_152] : memref<20224x64xf32, #tpu.memory_space<hbm>> -> memref<128x64xf32, #tpu.memory_space<hbm>>
      %dma_wait3A_154 = arith.constant 0 : i32
      %dma_wait3A_155 = arith.constant 0 : i32
      %dma_wait3A_156 = tpu.memref_slice %arg6[%dma_wait3A_154, %dma_wait3A_155] : memref<128x64xf32, #tpu.memory_space<vmem>> -> memref<128x64xf32, #tpu.memory_space<vmem>>
      tpu.wait_dma2 semaphore(%run_scoped3A : memref<!tpu.dma_semaphore, #tpu.memory_space<semaphore_mem>>) src(%dma_wait3A_156 : memref<128x64xf32, #tpu.memory_space<vmem>>) dst(%dma_wait3A_153 : memref<128x64xf32, #tpu.memory_space<hbm>>)
      tpu.yield
    }) : () -> ()
    %add3A_109 = arith.constant 128 : i32
    %add3A_110 = arith.addi %mul3A_0, %add3A_109 : i32
    "tpu.region"() ({
      %run_scoped3A = tpu.sem_alloc : memref<!tpu.dma_semaphore, #tpu.memory_space<semaphore_mem>>
      %dma_start3A_137 = arith.constant 0 : i32
      %dma_start3A_138 = arith.constant 0 : i32
      %dma_start3A_139 = tpu.memref_slice %arg6[%dma_start3A_137, %dma_start3A_138] : memref<128x64xf32, #tpu.memory_space<vmem>> -> memref<128x64xf32, #tpu.memory_space<vmem>>
      %dma_start3A_140 = arith.constant 0 : i32
      %dma_start3A_141 = tpu.memref_slice %arg11[%add3A_110, %dma_start3A_140] : memref<10112x64xf32, #tpu.memory_space<vmem_shared>> -> memref<128x64xf32, #tpu.memory_space<vmem_shared>>
      %dma_start3A_142 = arith.constant 0 : i32
      %dma_start3A_143 = arith.constant 0 : i32
      %dma_start3A_144 = tpu.memref_slice %arg6[%dma_start3A_142, %dma_start3A_143] : memref<128x64xf32, #tpu.memory_space<vmem>> -> memref<128x64xf32, #tpu.memory_space<vmem>>
      %dma_start3A_145 = arith.constant 0 : i32
      %dma_start3A_146 = tpu.memref_slice %arg11[%add3A_110, %dma_start3A_145] : memref<10112x64xf32, #tpu.memory_space<vmem_shared>> -> memref<128x64xf32, #tpu.memory_space<vmem_shared>>
      tpu.enqueue_dma source(%dma_start3A_146 : memref<128x64xf32, #tpu.memory_space<vmem_shared>>) target(%dma_start3A_144 : memref<128x64xf32, #tpu.memory_space<vmem>>) target_semaphore(%run_scoped3A : memref<!tpu.dma_semaphore, #tpu.memory_space<semaphore_mem>>)
      %dma_wait3A_147 = arith.constant 0 : i32
      %dma_wait3A_148 = arith.constant 0 : i32
      %dma_wait3A_149 = tpu.memref_slice %arg6[%dma_wait3A_147, %dma_wait3A_148] : memref<128x64xf32, #tpu.memory_space<vmem>> -> memref<128x64xf32, #tpu.memory_space<vmem>>
      %dma_wait3A_150 = arith.constant 0 : i32
      %dma_wait3A_151 = tpu.memref_slice %arg11[%add3A_110, %dma_wait3A_150] : memref<10112x64xf32, #tpu.memory_space<vmem_shared>> -> memref<128x64xf32, #tpu.memory_space<vmem_shared>>
      %dma_wait3A_152 = arith.constant 0 : i32
      %dma_wait3A_153 = arith.constant 0 : i32
      %dma_wait3A_154 = tpu.memref_slice %arg6[%dma_wait3A_152, %dma_wait3A_153] : memref<128x64xf32, #tpu.memory_space<vmem>> -> memref<128x64xf32, #tpu.memory_space<vmem>>
      %dma_wait3A_155 = arith.constant 0 : i32
      %dma_wait3A_156 = tpu.memref_slice %arg11[%add3A_110, %dma_wait3A_155] : memref<10112x64xf32, #tpu.memory_space<vmem_shared>> -> memref<128x64xf32, #tpu.memory_space<vmem_shared>>
      tpu.wait_dma2 semaphore(%run_scoped3A : memref<!tpu.dma_semaphore, #tpu.memory_space<semaphore_mem>>) src(%dma_wait3A_156 : memref<128x64xf32, #tpu.memory_space<vmem_shared>>) dst(%dma_wait3A_154 : memref<128x64xf32, #tpu.memory_space<vmem>>)
      tpu.yield
    }) : () -> ()
    %mul3A_111 = arith.constant 10112 : i32
    %mul3A_112 = arith.muli %arg0, %mul3A_111 : i32
    %add3A_113 = arith.addi %mul3A_112, %mul3A_0 : i32
    %add3A_114 = arith.constant 128 : i32
    %add3A_115 = arith.addi %add3A_113, %add3A_114 : i32
    "tpu.region"() ({
      %run_scoped3A = tpu.sem_alloc : memref<!tpu.dma_semaphore, #tpu.memory_space<semaphore_mem>>
      %dma_start3A_137 = arith.constant 0 : i32
      %dma_start3A_138 = arith.constant 0 : i32
      %dma_start3A_139 = tpu.memref_slice %arg6[%dma_start3A_137, %dma_start3A_138] : memref<128x64xf32, #tpu.memory_space<vmem>> -> memref<128x64xf32, #tpu.memory_space<vmem>>
      %dma_start3A_140 = arith.constant 0 : i32
      %dma_start3A_141 = tpu.memref_slice %arg4[%add3A_115, %dma_start3A_140] : memref<20224x64xf32, #tpu.memory_space<hbm>> -> memref<128x64xf32, #tpu.memory_space<hbm>>
      %dma_start3A_142 = arith.constant 0 : i32
      %dma_start3A_143 = tpu.memref_slice %arg4[%add3A_115, %dma_start3A_142] : memref<20224x64xf32, #tpu.memory_space<hbm>> -> memref<128x64xf32, #tpu.memory_space<hbm>>
      %dma_start3A_144 = arith.constant 0 : i32
      %dma_start3A_145 = arith.constant 0 : i32
      %dma_start3A_146 = tpu.memref_slice %arg6[%dma_start3A_144, %dma_start3A_145] : memref<128x64xf32, #tpu.memory_space<vmem>> -> memref<128x64xf32, #tpu.memory_space<vmem>>
      tpu.enqueue_dma source(%dma_start3A_146 : memref<128x64xf32, #tpu.memory_space<vmem>>) target(%dma_start3A_143 : memref<128x64xf32, #tpu.memory_space<hbm>>) target_semaphore(%run_scoped3A : memref<!tpu.dma_semaphore, #tpu.memory_space<semaphore_mem>>)
      %dma_wait3A_147 = arith.constant 0 : i32
      %dma_wait3A_148 = arith.constant 0 : i32
      %dma_wait3A_149 = tpu.memref_slice %arg6[%dma_wait3A_147, %dma_wait3A_148] : memref<128x64xf32, #tpu.memory_space<vmem>> -> memref<128x64xf32, #tpu.memory_space<vmem>>
      %dma_wait3A_150 = arith.constant 0 : i32
      %dma_wait3A_151 = tpu.memref_slice %arg4[%add3A_115, %dma_wait3A_150] : memref<20224x64xf32, #tpu.memory_space<hbm>> -> memref<128x64xf32, #tpu.memory_space<hbm>>
      %dma_wait3A_152 = arith.constant 0 : i32
      %dma_wait3A_153 = tpu.memref_slice %arg4[%add3A_115, %dma_wait3A_152] : memref<20224x64xf32, #tpu.memory_space<hbm>> -> memref<128x64xf32, #tpu.memory_space<hbm>>
      %dma_wait3A_154 = arith.constant 0 : i32
      %dma_wait3A_155 = arith.constant 0 : i32
      %dma_wait3A_156 = tpu.memref_slice %arg6[%dma_wait3A_154, %dma_wait3A_155] : memref<128x64xf32, #tpu.memory_space<vmem>> -> memref<128x64xf32, #tpu.memory_space<vmem>>
      tpu.wait_dma2 semaphore(%run_scoped3A : memref<!tpu.dma_semaphore, #tpu.memory_space<semaphore_mem>>) src(%dma_wait3A_156 : memref<128x64xf32, #tpu.memory_space<vmem>>) dst(%dma_wait3A_153 : memref<128x64xf32, #tpu.memory_space<hbm>>)
      tpu.yield
    }) : () -> ()
    %add3A_116 = arith.constant 256 : i32
    %add3A_117 = arith.addi %mul3A_0, %add3A_116 : i32
    "tpu.region"() ({
      %run_scoped3A = tpu.sem_alloc : memref<!tpu.dma_semaphore, #tpu.memory_space<semaphore_mem>>
      %dma_start3A_137 = arith.constant 0 : i32
      %dma_start3A_138 = arith.constant 0 : i32
      %dma_start3A_139 = tpu.memref_slice %arg6[%dma_start3A_137, %dma_start3A_138] : memref<128x64xf32, #tpu.memory_space<vmem>> -> memref<128x64xf32, #tpu.memory_space<vmem>>
      %dma_start3A_140 = arith.constant 0 : i32
      %dma_start3A_141 = tpu.memref_slice %arg11[%add3A_117, %dma_start3A_140] : memref<10112x64xf32, #tpu.memory_space<vmem_shared>> -> memref<128x64xf32, #tpu.memory_space<vmem_shared>>
      %dma_start3A_142 = arith.constant 0 : i32
      %dma_start3A_143 = arith.constant 0 : i32
      %dma_start3A_144 = tpu.memref_slice %arg6[%dma_start3A_142, %dma_start3A_143] : memref<128x64xf32, #tpu.memory_space<vmem>> -> memref<128x64xf32, #tpu.memory_space<vmem>>
      %dma_start3A_145 = arith.constant 0 : i32
      %dma_start3A_146 = tpu.memref_slice %arg11[%add3A_117, %dma_start3A_145] : memref<10112x64xf32, #tpu.memory_space<vmem_shared>> -> memref<128x64xf32, #tpu.memory_space<vmem_shared>>
      tpu.enqueue_dma source(%dma_start3A_146 : memref<128x64xf32, #tpu.memory_space<vmem_shared>>) target(%dma_start3A_144 : memref<128x64xf32, #tpu.memory_space<vmem>>) target_semaphore(%run_scoped3A : memref<!tpu.dma_semaphore, #tpu.memory_space<semaphore_mem>>)
      %dma_wait3A_147 = arith.constant 0 : i32
      %dma_wait3A_148 = arith.constant 0 : i32
      %dma_wait3A_149 = tpu.memref_slice %arg6[%dma_wait3A_147, %dma_wait3A_148] : memref<128x64xf32, #tpu.memory_space<vmem>> -> memref<128x64xf32, #tpu.memory_space<vmem>>
      %dma_wait3A_150 = arith.constant 0 : i32
      %dma_wait3A_151 = tpu.memref_slice %arg11[%add3A_117, %dma_wait3A_150] : memref<10112x64xf32, #tpu.memory_space<vmem_shared>> -> memref<128x64xf32, #tpu.memory_space<vmem_shared>>
      %dma_wait3A_152 = arith.constant 0 : i32
      %dma_wait3A_153 = arith.constant 0 : i32
      %dma_wait3A_154 = tpu.memref_slice %arg6[%dma_wait3A_152, %dma_wait3A_153] : memref<128x64xf32, #tpu.memory_space<vmem>> -> memref<128x64xf32, #tpu.memory_space<vmem>>
      %dma_wait3A_155 = arith.constant 0 : i32
      %dma_wait3A_156 = tpu.memref_slice %arg11[%add3A_117, %dma_wait3A_155] : memref<10112x64xf32, #tpu.memory_space<vmem_shared>> -> memref<128x64xf32, #tpu.memory_space<vmem_shared>>
      tpu.wait_dma2 semaphore(%run_scoped3A : memref<!tpu.dma_semaphore, #tpu.memory_space<semaphore_mem>>) src(%dma_wait3A_156 : memref<128x64xf32, #tpu.memory_space<vmem_shared>>) dst(%dma_wait3A_154 : memref<128x64xf32, #tpu.memory_space<vmem>>)
      tpu.yield
    }) : () -> ()
    %mul3A_118 = arith.constant 10112 : i32
    %mul3A_119 = arith.muli %arg0, %mul3A_118 : i32
    %add3A_120 = arith.addi %mul3A_119, %mul3A_0 : i32
    %add3A_121 = arith.constant 256 : i32
    %add3A_122 = arith.addi %add3A_120, %add3A_121 : i32
    "tpu.region"() ({
      %run_scoped3A = tpu.sem_alloc : memref<!tpu.dma_semaphore, #tpu.memory_space<semaphore_mem>>
      %dma_start3A_137 = arith.constant 0 : i32
      %dma_start3A_138 = arith.constant 0 : i32
      %dma_start3A_139 = tpu.memref_slice %arg6[%dma_start3A_137, %dma_start3A_138] : memref<128x64xf32, #tpu.memory_space<vmem>> -> memref<128x64xf32, #tpu.memory_space<vmem>>
      %dma_start3A_140 = arith.constant 0 : i32
      %dma_start3A_141 = tpu.memref_slice %arg4[%add3A_122, %dma_start3A_140] : memref<20224x64xf32, #tpu.memory_space<hbm>> -> memref<128x64xf32, #tpu.memory_space<hbm>>
      %dma_start3A_142 = arith.constant 0 : i32
      %dma_start3A_143 = tpu.memref_slice %arg4[%add3A_122, %dma_start3A_142] : memref<20224x64xf32, #tpu.memory_space<hbm>> -> memref<128x64xf32, #tpu.memory_space<hbm>>
      %dma_start3A_144 = arith.constant 0 : i32
      %dma_start3A_145 = arith.constant 0 : i32
      %dma_start3A_146 = tpu.memref_slice %arg6[%dma_start3A_144, %dma_start3A_145] : memref<128x64xf32, #tpu.memory_space<vmem>> -> memref<128x64xf32, #tpu.memory_space<vmem>>
      tpu.enqueue_dma source(%dma_start3A_146 : memref<128x64xf32, #tpu.memory_space<vmem>>) target(%dma_start3A_143 : memref<128x64xf32, #tpu.memory_space<hbm>>) target_semaphore(%run_scoped3A : memref<!tpu.dma_semaphore, #tpu.memory_space<semaphore_mem>>)
      %dma_wait3A_147 = arith.constant 0 : i32
      %dma_wait3A_148 = arith.constant 0 : i32
      %dma_wait3A_149 = tpu.memref_slice %arg6[%dma_wait3A_147, %dma_wait3A_148] : memref<128x64xf32, #tpu.memory_space<vmem>> -> memref<128x64xf32, #tpu.memory_space<vmem>>
      %dma_wait3A_150 = arith.constant 0 : i32
      %dma_wait3A_151 = tpu.memref_slice %arg4[%add3A_122, %dma_wait3A_150] : memref<20224x64xf32, #tpu.memory_space<hbm>> -> memref<128x64xf32, #tpu.memory_space<hbm>>
      %dma_wait3A_152 = arith.constant 0 : i32
      %dma_wait3A_153 = tpu.memref_slice %arg4[%add3A_122, %dma_wait3A_152] : memref<20224x64xf32, #tpu.memory_space<hbm>> -> memref<128x64xf32, #tpu.memory_space<hbm>>
      %dma_wait3A_154 = arith.constant 0 : i32
      %dma_wait3A_155 = arith.constant 0 : i32
      %dma_wait3A_156 = tpu.memref_slice %arg6[%dma_wait3A_154, %dma_wait3A_155] : memref<128x64xf32, #tpu.memory_space<vmem>> -> memref<128x64xf32, #tpu.memory_space<vmem>>
      tpu.wait_dma2 semaphore(%run_scoped3A : memref<!tpu.dma_semaphore, #tpu.memory_space<semaphore_mem>>) src(%dma_wait3A_156 : memref<128x64xf32, #tpu.memory_space<vmem>>) dst(%dma_wait3A_153 : memref<128x64xf32, #tpu.memory_space<hbm>>)
      tpu.yield
    }) : () -> ()
    %add3A_123 = arith.constant 384 : i32
    %add3A_124 = arith.addi %mul3A_0, %add3A_123 : i32
    "tpu.region"() ({
      %run_scoped3A = tpu.sem_alloc : memref<!tpu.dma_semaphore, #tpu.memory_space<semaphore_mem>>
      %dma_start3A_137 = arith.constant 0 : i32
      %dma_start3A_138 = arith.constant 0 : i32
      %dma_start3A_139 = tpu.memref_slice %arg6[%dma_start3A_137, %dma_start3A_138] : memref<128x64xf32, #tpu.memory_space<vmem>> -> memref<128x64xf32, #tpu.memory_space<vmem>>
      %dma_start3A_140 = arith.constant 0 : i32
      %dma_start3A_141 = tpu.memref_slice %arg11[%add3A_124, %dma_start3A_140] : memref<10112x64xf32, #tpu.memory_space<vmem_shared>> -> memref<128x64xf32, #tpu.memory_space<vmem_shared>>
      %dma_start3A_142 = arith.constant 0 : i32
      %dma_start3A_143 = arith.constant 0 : i32
      %dma_start3A_144 = tpu.memref_slice %arg6[%dma_start3A_142, %dma_start3A_143] : memref<128x64xf32, #tpu.memory_space<vmem>> -> memref<128x64xf32, #tpu.memory_space<vmem>>
      %dma_start3A_145 = arith.constant 0 : i32
      %dma_start3A_146 = tpu.memref_slice %arg11[%add3A_124, %dma_start3A_145] : memref<10112x64xf32, #tpu.memory_space<vmem_shared>> -> memref<128x64xf32, #tpu.memory_space<vmem_shared>>
      tpu.enqueue_dma source(%dma_start3A_146 : memref<128x64xf32, #tpu.memory_space<vmem_shared>>) target(%dma_start3A_144 : memref<128x64xf32, #tpu.memory_space<vmem>>) target_semaphore(%run_scoped3A : memref<!tpu.dma_semaphore, #tpu.memory_space<semaphore_mem>>)
      %dma_wait3A_147 = arith.constant 0 : i32
      %dma_wait3A_148 = arith.constant 0 : i32
      %dma_wait3A_149 = tpu.memref_slice %arg6[%dma_wait3A_147, %dma_wait3A_148] : memref<128x64xf32, #tpu.memory_space<vmem>> -> memref<128x64xf32, #tpu.memory_space<vmem>>
      %dma_wait3A_150 = arith.constant 0 : i32
      %dma_wait3A_151 = tpu.memref_slice %arg11[%add3A_124, %dma_wait3A_150] : memref<10112x64xf32, #tpu.memory_space<vmem_shared>> -> memref<128x64xf32, #tpu.memory_space<vmem_shared>>
      %dma_wait3A_152 = arith.constant 0 : i32
      %dma_wait3A_153 = arith.constant 0 : i32
      %dma_wait3A_154 = tpu.memref_slice %arg6[%dma_wait3A_152, %dma_wait3A_153] : memref<128x64xf32, #tpu.memory_space<vmem>> -> memref<128x64xf32, #tpu.memory_space<vmem>>
      %dma_wait3A_155 = arith.constant 0 : i32
      %dma_wait3A_156 = tpu.memref_slice %arg11[%add3A_124, %dma_wait3A_155] : memref<10112x64xf32, #tpu.memory_space<vmem_shared>> -> memref<128x64xf32, #tpu.memory_space<vmem_shared>>
      tpu.wait_dma2 semaphore(%run_scoped3A : memref<!tpu.dma_semaphore, #tpu.memory_space<semaphore_mem>>) src(%dma_wait3A_156 : memref<128x64xf32, #tpu.memory_space<vmem_shared>>) dst(%dma_wait3A_154 : memref<128x64xf32, #tpu.memory_space<vmem>>)
      tpu.yield
    }) : () -> ()
    %mul3A_125 = arith.constant 10112 : i32
    %mul3A_126 = arith.muli %arg0, %mul3A_125 : i32
    %add3A_127 = arith.addi %mul3A_126, %mul3A_0 : i32
    %add3A_128 = arith.constant 384 : i32
    %add3A_129 = arith.addi %add3A_127, %add3A_128 : i32
    "tpu.region"() ({
      %run_scoped3A = tpu.sem_alloc : memref<!tpu.dma_semaphore, #tpu.memory_space<semaphore_mem>>
      %dma_start3A_137 = arith.constant 0 : i32
      %dma_start3A_138 = arith.constant 0 : i32
      %dma_start3A_139 = tpu.memref_slice %arg6[%dma_start3A_137, %dma_start3A_138] : memref<128x64xf32, #tpu.memory_space<vmem>> -> memref<128x64xf32, #tpu.memory_space<vmem>>
      %dma_start3A_140 = arith.constant 0 : i32
      %dma_start3A_141 = tpu.memref_slice %arg4[%add3A_129, %dma_start3A_140] : memref<20224x64xf32, #tpu.memory_space<hbm>> -> memref<128x64xf32, #tpu.memory_space<hbm>>
      %dma_start3A_142 = arith.constant 0 : i32
      %dma_start3A_143 = tpu.memref_slice %arg4[%add3A_129, %dma_start3A_142] : memref<20224x64xf32, #tpu.memory_space<hbm>> -> memref<128x64xf32, #tpu.memory_space<hbm>>
      %dma_start3A_144 = arith.constant 0 : i32
      %dma_start3A_145 = arith.constant 0 : i32
      %dma_start3A_146 = tpu.memref_slice %arg6[%dma_start3A_144, %dma_start3A_145] : memref<128x64xf32, #tpu.memory_space<vmem>> -> memref<128x64xf32, #tpu.memory_space<vmem>>
      tpu.enqueue_dma source(%dma_start3A_146 : memref<128x64xf32, #tpu.memory_space<vmem>>) target(%dma_start3A_143 : memref<128x64xf32, #tpu.memory_space<hbm>>) target_semaphore(%run_scoped3A : memref<!tpu.dma_semaphore, #tpu.memory_space<semaphore_mem>>)
      %dma_wait3A_147 = arith.constant 0 : i32
      %dma_wait3A_148 = arith.constant 0 : i32
      %dma_wait3A_149 = tpu.memref_slice %arg6[%dma_wait3A_147, %dma_wait3A_148] : memref<128x64xf32, #tpu.memory_space<vmem>> -> memref<128x64xf32, #tpu.memory_space<vmem>>
      %dma_wait3A_150 = arith.constant 0 : i32
      %dma_wait3A_151 = tpu.memref_slice %arg4[%add3A_129, %dma_wait3A_150] : memref<20224x64xf32, #tpu.memory_space<hbm>> -> memref<128x64xf32, #tpu.memory_space<hbm>>
      %dma_wait3A_152 = arith.constant 0 : i32
      %dma_wait3A_153 = tpu.memref_slice %arg4[%add3A_129, %dma_wait3A_152] : memref<20224x64xf32, #tpu.memory_space<hbm>> -> memref<128x64xf32, #tpu.memory_space<hbm>>
      %dma_wait3A_154 = arith.constant 0 : i32
      %dma_wait3A_155 = arith.constant 0 : i32
      %dma_wait3A_156 = tpu.memref_slice %arg6[%dma_wait3A_154, %dma_wait3A_155] : memref<128x64xf32, #tpu.memory_space<vmem>> -> memref<128x64xf32, #tpu.memory_space<vmem>>
      tpu.wait_dma2 semaphore(%run_scoped3A : memref<!tpu.dma_semaphore, #tpu.memory_space<semaphore_mem>>) src(%dma_wait3A_156 : memref<128x64xf32, #tpu.memory_space<vmem>>) dst(%dma_wait3A_153 : memref<128x64xf32, #tpu.memory_space<hbm>>)
      tpu.yield
    }) : () -> ()
    %add3A_130 = arith.constant 512 : i32
    %add3A_131 = arith.addi %mul3A_0, %add3A_130 : i32
    "tpu.region"() ({
      %run_scoped3A = tpu.sem_alloc : memref<!tpu.dma_semaphore, #tpu.memory_space<semaphore_mem>>
      %dma_start3A_137 = arith.constant 0 : i32
      %dma_start3A_138 = arith.constant 0 : i32
      %dma_start3A_139 = tpu.memref_slice %arg6[%dma_start3A_137, %dma_start3A_138] : memref<128x64xf32, #tpu.memory_space<vmem>> -> memref<120x64xf32, #tpu.memory_space<vmem>>
      %dma_start3A_140 = arith.constant 0 : i32
      %dma_start3A_141 = tpu.memref_slice %arg11[%add3A_131, %dma_start3A_140] : memref<10112x64xf32, #tpu.memory_space<vmem_shared>> -> memref<120x64xf32, #tpu.memory_space<vmem_shared>>
      %dma_start3A_142 = arith.constant 0 : i32
      %dma_start3A_143 = arith.constant 0 : i32
      %dma_start3A_144 = tpu.memref_slice %arg6[%dma_start3A_142, %dma_start3A_143] : memref<128x64xf32, #tpu.memory_space<vmem>> -> memref<120x64xf32, #tpu.memory_space<vmem>>
      %dma_start3A_145 = arith.constant 0 : i32
      %dma_start3A_146 = tpu.memref_slice %arg11[%add3A_131, %dma_start3A_145] : memref<10112x64xf32, #tpu.memory_space<vmem_shared>> -> memref<120x64xf32, #tpu.memory_space<vmem_shared>>
      tpu.enqueue_dma source(%dma_start3A_146 : memref<120x64xf32, #tpu.memory_space<vmem_shared>>) target(%dma_start3A_144 : memref<120x64xf32, #tpu.memory_space<vmem>>) target_semaphore(%run_scoped3A : memref<!tpu.dma_semaphore, #tpu.memory_space<semaphore_mem>>)
      %dma_wait3A_147 = arith.constant 0 : i32
      %dma_wait3A_148 = arith.constant 0 : i32
      %dma_wait3A_149 = tpu.memref_slice %arg6[%dma_wait3A_147, %dma_wait3A_148] : memref<128x64xf32, #tpu.memory_space<vmem>> -> memref<120x64xf32, #tpu.memory_space<vmem>>
      %dma_wait3A_150 = arith.constant 0 : i32
      %dma_wait3A_151 = tpu.memref_slice %arg11[%add3A_131, %dma_wait3A_150] : memref<10112x64xf32, #tpu.memory_space<vmem_shared>> -> memref<120x64xf32, #tpu.memory_space<vmem_shared>>
      %dma_wait3A_152 = arith.constant 0 : i32
      %dma_wait3A_153 = arith.constant 0 : i32
      %dma_wait3A_154 = tpu.memref_slice %arg6[%dma_wait3A_152, %dma_wait3A_153] : memref<128x64xf32, #tpu.memory_space<vmem>> -> memref<120x64xf32, #tpu.memory_space<vmem>>
      %dma_wait3A_155 = arith.constant 0 : i32
      %dma_wait3A_156 = tpu.memref_slice %arg11[%add3A_131, %dma_wait3A_155] : memref<10112x64xf32, #tpu.memory_space<vmem_shared>> -> memref<120x64xf32, #tpu.memory_space<vmem_shared>>
      tpu.wait_dma2 semaphore(%run_scoped3A : memref<!tpu.dma_semaphore, #tpu.memory_space<semaphore_mem>>) src(%dma_wait3A_156 : memref<120x64xf32, #tpu.memory_space<vmem_shared>>) dst(%dma_wait3A_154 : memref<120x64xf32, #tpu.memory_space<vmem>>)
      tpu.yield
    }) : () -> ()
    %mul3A_132 = arith.constant 10112 : i32
    %mul3A_133 = arith.muli %arg0, %mul3A_132 : i32
    %add3A_134 = arith.addi %mul3A_133, %mul3A_0 : i32
    %add3A_135 = arith.constant 512 : i32
    %add3A_136 = arith.addi %add3A_134, %add3A_135 : i32
    "tpu.region"() ({
      %run_scoped3A = tpu.sem_alloc : memref<!tpu.dma_semaphore, #tpu.memory_space<semaphore_mem>>
      %dma_start3A_137 = arith.constant 0 : i32
      %dma_start3A_138 = arith.constant 0 : i32
      %dma_start3A_139 = tpu.memref_slice %arg6[%dma_start3A_137, %dma_start3A_138] : memref<128x64xf32, #tpu.memory_space<vmem>> -> memref<120x64xf32, #tpu.memory_space<vmem>>
      %dma_start3A_140 = arith.constant 0 : i32
      %dma_start3A_141 = tpu.memref_slice %arg4[%add3A_136, %dma_start3A_140] : memref<20224x64xf32, #tpu.memory_space<hbm>> -> memref<120x64xf32, #tpu.memory_space<hbm>>
      %dma_start3A_142 = arith.constant 0 : i32
      %dma_start3A_143 = tpu.memref_slice %arg4[%add3A_136, %dma_start3A_142] : memref<20224x64xf32, #tpu.memory_space<hbm>> -> memref<120x64xf32, #tpu.memory_space<hbm>>
      %dma_start3A_144 = arith.constant 0 : i32
      %dma_start3A_145 = arith.constant 0 : i32
      %dma_start3A_146 = tpu.memref_slice %arg6[%dma_start3A_144, %dma_start3A_145] : memref<128x64xf32, #tpu.memory_space<vmem>> -> memref<120x64xf32, #tpu.memory_space<vmem>>
      tpu.enqueue_dma source(%dma_start3A_146 : memref<120x64xf32, #tpu.memory_space<vmem>>) target(%dma_start3A_143 : memref<120x64xf32, #tpu.memory_space<hbm>>) target_semaphore(%run_scoped3A : memref<!tpu.dma_semaphore, #tpu.memory_space<semaphore_mem>>)
      %dma_wait3A_147 = arith.constant 0 : i32
      %dma_wait3A_148 = arith.constant 0 : i32
      %dma_wait3A_149 = tpu.memref_slice %arg6[%dma_wait3A_147, %dma_wait3A_148] : memref<128x64xf32, #tpu.memory_space<vmem>> -> memref<120x64xf32, #tpu.memory_space<vmem>>
      %dma_wait3A_150 = arith.constant 0 : i32
      %dma_wait3A_151 = tpu.memref_slice %arg4[%add3A_136, %dma_wait3A_150] : memref<20224x64xf32, #tpu.memory_space<hbm>> -> memref<120x64xf32, #tpu.memory_space<hbm>>
      %dma_wait3A_152 = arith.constant 0 : i32
      %dma_wait3A_153 = tpu.memref_slice %arg4[%add3A_136, %dma_wait3A_152] : memref<20224x64xf32, #tpu.memory_space<hbm>> -> memref<120x64xf32, #tpu.memory_space<hbm>>
      %dma_wait3A_154 = arith.constant 0 : i32
      %dma_wait3A_155 = arith.constant 0 : i32
      %dma_wait3A_156 = tpu.memref_slice %arg6[%dma_wait3A_154, %dma_wait3A_155] : memref<128x64xf32, #tpu.memory_space<vmem>> -> memref<120x64xf32, #tpu.memory_space<vmem>>
      tpu.wait_dma2 semaphore(%run_scoped3A : memref<!tpu.dma_semaphore, #tpu.memory_space<semaphore_mem>>) src(%dma_wait3A_156 : memref<120x64xf32, #tpu.memory_space<vmem>>) dst(%dma_wait3A_153 : memref<120x64xf32, #tpu.memory_space<hbm>>)
      tpu.yield
    }) : () -> ()
    return
  }
}

module attributes {stable_mosaic.version = 14 : i64} {
  func.func @_mm_body(%arg0: memref<10112x128xf32, #tpu.memory_space<vmem>>, %arg1: memref<128x128xf32, #tpu.memory_space<vmem>>, %arg2: memref<10112x128xf32, #tpu.memory_space<vmem>>) attributes {dimension_semantics = [], scalar_prefetch = 0 : i64, scratch_operands = 0 : i64, tpu.core_type = #tpu.core_type<tc>} {
    %get3A = arith.constant 0 : index
    %get3A_0 = arith.constant 0 : index
    %get3A_1 = vector.load %arg0[%get3A, %get3A_0] : memref<10112x128xf32, #tpu.memory_space<vmem>>, vector<10112x128xf32>
    %get3A_2 = arith.constant 0 : index
    %get3A_3 = arith.constant 0 : index
    %get3A_4 = vector.load %arg1[%get3A_2, %get3A_3] : memref<128x128xf32, #tpu.memory_space<vmem>>, vector<128x128xf32>
    %dot_general3A = arith.constant dense<0.000000e+00> : vector<10112x128xf32>
    %dot_general3A_5 = tpu.matmul %get3A_1, %get3A_4, %dot_general3A {dimension_numbers = #tpu.dot_dimension_numbers<[1], [0], [0], [1], [0, 0, 1, 1], [], []>, transpose_lhs_hint = false} : vector<10112x128xf32>, vector<128x128xf32>, vector<10112x128xf32> -> vector<10112x128xf32>
    %swap3A = arith.constant 0 : index
    %swap3A_6 = arith.constant 0 : index
    %swap3A_7 = vector.load %arg2[%swap3A, %swap3A_6] : memref<10112x128xf32, #tpu.memory_space<vmem>>, vector<10112x128xf32>
    tpu.vector_store %arg2[%swap3A, %swap3A_6], %dot_general3A_5 {strides = array<i32>} : memref<10112x128xf32, #tpu.memory_space<vmem>>, vector<10112x128xf32>,
    return
  }
}

module attributes {stable_mosaic.version = 14 : i64} {
  func.func @_scale_body(%arg0: memref<10112x128xf32, #tpu.memory_space<vmem>>, %arg1: memref<2x10112xf32, #tpu.memory_space<vmem>>, %arg2: memref<2x10112x64xf32, #tpu.memory_space<vmem>>, %arg3: memref<10112xf32, #tpu.memory_space<vmem>>) attributes {dimension_semantics = [], scalar_prefetch = 0 : i64, scratch_operands = 0 : i64, tpu.core_type = #tpu.core_type<tc>} {
    %get3A = arith.constant 0 : index
    %get3A_0 = arith.constant 0 : index
    %get3A_1 = vector.load %arg1[%get3A, %get3A_0] : memref<2x10112xf32, #tpu.memory_space<vmem>>, vector<1x10112xf32>
    %get3A_2 = vector.shape_cast %get3A_1 : vector<1x10112xf32> to vector<10112xf32>
    %get3A_3 = arith.constant 1 : index
    %get3A_4 = arith.constant 0 : index
    %get3A_5 = vector.load %arg1[%get3A_3, %get3A_4] : memref<2x10112xf32, #tpu.memory_space<vmem>>, vector<1x10112xf32>
    %get3A_6 = vector.shape_cast %get3A_5 : vector<1x10112xf32> to vector<10112xf32>
    %add3A = arith.addf %get3A_2, %get3A_6 : vector<10112xf32>
    %rsqrt3A = math.rsqrt %add3A : vector<10112xf32>
    %broadcast_in_dim3A = vector.shape_cast %rsqrt3A : vector<10112xf32> to vector<10112x1xf32>
    %get3A_7 = arith.constant 0 : index
    %get3A_8 = arith.constant 0 : index
    %get3A_9 = vector.load %arg0[%get3A_7, %get3A_8] : memref<10112x128xf32, #tpu.memory_space<vmem>>, vector<10112x128xf32>
    %mul3A = vector.broadcast %broadcast_in_dim3A : vector<10112x1xf32> to vector<10112x128xf32>
    %mul3A_10 = arith.mulf %mul3A, %get3A_9 : vector<10112x128xf32>
    %slice3A = vector.extract_strided_slice %mul3A_10 {offsets = [0, 0], sizes = [10112, 64], strides = [1, 1]} : vector<10112x128xf32> to vector<10112x64xf32>
    %swap3A = arith.constant 0 : index
    %swap3A_11 = arith.constant 0 : index
    %swap3A_12 = arith.constant 0 : index
    %swap3A_13 = vector.load %arg2[%swap3A, %swap3A_11, %swap3A_12] : memref<2x10112x64xf32, #tpu.memory_space<vmem>>, vector<1x10112x64xf32>
    %swap3A_14 = vector.shape_cast %swap3A_13 : vector<1x10112x64xf32> to vector<10112x64xf32>
    %swap3A_15 = vector.shape_cast %slice3A : vector<10112x64xf32> to vector<1x10112x64xf32>
    tpu.vector_store %arg2[%swap3A, %swap3A_11, %swap3A_12], %swap3A_15 {strides = array<i32>} : memref<2x10112x64xf32, #tpu.memory_space<vmem>>, vector<1x10112x64xf32>,
    %slice3A_16 = vector.extract_strided_slice %mul3A_10 {offsets = [0, 64], sizes = [10112, 64], strides = [1, 1]} : vector<10112x128xf32> to vector<10112x64xf32>
    %swap3A_17 = arith.constant 1 : index
    %swap3A_18 = arith.constant 0 : index
    %swap3A_19 = arith.constant 0 : index
    %swap3A_20 = vector.load %arg2[%swap3A_17, %swap3A_18, %swap3A_19] : memref<2x10112x64xf32, #tpu.memory_space<vmem>>, vector<1x10112x64xf32>
    %swap3A_21 = vector.shape_cast %swap3A_20 : vector<1x10112x64xf32> to vector<10112x64xf32>
    %swap3A_22 = vector.shape_cast %slice3A_16 : vector<10112x64xf32> to vector<1x10112x64xf32>
    tpu.vector_store %arg2[%swap3A_17, %swap3A_18, %swap3A_19], %swap3A_22 {strides = array<i32>} : memref<2x10112x64xf32, #tpu.memory_space<vmem>>, vector<1x10112x64xf32>,
    %swap3A_23 = arith.constant 0 : index
    %swap3A_24 = vector.load %arg3[%swap3A_23] : memref<10112xf32, #tpu.memory_space<vmem>>, vector<10112xf32>
    tpu.vector_store %arg3[%swap3A_23], %rsqrt3A {strides = array<i32>} : memref<10112xf32, #tpu.memory_space<vmem>>, vector<10112xf32>,
    return
  }
}

module attributes {stable_mosaic.version = 14 : i64} {
  func.func @_relu_mv_body(%arg0: memref<2x10112x64xf32, #tpu.memory_space<vmem>>, %arg1: memref<10112xf32, #tpu.memory_space<vmem>>, %arg2: memref<128xf32, #tpu.memory_space<vmem>>, %arg3: memref<128x1xf32, #tpu.memory_space<vmem>>, %arg4: memref<10112xf32, #tpu.memory_space<vmem>>) attributes {dimension_semantics = [], scalar_prefetch = 0 : i64, scratch_operands = 0 : i64, tpu.core_type = #tpu.core_type<tc>} {
    %get3A = arith.constant 0 : index
    %get3A_0 = arith.constant 0 : index
    %get3A_1 = arith.constant 0 : index
    %get3A_2 = vector.load %arg0[%get3A, %get3A_0, %get3A_1] : memref<2x10112x64xf32, #tpu.memory_space<vmem>>, vector<1x10112x64xf32>
    %get3A_3 = vector.shape_cast %get3A_2 : vector<1x10112x64xf32> to vector<10112x64xf32>
    %get3A_4 = arith.constant 1 : index
    %get3A_5 = arith.constant 0 : index
    %get3A_6 = arith.constant 0 : index
    %get3A_7 = vector.load %arg0[%get3A_4, %get3A_5, %get3A_6] : memref<2x10112x64xf32, #tpu.memory_space<vmem>>, vector<1x10112x64xf32>
    %get3A_8 = vector.shape_cast %get3A_7 : vector<1x10112x64xf32> to vector<10112x64xf32>
    %concatenate3A = tpu.concatenate %get3A_3, %get3A_8 in 1 : vector<10112x64xf32>, vector<10112x64xf32> -> vector<10112x128xf32>
    %get3A_9 = arith.constant 0 : index
    %get3A_10 = vector.load %arg1[%get3A_9] : memref<10112xf32, #tpu.memory_space<vmem>>, vector<10112xf32>
    %broadcast_in_dim3A = vector.shape_cast %get3A_10 : vector<10112xf32> to vector<10112x1xf32>
    %mul3A = vector.broadcast %broadcast_in_dim3A : vector<10112x1xf32> to vector<10112x128xf32>
    %mul3A_11 = arith.mulf %mul3A, %concatenate3A : vector<10112x128xf32>
    %get3A_12 = arith.constant 0 : index
    %get3A_13 = vector.load %arg2[%get3A_12] : memref<128xf32, #tpu.memory_space<vmem>>, vector<128xf32>
    %broadcast_in_dim3A_14 = vector.shape_cast %get3A_13 : vector<128xf32> to vector<1x128xf32>
    %add3A = vector.broadcast %broadcast_in_dim3A_14 : vector<1x128xf32> to vector<10112x128xf32>
    %add3A_15 = arith.addf %mul3A_11, %add3A : vector<10112x128xf32>
    %max3A = arith.constant 0.000000e+00 : f32
    %max3A_16 = vector.broadcast %max3A : f32 to vector<10112x128xf32>
    %max3A_17 = arith.maximumf %add3A_15, %max3A_16 : vector<10112x128xf32>
    %get3A_18 = arith.constant 0 : index
    %get3A_19 = arith.constant 0 : index
    %get3A_20 = vector.load %arg3[%get3A_18, %get3A_19] : memref<128x1xf32, #tpu.memory_space<vmem>>, vector<128x1xf32>
    %dot_general3A = arith.constant dense<0.000000e+00> : vector<10112x1xf32>
    %dot_general3A_21 = tpu.matmul %max3A_17, %get3A_20, %dot_general3A {dimension_numbers = #tpu.dot_dimension_numbers<[1], [0], [0], [1], [0, 0, 1, 1], [], []>, transpose_lhs_hint = false} : vector<10112x128xf32>, vector<128x1xf32>, vector<10112x1xf32> -> vector<10112x1xf32>
    %squeeze3A = vector.shape_cast %dot_general3A_21 : vector<10112x1xf32> to vector<10112xf32>
    %mul3A_22 = arith.mulf %get3A_10, %squeeze3A : vector<10112xf32>
    %swap3A = arith.constant 0 : index
    %swap3A_23 = vector.load %arg4[%swap3A] : memref<10112xf32, #tpu.memory_space<vmem>>, vector<10112xf32>
    tpu.vector_store %arg4[%swap3A], %mul3A_22 {strides = array<i32>} : memref<10112xf32, #tpu.memory_space<vmem>>, vector<10112xf32>,
    return
  }
}

module attributes {stable_mosaic.version = 14 : i64} {
  func.func @_final_body(%arg0: memref<2x10112xf32, #tpu.memory_space<vmem>>, %arg1: memref<10112xf32, #tpu.memory_space<vmem>>, %arg2: memref<1xf32, #tpu.memory_space<vmem>>, %arg3: memref<10112xf32, #tpu.memory_space<vmem>>) attributes {dimension_semantics = [], scalar_prefetch = 0 : i64, scratch_operands = 0 : i64, tpu.core_type = #tpu.core_type<tc>} {
    %get3A = arith.constant 0 : index
    %get3A_0 = vector.load %arg1[%get3A] : memref<10112xf32, #tpu.memory_space<vmem>>, vector<10112xf32>
    %get3A_1 = arith.constant 0 : index
    %get3A_2 = arith.constant 0 : index
    %get3A_3 = vector.load %arg0[%get3A_1, %get3A_2] : memref<2x10112xf32, #tpu.memory_space<vmem>>, vector<1x10112xf32>
    %get3A_4 = vector.shape_cast %get3A_3 : vector<1x10112xf32> to vector<10112xf32>
    %get3A_5 = arith.constant 1 : index
    %get3A_6 = arith.constant 0 : index
    %get3A_7 = vector.load %arg0[%get3A_5, %get3A_6] : memref<2x10112xf32, #tpu.memory_space<vmem>>, vector<1x10112xf32>
    %get3A_8 = vector.shape_cast %get3A_7 : vector<1x10112xf32> to vector<10112xf32>
    %add3A = arith.addf %get3A_4, %get3A_8 : vector<10112xf32>
    %mul3A = arith.mulf %get3A_0, %add3A : vector<10112xf32>
    %get3A_9 = arith.constant 0 : index
    %get3A_10 = vector.load %arg2[%get3A_9] : memref<1xf32, #tpu.memory_space<vmem>>, vector<1xf32>
    %get3A_11 = vector.extract %get3A_10[0] : f32 from vector<1xf32>
    %add3A_12 = vector.broadcast %get3A_11 : f32 to vector<10112xf32>
    %add3A_13 = arith.addf %mul3A, %add3A_12 : vector<10112xf32>
    %logistic3A = arith.negf %add3A_13 : vector<10112xf32>
    %logistic3A_14 = math.exp %logistic3A : vector<10112xf32>
    %logistic3A_15 = arith.constant 1.000000e+00 : f32
    %logistic3A_16 = vector.broadcast %logistic3A_15 : f32 to vector<10112xf32>
    %logistic3A_17 = arith.addf %logistic3A_16, %logistic3A_14 : vector<10112xf32>
    %logistic3A_18 = arith.divf %logistic3A_16, %logistic3A_17 : vector<10112xf32>
    %swap3A = arith.constant 0 : index
    %swap3A_19 = vector.load %arg3[%swap3A] : memref<10112xf32, #tpu.memory_space<vmem>>, vector<10112xf32>
    tpu.vector_store %arg3[%swap3A], %logistic3A_18 {strides = array<i32>} : memref<10112xf32, #tpu.memory_space<vmem>>, vector<10112xf32>,
    return
  }
}

</mosaic_0001>

<sc_bundles>
// kernel: kernel.12.cloned.1.call-start
scs
__scs_entry_jumppad:
0x0: {  	(pc) =	sbr.rel $0x88, $3  }
0x1: {  	(tag) =	ssettag $0x0;
	lr =	simm.s32 $0x1  }
0x2: {  	[smem:$0x3F9B] =	sst lr;
	_ =	strace $0xD0000000  }
0x3: {  	_ = 	snop  }
0x4: {  	_ = 	snop  }
0x5: {  	_ = 	snop  }
0x6: {  	_ = 	snop  }
0x7: {  	_ = 	snop  }
__scs_overlays_trampoline_lowered:
0x8: {  	[smem:$0x3FAA] =	sst s0  }
0x9: {  	[smem:$0x3FAB] =	sst s1  }
0xa: {  	[smem:$0x3FAC] =	sst s2  }
0xb: {  	[smem:$0x3FAD] =	sst s3  }
0xc: {  	[smem:$0x3FAE] =	sst s4  }
0xd: {  	[smem:$0x3FAF] =	sst s5  }
0xe: {  	[smem:$0x3FB0] =	sst s6  }
0xf: {  	[smem:$0x3FB1] =	sst s7  }
0x10: {  	[smem:$0x3FB2] =	sst s8  }
0x11: {  	[smem:$0x3FB3] =	sst s9;
	s0 =	simm.s32 @!p0 $0x0  }
0x12: {  	s1 =	sld [smem:$0x3F99];
	s0 =	simm.s32 @p0 $0x1  }
0x13: {  	[smem:$0x3FB4] =	sst s0;
	s0 =	simm.s32 @!p1 $0x0  }
0x14: {  	s2 =	sld [smem:$0x3F98];
	s0 =	simm.s32 @p1 $0x1  }
0x15: {  	[smem:$0x3FB5] =	sst s0;
	s0 =	simm.s32 @!p2 $0x0  }
0x16: {  	s3 =	sld [smem:$0x3FDB];
	s0 =	simm.s32 @p2 $0x1  }
0x17: {  	s4 =	simm.s32 $0x1BF5;
	[smem:$0x3FB7] =	sst s0  }
0x18: {  	s0 =	sld [smem:$0x3F9A];
	_ =	swait.ge [sflag:s4], $0x0  }
0x19: {  	s7 =	sld [smem:$0x3F9B]  }
0x1a: {  	s8 =	sadd.s32 $0xFFFFE003, lr  }
0x1b: {  	s9 =	sadd.s32 $0xFFFFFEF7, lr;
	s5 =	simm.s32 $0xFFFFFFFF;
	p2 =	slt.u32 s8, $0xFFFFF086  }
0x1c: {  	p1 =	slt.u32 s9, $0xF7A;
	s5 =	simm.s32 @!p2 $0x0  }
0x1d: {  	s5 =	simm.s32 @p1 $0x1;
	p0 =	seq.s32 s7, s2  }
0x1e: {  	s7 =	smul.u32 @!p0 $0xF7A, s2;
	p2 =	seq.s32 @!p0 s5, $0x0  }
0x1f: {  	s9 =	smul.u32 $0xF7A, s1;
	s8 =	simm.s32 @!p0 $0x1BF5;
	p2 =	por !p2, p0  }
0x20: {  	[sflag:s8] =	ssyncset.s32 @!p0 $0xFFFFF086;
	s6 =	sadd.s32 @!p0 s3, s7;
	s7 =	simm.s32 @!p0 $0x108  }
0x21: {  	s3 =	sadd.s32 s3, s9;
	s6 =	sadd.s32 @!p0 $0x88, s6;
	s7 =	simm.s32 @p2 $0x1082  }
0x22: {  	[simem:s7], [sflag:s8] =	dma.local @!p0 [hbm:s6], $0xF7A  }
0x23: {  	s9 =	sor.u32 $0xD0000000, s2;
	s6 =	simm.s32 $0x108;
	_ =	swait.ge @!p0 [sflag:s8], $0x0  }
0x24: {  	s3 =	sadd.s32 $0x88, s3;
	s6 =	simm.s32 @!p1 $0x1082;
	[sflag:s4] =	ssyncset.s32 $0xFFFFF086  }
0x25: {  	[simem:s6], [sflag:s4] =	dma.local [hbm:s3], $0xF7A  }
0x26: {  	[smem:$0x3F9B] =	sst s1;
	(tag) =	ssettag s2;
	_ =	strace s9  }
0x27: {  	s1 =	sld [smem:$0x3FAB]  }
0x28: {  	s2 =	sld [smem:$0x3FAC]  }
0x29: {  	s4 =	sld [smem:$0x3FAE]  }
0x2a: {  	p0 =	seq.s32 s5, $0x0;
	s5 =	sld [smem:$0x3FAF]  }
0x2b: {  	s6 =	sld [smem:$0x3FB0]  }
0x2c: {  	s7 =	sld [smem:$0x3FB1]  }
0x2d: {  	s3 =	simm.s32 $0x108;
	s8 =	sld [smem:$0x3FB2]  }
0x2e: {  	s3 =	simm.s32 @!p0 $0x1082;
	s9 =	sld [smem:$0x3FB3]  }
0x2f: {  	lr =	sadd.s32 s0, s3;
	s0 =	sld [smem:$0x3FAA]  }
0x30: {  	s3 =	sld [smem:$0x3FAD]  }
0x31: {  	[smem:$0x3FB6] =	sst s10  }
0x32: {  	s10 =	sld [smem:$0x3FB4];
	_ =	sdelay $0x3  }
0x33: {  	p0 =	seq.s32 s10, $0x1;
	s10 =	sld [smem:$0x3FB6];
	_ =	sdelay $0x3  }
0x34: {  	[smem:$0x3FB6] =	sst s10  }
0x35: {  	s10 =	sld [smem:$0x3FB5];
	_ =	sdelay $0x3  }
0x36: {  	p1 =	seq.s32 s10, $0x1;
	s10 =	sld [smem:$0x3FB6];
	_ =	sdelay $0x3  }
0x37: {  	[smem:$0x3FB6] =	sst s10  }
0x38: {  	s10 =	sld [smem:$0x3FB7]  }
0x39: {  	_ = 	snop;
	(pc) =	sbr.ind lr, $3  }
0x3a: {  	_ = 	snop  }
0x3b: {  	_ = 	snop  }
0x3c: {  	p2 =	seq.s32 s10, $0x1;
	s10 =	sld [smem:$0x3FB6]  }
0x3d: {  	_ =	shalt  }
0x3e: {  	_ =	shalt  }
0x3f: {  	_ =	shalt  }
0x40: {  	_ =	shalt  }
0x41: {  	_ =	shalt  }
0x42: {  	_ =	shalt  }
0x43: {  	_ =	shalt  }
0x44: {  	_ =	shalt  }
0x45: {  	_ =	shalt  }
0x46: {  	_ =	shalt  }
0x47: {  	_ =	shalt  }
0x48: {  	_ =	shalt  }
0x49: {  	_ =	shalt  }
0x4a: {  	_ =	shalt  }
0x4b: {  	_ =	shalt  }
0x4c: {  	_ =	shalt  }
0x4d: {  	_ =	shalt  }
0x4e: {  	_ =	shalt  }
0x4f: {  	_ =	shalt  }
0x50: {  	_ =	shalt  }
0x51: {  	_ =	shalt  }
0x52: {  	_ =	shalt  }
0x53: {  	_ =	shalt  }
0x54: {  	_ =	shalt  }
0x55: {  	_ =	shalt  }
0x56: {  	_ =	shalt  }
0x57: {  	_ =	shalt  }
0x58: {  	_ =	shalt  }
0x59: {  	_ =	shalt  }
0x5a: {  	_ =	shalt  }
0x5b: {  	_ =	shalt  }
0x5c: {  	_ =	shalt  }
0x5d: {  	_ =	shalt  }
0x5e: {  	_ =	shalt  }
0x5f: {  	_ =	shalt  }
0x60: {  	_ =	shalt  }
0x61: {  	_ =	shalt  }
0x62: {  	_ =	shalt  }
0x63: {  	_ =	shalt  }
0x64: {  	_ =	shalt  }
0x65: {  	_ =	shalt  }
0x66: {  	_ =	shalt  }
0x67: {  	_ =	shalt  }
0x68: {  	_ =	shalt  }
0x69: {  	_ =	shalt  }
0x6a: {  	_ =	shalt  }
0x6b: {  	_ =	shalt  }
0x6c: {  	_ =	shalt  }
0x6d: {  	_ =	shalt  }
0x6e: {  	_ =	shalt  }
0x6f: {  	_ =	shalt  }
0x70: {  	_ =	shalt  }
0x71: {  	_ =	shalt  }
0x72: {  	_ =	shalt  }
0x73: {  	_ =	shalt  }
0x74: {  	_ =	shalt  }
0x75: {  	_ =	shalt  }
0x76: {  	_ =	shalt  }
0x77: {  	_ =	shalt  }
0x78: {  	_ =	shalt  }
0x79: {  	_ =	shalt  }
0x7a: {  	_ =	shalt  }
0x7b: {  	_ =	shalt  }
0x7c: {  	_ =	shalt  }
0x7d: {  	_ =	shalt  }
0x7e: {  	_ =	shalt  }
0x7f: {  	_ =	shalt  }
0x80: {  	_ =	shalt  }
0x81: {  	_ =	shalt  }
0x82: {  	_ =	shalt  }
0x83: {  	_ =	shalt  }
0x84: {  	_ =	shalt  }
0x85: {  	_ =	shalt  }
0x86: {  	_ =	shalt  }
0x87: {  	_ =	shalt  }
.Lfunc_end0:
.L_simem_size_0:
called_computation.1_lowered:
.L_overlay_start_0:
0x88: {  	s2 =	sld [smem:$0x3FD9]  }
0x89: {  	s3 =	sld [smem:$0x3FFE];
	_ =	sdelay $0x1  }
0x8a: {  	s1 =	srdreg.scid  }
0x8b: {  	s0 =	sand.u32 $0x1, s1  }
0x8c: {  	s16 =	sshll.u32 s0, $0xA;
	s2 =	sadd.s32 s3, s2  }
0x8d: {  	s2 =	sadd.s32 s2, s16  }
0x8e: {  	[smem:$0x3FC2] =	sst s2  }
0x8f: {  	_ = 	snop  }
0x90: {  	(tm) =	ssettm $0x1  }
0x91: {  	s17 =	sld [smem:$0x3FFB];
	_ =	sdelay $0x3  }
0x92: {  	_ =	strace s17  }
0x93: {  	s2 =	sld [smem:$0x3FFC];
	_ =	sdelay $0x3  }
0x94: {  	_ =	strace s2  }
0x95: {  	s2 =	sld [smem:$0x3FFD];
	_ =	sdelay $0x3  }
0x96: {  	_ =	strace s2  }
0x97: {  	_ =	strace $0x8FFFFFFF  }
0x98: {  	s18 =	sld [smem:$0x3FDB];
	_ =	sdelay $0x1  }
0x99: {  	s19 =	simm.s32 $_scs_section_size  }
0x9a: {  	s4 =	simm.s32 $_size__tile_overlayer_lowered;
	s5 =	simm.s32 $_tile_overlayer_lowered  }
0x9b: {  	s22 =	simm.s32 $0x1BFF;
	s21 =	sshll.u32 s5, $0x1;
	s2 =	sadd.s32 s19, s18  }
0x9c: {  	s6 =	simm.s32 $0x0;
	s20 =	sshll.u32 s4, $0x1;
	s4 =	sadd.s32 s21, s2  }
0x9d: {  	[timem:s6], [sflag:s22] =	dma.local [hbm:s4], s20  }
0x9e: {  	_ =	swait.ge [sflag:s22], s20  }
0x9f: {  	s3 =	ssub.s32 $0x0, s20;
	[sflag:s22] =	ssyncset.done $0x0  }
0xa0: {  	[sflag:s22] =	ssyncadd.s32 s3;
	_ =	sdelay $0x1  }
0xa1: {  	s23 =	simm.s32 $0x1B8B  }
0xa2: {  	_ =	swait.ge [sflag:s23], $0x1  }
0xa3: {  	[sflag:s23] =	ssyncset.done $0x0  }
0xa4: {  	s25 =	simm.s32 $0x1B8E;
	s24 =	sld [smem:$0x3FFE];
	[sflag:s23] =	ssyncadd.s32 $0xFFFFFFFF  }
0xa5: {  	s26 =	simm.s32 $execute0_lowered;
	[smem:$0x3FD2] =	sst s25  }
0xa6: {  	s4 =	sshll.u32 s26, $0x1;
	_ =	strace $0x80000049;
	[dreg:$0x1] =	wrdreg $0xFFFFFFFF  }
0xa7: {  	s28 =	simm.s32 $_size_execute0_lowered;
	s2 =	sadd.s32 s2, s4;
	[dreg:$0x0] =	wrdreg $0x0  }
0xa8: {  	s4 =	sshll.u32 s28, $0x1;
	[dreg:$0x2] =	wrdreg s2  }
0xa9: {  	[dreg:$0x3] =	wrdreg s4  }
0xaa: {  	[dreg:$0x4] =	wrdreg $0xC0  }
0xab: {  	_ =	task [dreg:s6], $0x5FFFF  }
0xac: {  	[dreg:$0x1] =	wrdreg $0xFFFFFFFF  }
0xad: {  	[dreg:$0x0] =	wrdreg $0x60  }
0xae: {  	[dreg:$0x2] =	wrdreg s24  }
0xaf: {  	[dreg:$0x3] =	wrdreg $0x140000  }
0xb0: {  	[dreg:$0x4] =	wrdreg $0x9  }
0xb1: {  	_ =	task.clear_ibuf [dreg:s6], $0x5FFFF;
	_ =	strace $0x90000049  }
0xb2: {  	s29 =	simm.s32 $0x9;
	_ =	strace $0x8000004B  }
0xb3: {  	_ =	swait.ge [sflag:s29], $0x1  }
0xb4: {  	[sflag:s29] =	ssyncadd.s32 $0xFFFFFFFF  }
0xb5: {  	_ =	strace $0x9000004B  }
0xb6: {  	_ =	sfence  }
0xb7: {  	s30 =	sld [smem:$0x0];
	_ =	sdelay $0x2  }
0xb8: {  	s31 =	sshll.u32 s1, $0xD;
	s1 =	sshrl.u32 s1, $0x2  }
0xb9: {  	s3 =	sand.u32 $0x4000, s31;
	s1 =	sadd.s32 s1, s30  }
0xba: {  	s0 =	sor.u32 s3, s0;
	s1 =	sshll.u32 s1, $0x11  }
0xbb: {  	s0 =	sor.u32 s1, s0  }
0xbc: {  	s0 =	sadd.s32 $0x8F2B, s0  }
0xbd: {  	[sflag:s0] =	ssyncadd.remote.s32 $0x1  }
0xbe: {  	_ =	sfence.sel $0xFFFF  }
0xbf: {  	[dreg:$0x0] =	wrdreg $0xFFFFFFFF;
	(pc) =	sbr.abs _section_cstart, $3  }
0xc0: {  	[dreg:$0x1] =	wrdreg $0xFFFFFFFF  }
0xc1: {  	_ =	task.clear_ibuf [dreg:s6], $0x2FFFF;
	_ =	strace $0x9FFFFFFF  }
0xc2: {  	(tm) =	ssettm $0x7FFFFFFF  }
0xc3: {  	_ =	shalt  }
tec
execute0_lowered:
.L_overlay_start_1:
0x0: {  	(tag) =	ssettag $0x1  }
0x1: {  	s0 =	rddreg [dreg:$0x0]  }
0x2: {  	s8 =	stileid.u32;
	s3 =	srdreg.scid  }
0x3: {  	s2 =	rddreg [dreg:$0x1];
	s29 =	simm.s32 $0xE000;
	s1 =	smul.u32 $0x1400, s8  }
0x4: {  	s30 =	simm.s32 $0x1;
	s31 =	simm.s32 $0x12000;
	s5 =	smul.u32 $0x278, s8  }
0x5: {  	s4 =	sand.u32 $0x1, s3;
	s3 =	simm.s32 $0x0;
	s10 =	smul.u32 $0x9E00, s8  }
0x6: {  	s28 =	simm.s32 $0x6;
	s6 =	smul.u32 $0x2780, s4;
	[smem:$0x7FF] =	sst s3  }
0x7: {  	s7 =	smul.u32 $0x13C00, s4;
	s4 =	ssub.s32 $0x2, s4;
	_ =	strace $0x8000004A  }
0x8: {  	s1 =	sadd.s32 s1, s0;
	s15 =	sshrl.u32 s4, $0x1;
	s16 =	sshrl.u32 s10, $0x3  }
0x9: {  	s17 =	sadd.s32 $0x2000, s10;
	s8 =	sadd.s32 $0x4000, s10;
	s9 =	sadd.s32 $0x6000, s10  }
0xa: {  	s5 =	sadd.s32 s5, s6;
	s14 =	sadd.s32 s7, s0;
	s4 =	ssub.s32 s4, s15  }
0xb: {  	s1 =	sadd.s32 $0x1800, s1;
	s6 =	sadd.s32 s10, s2;
	s11 =	sshrl.u32 s17, $0x3  }
0xc: {  	s7 =	sadd.s32 s17, s2;
	s12 =	sshrl.u32 s8, $0x3;
	s8 =	sadd.s32 s8, s2  }
0xd: {  	s13 =	sshrl.u32 s9, $0x3;
	s9 =	sadd.s32 s9, s2;
	s10 =	sadd.s32 $0x8000, s10  }
0xe: {  	s17 =	simm.s32 $0xB;
	s5 =	sshll.u32 s5, $0x3;
	[dreg:$0x3] =	wrdreg s1  }
0xf: {  	s21 =	smax.u32 s4, $0x1;
	s1 =	simm.s32 $0x10000;
	s0 =	sadd.s32 s5, s0  }
0x10: {  	s5 =	sadd.s32 $0x15800, s14;
	[dreg:$0x9] =	wrdreg s21;
	s15 =	sadd.s32 $0x3D000, s0  }
0x11: {  	s14 =	sshrl.u32 s10, $0x3;
	s18 =	sadd.s32 $0x3D400, s0;
	[dreg:$0x4] =	wrdreg s15  }
0x12: {  	s10 =	sadd.s32 s10, s2;
	s19 =	sadd.s32 $0x3D800, s0;
	[dreg:$0x5] =	wrdreg s18  }
0x13: {  	s20 =	sadd.s32 $0x3DC00, s0;
	s0 =	sadd.s32 $0x3E000, s0;
	[dreg:$0x6] =	wrdreg s19  }
0x14: {  	s22 =	sadd.s32 s16, s5;
	s23 =	sadd.s32 s11, s5;
	[dreg:$0x7] =	wrdreg s20  }
0x15: {  	s24 =	sadd.s32 s12, s5;
	s25 =	sadd.s32 s13, s5;
	[dreg:$0x8] =	wrdreg s0  }
0x16: {  	s26 =	sadd.s32 s14, s5;
	s11 =	simm.s32 $0x7;
	[dreg:$0xa] =	wrdreg s22  }
.Ltmp0:
0x17: {  	s12 =	simm.s32 $0x5;
	[dreg:$0xb] =	wrdreg s23;
	(pc) =	sbr.rel .LBB2_1-.Ltmp0, $4  }
0x18: {  	s13 =	simm.s32 $0x8;
	s14 =	simm.s32 $0x9;
	[dreg:$0xc] =	wrdreg s24  }
0x19: {  	s16 =	simm.s32 $0x0;
	s19 =	simm.s32 $0xA000;
	[dreg:$0xd] =	wrdreg s25  }
0x1a: {  	[dreg:$0xe] =	wrdreg s26;
	s24 =	simm.s32 $0x80;
	s26 =	simm.s32 $0xC000  }
0x1b: {  	s0 =	simm.s32 $0x2;
	s25 =	simm.s32 $0x3;
	s15 =	simm.s32 $0xA  }
.LBB2_4:
0x1c: {  	_ =	swait.ge [sflag:s28], $0x2000  }
0x1d: {  	[sflag:s28] =	ssyncset.done $0x0  }
0x1e: {  	[sflag:s28] =	ssyncadd.s32 $0xFFFFE000  }
0x1f: {  	_ =	swait.ge [sflag:s11], $0x2000  }
0x20: {  	[sflag:s11] =	ssyncset.done $0x0  }
0x21: {  	[sflag:s11] =	ssyncadd.s32 $0xFFFFE000  }
0x22: {  	_ =	swait.ge [sflag:s13], $0x2000  }
0x23: {  	[sflag:s13] =	ssyncset.done $0x0  }
0x24: {  	[sflag:s13] =	ssyncadd.s32 $0xFFFFE000  }
0x25: {  	_ =	swait.ge [sflag:s14], $0x2000  }
0x26: {  	[sflag:s14] =	ssyncset.done $0x0  }
0x27: {  	[sflag:s14] =	ssyncadd.s32 $0xFFFFE000  }
0x28: {  	_ =	swait.ge [sflag:s15], $0x2000  }
0x29: {  	[sflag:s15] =	ssyncset.done $0x0  }
0x2a: {  	[sflag:s15] =	ssyncadd.s32 $0xFFFFE000  }
0x2b: {  	[bflag:$0x0] =	sbarrier.arrive $0xFFFF  }
0x2c: {  	[tilespmem:s19], [sflag:$0xB] =	stream.linear.gather [spmem:s6], $0x2000, $0x38;
	[tilespmem:$0x1DE00] =	vst v63  }
0x2d: {  	_ =	swait.ge [sflag:s17], $0x2000  }
0x2e: {  	[sflag:s17] =	ssyncset.done $0x0  }
0x2f: {  	s4 =	rddreg [dreg:$0x4];
	[sflag:s17] =	ssyncadd.s32 $0xFFFFE000  }
0x30: {  	[hbm4b:s4+s3] =	stream.linear.scatter [tilespmem:s19], [sflag:$0xB], $0x2000, $0x38;
	[tilespmem:$0x1DE00] =	vst v63  }
0x31: {  	_ =	swait.ge [sflag:s17], $0x2000  }
0x32: {  	[sflag:s17] =	ssyncset.done $0x0  }
0x33: {  	[sflag:s17] =	ssyncadd.s32 $0xFFFFE000  }
0x34: {  	[tilespmem:s19], [sflag:$0xB] =	stream.linear.gather [spmem:s7], $0x2000, $0x38;
	[tilespmem:$0x1DE00] =	vst v63  }
0x35: {  	_ =	swait.ge [sflag:s17], $0x2000  }
0x36: {  	[sflag:s17] =	ssyncset.done $0x0  }
0x37: {  	s18 =	rddreg [dreg:$0x5];
	[sflag:s17] =	ssyncadd.s32 $0xFFFFE000  }
0x38: {  	[hbm4b:s18+s3] =	stream.linear.scatter [tilespmem:s19], [sflag:$0xB], $0x2000, $0x38;
	[tilespmem:$0x1DE00] =	vst v63  }
0x39: {  	_ =	swait.ge [sflag:s17], $0x2000  }
0x3a: {  	[sflag:s17] =	ssyncset.done $0x0  }
0x3b: {  	[sflag:s17] =	ssyncadd.s32 $0xFFFFE000  }
0x3c: {  	[tilespmem:s19], [sflag:$0xB] =	stream.linear.gather [spmem:s8], $0x2000, $0x38;
	[tilespmem:$0x1DE00] =	vst v63  }
0x3d: {  	_ =	swait.ge [sflag:s17], $0x2000  }
0x3e: {  	[sflag:s17] =	ssyncset.done $0x0  }
0x3f: {  	s20 =	rddreg [dreg:$0x6];
	[sflag:s17] =	ssyncadd.s32 $0xFFFFE000  }
0x40: {  	[hbm4b:s20+s3] =	stream.linear.scatter [tilespmem:s19], [sflag:$0xB], $0x2000, $0x38;
	[tilespmem:$0x1DE00] =	vst v63  }
0x41: {  	_ =	swait.ge [sflag:s17], $0x2000  }
0x42: {  	[sflag:s17] =	ssyncset.done $0x0  }
0x43: {  	[sflag:s17] =	ssyncadd.s32 $0xFFFFE000  }
0x44: {  	[tilespmem:s19], [sflag:$0xB] =	stream.linear.gather [spmem:s9], $0x2000, $0x38;
	[tilespmem:$0x1DE00] =	vst v63  }
0x45: {  	_ =	swait.ge [sflag:s17], $0x2000  }
0x46: {  	[sflag:s17] =	ssyncset.done $0x0  }
0x47: {  	s21 =	rddreg [dreg:$0x7];
	[sflag:s17] =	ssyncadd.s32 $0xFFFFE000  }
0x48: {  	[hbm4b:s21+s3] =	stream.linear.scatter [tilespmem:s19], [sflag:$0xB], $0x2000, $0x38;
	[tilespmem:$0x1DE00] =	vst v63  }
0x49: {  	_ =	swait.ge [sflag:s17], $0x2000  }
0x4a: {  	[sflag:s17] =	ssyncset.done $0x0  }
0x4b: {  	[sflag:s17] =	ssyncadd.s32 $0xFFFFE000  }
0x4c: {  	[tilespmem:s19], [sflag:$0xB] =	stream.linear.gather [spmem:s10], $0x1E00, $0x38;
	[tilespmem:$0x1DE00] =	vst v63  }
0x4d: {  	_ =	swait.ge [sflag:s17], $0x1E00  }
0x4e: {  	[sflag:s17] =	ssyncset.done $0x0  }
0x4f: {  	s22 =	rddreg [dreg:$0x8];
	[sflag:s17] =	ssyncadd.s32 $0xFFFFE200  }
0x50: {  	[hbm4b:s22+s3] =	stream.linear.scatter [tilespmem:s19], [sflag:$0xB], $0x1E00, $0x38;
	[tilespmem:$0x1DE00] =	vst v63  }
0x51: {  	_ =	swait.ge [sflag:s17], $0x1E00  }
0x52: {  	s16 =	sadd.s32 $0x1, s16;
	s23 =	rddreg [dreg:$0x9]  }
0x53: {  	p0 =	sne.s32 s16, s23  }
.Ltmp1:
0x54: {  	_ = 	snop;
	(pc) =	sbr.rel @!p0 .LBB2_5-.Ltmp1, $3  }
0x55: {  	_ =	sdelay $0x1  }
0x56: {  	[sflag:s17] =	ssyncset.done $0x0  }
0x57: {  	[sflag:s17] =	ssyncadd.s32 $0xFFFFE200  }
.LBB2_1:
0x58: {  	s4 =	rddreg [dreg:$0x3]  }
0x59: {  	[tilespmem:s3], [sflag:$0xB] =	stream.linear.gather [hbm4b:s4+s3], $0xA000, $0x38;
	[tilespmem:$0x1DE00] =	vst v63  }
0x5a: {  	_ =	swait.ge [sflag:s17], $0xA000  }
0x5b: {  	[sflag:s17] =	ssyncset.done $0x0  }
0x5c: {  	s22 =	rddreg [dreg:$0xa];
	[sflag:s17] =	ssyncadd.s32 $0xFFFF6000  }
0x5d: {  	[tilespmem:s19], [sflag:$0xB] =	stream.linear.gather [hbm4b:s22+s3], $0x2000, $0x38;
	[tilespmem:$0x1DE00] =	vst v63  }
0x5e: {  	_ =	swait.ge [sflag:s17], $0x2000  }
0x5f: {  	[sflag:s17] =	ssyncset.done $0x0  }
0x60: {  	[sflag:s17] =	ssyncadd.s32 $0xFFFFE000  }
0x61: {  	[spmem:s6] =	stream.linear.scatter [tilespmem:s19], [sflag:$0xB], $0x2000, $0x38;
	[tilespmem:$0x1DE00] =	vst v63  }
0x62: {  	_ =	swait.ge [sflag:s17], $0x2000  }
0x63: {  	[sflag:s17] =	ssyncset.done $0x0  }
0x64: {  	s23 =	rddreg [dreg:$0xb];
	[sflag:s17] =	ssyncadd.s32 $0xFFFFE000  }
0x65: {  	[tilespmem:s19], [sflag:$0xB] =	stream.linear.gather [hbm4b:s23+s3], $0x2000, $0x38;
	[tilespmem:$0x1DE00] =	vst v63  }
0x66: {  	_ =	swait.ge [sflag:s17], $0x2000  }
0x67: {  	[sflag:s17] =	ssyncset.done $0x0  }
0x68: {  	[sflag:s17] =	ssyncadd.s32 $0xFFFFE000  }
0x69: {  	[spmem:s7] =	stream.linear.scatter [tilespmem:s19], [sflag:$0xB], $0x2000, $0x38;
	[tilespmem:$0x1DE00] =	vst v63  }
0x6a: {  	_ =	swait.ge [sflag:s17], $0x2000  }
0x6b: {  	[sflag:s17] =	ssyncset.done $0x0  }
0x6c: {  	s18 =	rddreg [dreg:$0xc];
	[sflag:s17] =	ssyncadd.s32 $0xFFFFE000  }
0x6d: {  	[tilespmem:s19], [sflag:$0xB] =	stream.linear.gather [hbm4b:s18+s3], $0x2000, $0x38;
	[tilespmem:$0x1DE00] =	vst v63  }
0x6e: {  	_ =	swait.ge [sflag:s17], $0x2000  }
0x6f: {  	[sflag:s17] =	ssyncset.done $0x0  }
0x70: {  	[sflag:s17] =	ssyncadd.s32 $0xFFFFE000  }
0x71: {  	[spmem:s8] =	stream.linear.scatter [tilespmem:s19], [sflag:$0xB], $0x2000, $0x38;
	[tilespmem:$0x1DE00] =	vst v63  }
0x72: {  	_ =	swait.ge [sflag:s17], $0x2000  }
0x73: {  	[sflag:s17] =	ssyncset.done $0x0  }
0x74: {  	s20 =	rddreg [dreg:$0xd];
	[sflag:s17] =	ssyncadd.s32 $0xFFFFE000  }
0x75: {  	[tilespmem:s19], [sflag:$0xB] =	stream.linear.gather [hbm4b:s20+s3], $0x2000, $0x38;
	[tilespmem:$0x1DE00] =	vst v63  }
0x76: {  	_ =	swait.ge [sflag:s17], $0x2000  }
0x77: {  	[sflag:s17] =	ssyncset.done $0x0  }
0x78: {  	[sflag:s17] =	ssyncadd.s32 $0xFFFFE000  }
0x79: {  	[spmem:s9] =	stream.linear.scatter [tilespmem:s19], [sflag:$0xB], $0x2000, $0x38;
	[tilespmem:$0x1DE00] =	vst v63  }
0x7a: {  	_ =	swait.ge [sflag:s17], $0x2000  }
0x7b: {  	[sflag:s17] =	ssyncset.done $0x0  }
0x7c: {  	s21 =	rddreg [dreg:$0xe];
	[sflag:s17] =	ssyncadd.s32 $0xFFFFE000  }
0x7d: {  	[tilespmem:s19], [sflag:$0xB] =	stream.linear.gather [hbm4b:s21+s3], $0x1E00, $0x38;
	[tilespmem:$0x1DE00] =	vst v63  }
0x7e: {  	_ =	swait.ge [sflag:s17], $0x1E00  }
0x7f: {  	[sflag:s17] =	ssyncset.done $0x0  }
0x80: {  	[sflag:s17] =	ssyncadd.s32 $0xFFFFE200  }
0x81: {  	[spmem:s10] =	stream.linear.scatter [tilespmem:s19], [sflag:$0xB], $0x1E00, $0x38;
	[tilespmem:$0x1DE00] =	vst v63  }
0x82: {  	_ =	swait.ge [sflag:s17], $0x1E00  }
0x83: {  	[sflag:s17] =	ssyncset.done $0x0  }
0x84: {  	[sflag:s17] =	ssyncadd.s32 $0xFFFFE200  }
0x85: {  	[bflag:$0x0] =	sbarrier.arrive $0xFFFF  }
0x86: {  	[tilespmem:s19], [sflag:$0x1] =	stream.indirect.gather [hbm4b:s5+s24], $0x40, s3, s24, $0xb8;
	[tilespmem:$0x1DE00] =	vst v63  }
0x87: {  	s22 =	simm.s32 $0x100  }
0x88: {  	[tilespmem:s26], [sflag:$0x2] =	stream.indirect.gather [hbm4b:s5+s24], $0x40, s22, s24, $0xb8;
	[tilespmem:$0x1DE00] =	vst v63  }
0x89: {  	s23 =	simm.s32 $0x200  }
0x8a: {  	[tilespmem:s29], [sflag:$0x3] =	stream.indirect.gather [hbm4b:s5+s24], $0x40, s23, s24, $0xb8;
	[tilespmem:$0x1DE00] =	vst v63  }
0x8b: {  	_ =	swait.ge [sflag:s30], $0x2000  }
0x8c: {  	[sflag:s30] =	ssyncset.done $0x0  }
0x8d: {  	[sflag:s30] =	ssyncadd.s32 $0xFFFFE000  }
0x8e: {  	[spmem:s2] =	stream.indirect.scatter.add.f32 [tilespmem:s19], [sflag:$0x6], $0x40, s24, s24, $0xb8;
	[tilespmem:$0x1DE00] =	vst v63  }
0x8f: {  	s18 =	simm.s32 $0x300  }
0x90: {  	[tilespmem:s1], [sflag:$0x4] =	stream.indirect.gather [hbm4b:s5+s24], $0x40, s18, s24, $0xb8;
	[tilespmem:$0x1DE00] =	vst v63  }
0x91: {  	_ =	swait.ge [sflag:s0], $0x2000  }
0x92: {  	[sflag:s0] =	ssyncset.done $0x0  }
0x93: {  	s20 =	simm.s32 $0x180;
	[sflag:s0] =	ssyncadd.s32 $0xFFFFE000  }
0x94: {  	[spmem:s2] =	stream.indirect.scatter.add.f32 [tilespmem:s26], [sflag:$0x7], $0x40, s20, s24, $0xb8;
	[tilespmem:$0x1DE00] =	vst v63  }
0x95: {  	s21 =	simm.s32 $0x400  }
0x96: {  	[tilespmem:s31], [sflag:$0x5] =	stream.indirect.gather [hbm4b:s5+s24], $0x40, s21, s24, $0xb8;
	[tilespmem:$0x1DE00] =	vst v63  }
0x97: {  	_ =	swait.ge [sflag:s25], $0x2000  }
0x98: {  	[sflag:s25] =	ssyncset.done $0x0  }
0x99: {  	s22 =	simm.s32 $0x280;
	[sflag:s25] =	ssyncadd.s32 $0xFFFFE000  }
0x9a: {  	[spmem:s2] =	stream.indirect.scatter.add.f32 [tilespmem:s29], [sflag:$0x8], $0x40, s22, s24, $0xb8;
	[tilespmem:$0x1DE00] =	vst v63  }
0x9b: {  	_ =	swait.ge [sflag:s28], $0x2000  }
0x9c: {  	[sflag:s28] =	ssyncset.done $0x0  }
0x9d: {  	s23 =	simm.s32 $0x500;
	s18 =	simm.s32 $0x4;
	[sflag:s28] =	ssyncadd.s32 $0xFFFFE000  }
0x9e: {  	[tilespmem:s19], [sflag:$0x1] =	stream.indirect.gather [hbm4b:s5+s24], $0x40, s23, s24, $0xb8;
	[tilespmem:$0x1DE00] =	vst v63  }
0x9f: {  	_ =	swait.ge [sflag:s18], $0x2000  }
0xa0: {  	[sflag:s18] =	ssyncset.done $0x0  }
0xa1: {  	s20 =	simm.s32 $0x380;
	[sflag:s18] =	ssyncadd.s32 $0xFFFFE000  }
0xa2: {  	[spmem:s2] =	stream.indirect.scatter.add.f32 [tilespmem:s1], [sflag:$0x9], $0x40, s20, s24, $0xb8;
	[tilespmem:$0x1DE00] =	vst v63  }
0xa3: {  	_ =	swait.ge [sflag:s11], $0x2000  }
0xa4: {  	[sflag:s11] =	ssyncset.done $0x0  }
0xa5: {  	s21 =	simm.s32 $0x600;
	[sflag:s11] =	ssyncadd.s32 $0xFFFFE000  }
0xa6: {  	[tilespmem:s26], [sflag:$0x2] =	stream.indirect.gather [hbm4b:s5+s24], $0x40, s21, s24, $0xb8;
	[tilespmem:$0x1DE00] =	vst v63  }
0xa7: {  	_ =	swait.ge [sflag:s12], $0x2000  }
0xa8: {  	[sflag:s12] =	ssyncset.done $0x0  }
0xa9: {  	s22 =	simm.s32 $0x480;
	[sflag:s12] =	ssyncadd.s32 $0xFFFFE000  }
0xaa: {  	[spmem:s2] =	stream.indirect.scatter.add.f32 [tilespmem:s31], [sflag:$0xA], $0x40, s22, s24, $0xb8;
	[tilespmem:$0x1DE00] =	vst v63  }
0xab: {  	_ =	swait.ge [sflag:s13], $0x2000  }
0xac: {  	[sflag:s13] =	ssyncset.done $0x0  }
0xad: {  	s23 =	simm.s32 $0x700;
	s18 =	simm.s32 $0x0;
	[sflag:s13] =	ssyncadd.s32 $0xFFFFE000  }
0xae: {  	[tilespmem:s29], [sflag:$0x3] =	stream.indirect.gather [hbm4b:s5+s24], $0x40, s23, s24, $0xb8;
	[tilespmem:$0x1DE00] =	vst v63  }
.LBB2_2:
0xaf: {  	_ =	swait.ge [sflag:s30], $0x2000  }
0xb0: {  	s20 =	sshra.s32 s18, $0x2;
	[sflag:s30] =	ssyncset.done $0x0  }
0xb1: {  	s21 =	sadd.s32 $0x580, s20;
	[sflag:s30] =	ssyncadd.s32 $0xFFFFE000  }
0xb2: {  	[spmem:s2] =	stream.indirect.scatter.add.f32 [tilespmem:s19], [sflag:$0x6], $0x40, s21, s24, $0xb8;
	[tilespmem:$0x1DE00] =	vst v63  }
0xb3: {  	_ =	swait.ge [sflag:s14], $0x2000  }
0xb4: {  	[sflag:s14] =	ssyncset.done $0x0  }
0xb5: {  	s22 =	sadd.s32 $0x800, s20;
	[sflag:s14] =	ssyncadd.s32 $0xFFFFE000  }
0xb6: {  	[tilespmem:s1], [sflag:$0x4] =	stream.indirect.gather [hbm4b:s5+s24], $0x40, s22, s24, $0xb8;
	[tilespmem:$0x1DE00] =	vst v63  }
0xb7: {  	_ =	swait.ge [sflag:s0], $0x2000  }
0xb8: {  	[sflag:s0] =	ssyncset.done $0x0  }
0xb9: {  	s23 =	sadd.s32 $0x680, s20;
	[sflag:s0] =	ssyncadd.s32 $0xFFFFE000  }
0xba: {  	[spmem:s2] =	stream.indirect.scatter.add.f32 [tilespmem:s26], [sflag:$0x7], $0x40, s23, s24, $0xb8;
	[tilespmem:$0x1DE00] =	vst v63  }
0xbb: {  	_ =	swait.ge [sflag:s15], $0x2000  }
0xbc: {  	[sflag:s15] =	ssyncset.done $0x0  }
0xbd: {  	s4 =	sadd.s32 $0x900, s20;
	[sflag:s15] =	ssyncadd.s32 $0xFFFFE000  }
0xbe: {  	[tilespmem:s31], [sflag:$0x5] =	stream.indirect.gather [hbm4b:s5+s24], $0x40, s4, s24, $0xb8;
	[tilespmem:$0x1DE00] =	vst v63  }
0xbf: {  	_ =	swait.ge [sflag:s25], $0x2000  }
0xc0: {  	p0 =	seq.s32 s18, $0x25800;
	[sflag:s25] =	ssyncset.done $0x0  }
0xc1: {  	s21 =	simm.s32 @p0 $0x4;
	s22 =	sadd.s32 $0x780, s20;
	[sflag:s25] =	ssyncadd.s32 $0xFFFFE000  }
0xc2: {  	[spmem:s2] =	stream.indirect.scatter.add.f32 [tilespmem:s29], [sflag:$0x8], $0x40, s22, s24, $0xb8;
	[tilespmem:$0x1DE00] =	vst v63  }
0xc3: {  	_ =	swait.ge @p0 [sflag:s21], $0x2000  }
0xc4: {  	[sflag:s21] =	ssyncset.done @p0 $0x0  }
0xc5: {  	[sflag:s21] =	ssyncadd.s32 @p0 $0xFFFFE000;
	s21 =	sshra.s32 @p0 s18, $0x2  }
0xc6: {  	s23 =	simm.s32 @p0 $0x10000;
	s22 =	simm.s32 @p0 $0x80;
	s21 =	sadd.s32 @p0 $0x880, s21  }
0xc7: {  	[spmem:s2] =	stream.indirect.scatter.add.f32 @p0 [tilespmem:s23], [sflag:$0x9], $0x40, s21, s22, $0xb8;
	[tilespmem:$0x1DE00] =	vst v63  }
0xc8: {  	s21 =	simm.s32 @!p0 $0x6  }
0xc9: {  	_ =	swait.ge @!p0 [sflag:s21], $0x2000  }
0xca: {  	[sflag:s21] =	ssyncset.done @!p0 $0x0  }
0xcb: {  	[sflag:s21] =	ssyncadd.s32 @!p0 $0xFFFFE000;
	s21 =	sshra.s32 @!p0 s18, $0x2  }
0xcc: {  	s4 =	simm.s32 @!p0 $0xA000;
	s23 =	simm.s32 @!p0 $0x80;
	s22 =	sadd.s32 @!p0 $0xA00, s21  }
0xcd: {  	[tilespmem:s4], [sflag:$0x1] =	stream.indirect.gather @!p0 [hbm4b:s5+s23], $0x40, s22, s23, $0xb8;
	[tilespmem:$0x1DE00] =	vst v63  }
0xce: {  	s4 =	simm.s32 @!p0 $0x4  }
0xcf: {  	_ =	swait.ge @!p0 [sflag:s4], $0x2000  }
0xd0: {  	[sflag:s4] =	ssyncset.done @!p0 $0x0  }
0xd1: {  	s22 =	simm.s32 @!p0 $0x10000;
	[sflag:s4] =	ssyncadd.s32 @!p0 $0xFFFFE000;
	s4 =	sadd.s32 @!p0 $0x880, s21  }
0xd2: {  	[spmem:s2] =	stream.indirect.scatter.add.f32 @!p0 [tilespmem:s22], [sflag:$0x9], $0x40, s4, s23, $0xb8;
	[tilespmem:$0x1DE00] =	vst v63  }
0xd3: {  	s4 =	simm.s32 @!p0 $0x7  }
0xd4: {  	_ =	swait.ge @!p0 [sflag:s4], $0x2000  }
0xd5: {  	[sflag:s4] =	ssyncset.done @!p0 $0x0  }
0xd6: {  	[sflag:s4] =	ssyncadd.s32 @!p0 $0xFFFFE000;
	s4 =	sadd.s32 @!p0 $0xB00, s21;
	s21 =	simm.s32 @!p0 $0xC000  }
0xd7: {  	[tilespmem:s21], [sflag:$0x2] =	stream.indirect.gather @!p0 [hbm4b:s5+s23], $0x40, s4, s23, $0xb8;
	[tilespmem:$0x1DE00] =	vst v63  }
.Ltmp2:
0xd8: {  	_ = 	snop;
	(pc) =	sbr.rel @p0 .LBB2_4-.Ltmp2, $4  }
0xd9: {  	_ =	swait.ge [sflag:s12], $0x2000  }
0xda: {  	[sflag:s12] =	ssyncset.done $0x0  }
0xdb: {  	s23 =	sadd.s32 $0x980, s20;
	[sflag:s12] =	ssyncadd.s32 $0xFFFFE000  }
0xdc: {  	[spmem:s2] =	stream.indirect.scatter.add.f32 [tilespmem:s31], [sflag:$0xA], $0x40, s23, s24, $0xb8;
	[tilespmem:$0x1DE00] =	vst v63  }
.Ltmp3:
0xdd: {  	(pc) =	sbr.rel .LBB2_2-.Ltmp3, $4  }
0xde: {  	_ =	swait.ge [sflag:s13], $0x2000  }
0xdf: {  	[sflag:s13] =	ssyncset.done $0x0  }
0xe0: {  	s4 =	sadd.s32 $0xC00, s20;
	s18 =	sadd.s32 $0x1400, s18;
	[sflag:s13] =	ssyncadd.s32 $0xFFFFE000  }
0xe1: {  	[tilespmem:s29], [sflag:$0x3] =	stream.indirect.gather [hbm4b:s5+s24], $0x40, s4, s24, $0xb8;
	[tilespmem:$0x1DE00] =	vst v63  }
.LBB2_5:
0xe2: {  	_ =	sfence.sel $0x180000  }
0xe3: {  	[bflag:$0x0] =	sbarrier.arrive $0xFFFF  }
0xe4: {  	_ =	strace $0x9000004A  }
0xe5: {  	s0 =	stileid.u32;
	[bflag:$0x2] =	sbarrier.arrive $0xFFFF  }
0xe6: {  	p0 =	sne.s32 s0, $0x0;
	s0 =	rddreg [dreg:$0x2]  }
0xe7: {  	s0 =	sadd.s32 @!p0 $0x100000, s0  }
0xe8: {  	[sflag:s0] =	ssyncadd.tile.s32 @!p0 $0x1;
	_ =	shalt  }
.Lfunc_end2:
_tile_overlayer_lowered:
.L_overlay_start_2:
0xe9: {  	(tag) =	ssettag $0x2  }
0xea: {  	s0 =	rddreg [dreg:$0x0];
	s2 =	stileid.u32  }
0xeb: {  	s1 =	rddreg [dreg:$0x1];
	p0 =	sne.s32 s2, $0x0  }
0xec: {  	s3 =	rddreg [dreg:$0x2];
	[bflag:$0x3] =	sbarrier.arrive $0xFFFF;
	s2 =	simm.s32 @!p0 $0x1C0B  }
0xed: {  	[timem:s3], [sflag:s2] =	dma.local @!p0 [hbm:s0], s1  }
0xee: {  	s0 =	simm.s32 @!p0 $0xB  }
0xef: {  	_ =	swait.ge @!p0 [sflag:s0], s1  }
0xf0: {  	s1 =	ssub.s32 @!p0 $0x0, s1;
	[sflag:s0] =	ssyncset.done @!p0 $0x0  }
0xf1: {  	[sflag:s0] =	ssyncadd.s32 @!p0 s1  }
0xf2: {  	[bflag:$0x3] =	sbarrier.arrive $0xFFFF  }
0xf3: {  	_ =	shalt  }

// kernel: kernel.15.cloned.1.call-start
scs
__scs_entry_jumppad:
0x0: {  	(pc) =	sbr.rel $0x88, $3  }
0x1: {  	(tag) =	ssettag $0x0;
	lr =	simm.s32 $0x1  }
0x2: {  	[smem:$0x3F9B] =	sst lr;
	_ =	strace $0xD0000000  }
0x3: {  	_ = 	snop  }
0x4: {  	_ = 	snop  }
0x5: {  	_ = 	snop  }
0x6: {  	_ = 	snop  }
0x7: {  	_ = 	snop  }
__scs_overlays_trampoline_lowered:
0x8: {  	[smem:$0x3FAA] =	sst s0  }
0x9: {  	[smem:$0x3FAB] =	sst s1  }
0xa: {  	[smem:$0x3FAC] =	sst s2  }
0xb: {  	[smem:$0x3FAD] =	sst s3  }
0xc: {  	[smem:$0x3FAE] =	sst s4  }
0xd: {  	[smem:$0x3FAF] =	sst s5  }
0xe: {  	[smem:$0x3FB0] =	sst s6  }
0xf: {  	[smem:$0x3FB1] =	sst s7  }
0x10: {  	[smem:$0x3FB2] =	sst s8  }
0x11: {  	[smem:$0x3FB3] =	sst s9;
	s0 =	simm.s32 @!p0 $0x0  }
0x12: {  	s1 =	sld [smem:$0x3F99];
	s0 =	simm.s32 @p0 $0x1  }
0x13: {  	[smem:$0x3FB4] =	sst s0;
	s0 =	simm.s32 @!p1 $0x0  }
0x14: {  	s2 =	sld [smem:$0x3F98];
	s0 =	simm.s32 @p1 $0x1  }
0x15: {  	[smem:$0x3FB5] =	sst s0;
	s0 =	simm.s32 @!p2 $0x0  }
0x16: {  	s3 =	sld [smem:$0x3FDB];
	s0 =	simm.s32 @p2 $0x1  }
0x17: {  	s4 =	simm.s32 $0x1BF5;
	[smem:$0x3FB7] =	sst s0  }
0x18: {  	s0 =	sld [smem:$0x3F9A];
	_ =	swait.ge [sflag:s4], $0x0  }
0x19: {  	s7 =	sld [smem:$0x3F9B]  }
0x1a: {  	s8 =	sadd.s32 $0xFFFFE003, lr  }
0x1b: {  	s9 =	sadd.s32 $0xFFFFFEF7, lr;
	s5 =	simm.s32 $0xFFFFFFFF;
	p2 =	slt.u32 s8, $0xFFFFF086  }
0x1c: {  	p1 =	slt.u32 s9, $0xF7A;
	s5 =	simm.s32 @!p2 $0x0  }
0x1d: {  	s5 =	simm.s32 @p1 $0x1;
	p0 =	seq.s32 s7, s2  }
0x1e: {  	s7 =	smul.u32 @!p0 $0xF7A, s2;
	p2 =	seq.s32 @!p0 s5, $0x0  }
0x1f: {  	s9 =	smul.u32 $0xF7A, s1;
	s8 =	simm.s32 @!p0 $0x1BF5;
	p2 =	por !p2, p0  }
0x20: {  	[sflag:s8] =	ssyncset.s32 @!p0 $0xFFFFF086;
	s6 =	sadd.s32 @!p0 s3, s7;
	s7 =	simm.s32 @!p0 $0x108  }
0x21: {  	s3 =	sadd.s32 s3, s9;
	s6 =	sadd.s32 @!p0 $0x88, s6;
	s7 =	simm.s32 @p2 $0x1082  }
0x22: {  	[simem:s7], [sflag:s8] =	dma.local @!p0 [hbm:s6], $0xF7A  }
0x23: {  	s9 =	sor.u32 $0xD0000000, s2;
	s6 =	simm.s32 $0x108;
	_ =	swait.ge @!p0 [sflag:s8], $0x0  }
0x24: {  	s3 =	sadd.s32 $0x88, s3;
	s6 =	simm.s32 @!p1 $0x1082;
	[sflag:s4] =	ssyncset.s32 $0xFFFFF086  }
0x25: {  	[simem:s6], [sflag:s4] =	dma.local [hbm:s3], $0xF7A  }
0x26: {  	[smem:$0x3F9B] =	sst s1;
	(tag) =	ssettag s2;
	_ =	strace s9  }
0x27: {  	s1 =	sld [smem:$0x3FAB]  }
0x28: {  	s2 =	sld [smem:$0x3FAC]  }
0x29: {  	s4 =	sld [smem:$0x3FAE]  }
0x2a: {  	p0 =	seq.s32 s5, $0x0;
	s5 =	sld [smem:$0x3FAF]  }
0x2b: {  	s6 =	sld [smem:$0x3FB0]  }
0x2c: {  	s7 =	sld [smem:$0x3FB1]  }
0x2d: {  	s3 =	simm.s32 $0x108;
	s8 =	sld [smem:$0x3FB2]  }
0x2e: {  	s3 =	simm.s32 @!p0 $0x1082;
	s9 =	sld [smem:$0x3FB3]  }
0x2f: {  	lr =	sadd.s32 s0, s3;
	s0 =	sld [smem:$0x3FAA]  }
0x30: {  	s3 =	sld [smem:$0x3FAD]  }
0x31: {  	[smem:$0x3FB6] =	sst s10  }
0x32: {  	s10 =	sld [smem:$0x3FB4];
	_ =	sdelay $0x3  }
0x33: {  	p0 =	seq.s32 s10, $0x1;
	s10 =	sld [smem:$0x3FB6];
	_ =	sdelay $0x3  }
0x34: {  	[smem:$0x3FB6] =	sst s10  }
0x35: {  	s10 =	sld [smem:$0x3FB5];
	_ =	sdelay $0x3  }
0x36: {  	p1 =	seq.s32 s10, $0x1;
	s10 =	sld [smem:$0x3FB6];
	_ =	sdelay $0x3  }
0x37: {  	[smem:$0x3FB6] =	sst s10  }
0x38: {  	s10 =	sld [smem:$0x3FB7]  }
0x39: {  	_ = 	snop;
	(pc) =	sbr.ind lr, $3  }
0x3a: {  	_ = 	snop  }
0x3b: {  	_ = 	snop  }
0x3c: {  	p2 =	seq.s32 s10, $0x1;
	s10 =	sld [smem:$0x3FB6]  }
0x3d: {  	_ =	shalt  }
0x3e: {  	_ =	shalt  }
0x3f: {  	_ =	shalt  }
0x40: {  	_ =	shalt  }
0x41: {  	_ =	shalt  }
0x42: {  	_ =	shalt  }
0x43: {  	_ =	shalt  }
0x44: {  	_ =	shalt  }
0x45: {  	_ =	shalt  }
0x46: {  	_ =	shalt  }
0x47: {  	_ =	shalt  }
0x48: {  	_ =	shalt  }
0x49: {  	_ =	shalt  }
0x4a: {  	_ =	shalt  }
0x4b: {  	_ =	shalt  }
0x4c: {  	_ =	shalt  }
0x4d: {  	_ =	shalt  }
0x4e: {  	_ =	shalt  }
0x4f: {  	_ =	shalt  }
0x50: {  	_ =	shalt  }
0x51: {  	_ =	shalt  }
0x52: {  	_ =	shalt  }
0x53: {  	_ =	shalt  }
0x54: {  	_ =	shalt  }
0x55: {  	_ =	shalt  }
0x56: {  	_ =	shalt  }
0x57: {  	_ =	shalt  }
0x58: {  	_ =	shalt  }
0x59: {  	_ =	shalt  }
0x5a: {  	_ =	shalt  }
0x5b: {  	_ =	shalt  }
0x5c: {  	_ =	shalt  }
0x5d: {  	_ =	shalt  }
0x5e: {  	_ =	shalt  }
0x5f: {  	_ =	shalt  }
0x60: {  	_ =	shalt  }
0x61: {  	_ =	shalt  }
0x62: {  	_ =	shalt  }
0x63: {  	_ =	shalt  }
0x64: {  	_ =	shalt  }
0x65: {  	_ =	shalt  }
0x66: {  	_ =	shalt  }
0x67: {  	_ =	shalt  }
0x68: {  	_ =	shalt  }
0x69: {  	_ =	shalt  }
0x6a: {  	_ =	shalt  }
0x6b: {  	_ =	shalt  }
0x6c: {  	_ =	shalt  }
0x6d: {  	_ =	shalt  }
0x6e: {  	_ =	shalt  }
0x6f: {  	_ =	shalt  }
0x70: {  	_ =	shalt  }
0x71: {  	_ =	shalt  }
0x72: {  	_ =	shalt  }
0x73: {  	_ =	shalt  }
0x74: {  	_ =	shalt  }
0x75: {  	_ =	shalt  }
0x76: {  	_ =	shalt  }
0x77: {  	_ =	shalt  }
0x78: {  	_ =	shalt  }
0x79: {  	_ =	shalt  }
0x7a: {  	_ =	shalt  }
0x7b: {  	_ =	shalt  }
0x7c: {  	_ =	shalt  }
0x7d: {  	_ =	shalt  }
0x7e: {  	_ =	shalt  }
0x7f: {  	_ =	shalt  }
0x80: {  	_ =	shalt  }
0x81: {  	_ =	shalt  }
0x82: {  	_ =	shalt  }
0x83: {  	_ =	shalt  }
0x84: {  	_ =	shalt  }
0x85: {  	_ =	shalt  }
0x86: {  	_ =	shalt  }
0x87: {  	_ =	shalt  }
.Lfunc_end0:
.L_simem_size_0:
called_computation.2_lowered:
.L_overlay_start_0:
0x88: {  	s2 =	sld [smem:$0x3FD9]  }
0x89: {  	s3 =	sld [smem:$0x3FFE];
	_ =	sdelay $0x1  }
0x8a: {  	s1 =	srdreg.scid  }
0x8b: {  	s0 =	sand.u32 $0x1, s1  }
0x8c: {  	s16 =	sshll.u32 s0, $0xA;
	s2 =	sadd.s32 s3, s2  }
0x8d: {  	s2 =	sadd.s32 s2, s16  }
0x8e: {  	[smem:$0x3FC2] =	sst s2  }
0x8f: {  	_ = 	snop  }
0x90: {  	(tm) =	ssettm $0x1  }
0x91: {  	s17 =	sld [smem:$0x3FFB];
	_ =	sdelay $0x3  }
0x92: {  	_ =	strace s17  }
0x93: {  	s2 =	sld [smem:$0x3FFC];
	_ =	sdelay $0x3  }
0x94: {  	_ =	strace s2  }
0x95: {  	s2 =	sld [smem:$0x3FFD];
	_ =	sdelay $0x3  }
0x96: {  	_ =	strace s2  }
0x97: {  	_ =	strace $0x8FFFFFFF  }
0x98: {  	s18 =	sld [smem:$0x3FDB];
	_ =	sdelay $0x1  }
0x99: {  	s19 =	simm.s32 $_scs_section_size  }
0x9a: {  	s4 =	simm.s32 $_size__tile_overlayer_lowered;
	s5 =	simm.s32 $_tile_overlayer_lowered  }
0x9b: {  	s22 =	simm.s32 $0x1BFF;
	s21 =	sshll.u32 s5, $0x1;
	s2 =	sadd.s32 s19, s18  }
0x9c: {  	s6 =	simm.s32 $0x0;
	s20 =	sshll.u32 s4, $0x1;
	s4 =	sadd.s32 s21, s2  }
0x9d: {  	[timem:s6], [sflag:s22] =	dma.local [hbm:s4], s20  }
0x9e: {  	_ =	swait.ge [sflag:s22], s20  }
0x9f: {  	s3 =	ssub.s32 $0x0, s20;
	[sflag:s22] =	ssyncset.done $0x0  }
0xa0: {  	[sflag:s22] =	ssyncadd.s32 s3;
	_ =	sdelay $0x1  }
0xa1: {  	s23 =	simm.s32 $0x1B8B  }
0xa2: {  	_ =	swait.ge [sflag:s23], $0x1  }
0xa3: {  	[sflag:s23] =	ssyncset.done $0x0  }
0xa4: {  	s25 =	simm.s32 $0x1B8E;
	s24 =	sld [smem:$0x3FFE];
	[sflag:s23] =	ssyncadd.s32 $0xFFFFFFFF  }
0xa5: {  	s26 =	simm.s32 $execute0_lowered;
	[smem:$0x3FD2] =	sst s25  }
0xa6: {  	s4 =	sshll.u32 s26, $0x1;
	_ =	strace $0x8000004C;
	[dreg:$0x1] =	wrdreg $0xFFFFFFFF  }
0xa7: {  	s28 =	simm.s32 $_size_execute0_lowered;
	s2 =	sadd.s32 s2, s4;
	[dreg:$0x0] =	wrdreg $0x0  }
0xa8: {  	s4 =	sshll.u32 s28, $0x1;
	[dreg:$0x2] =	wrdreg s2  }
0xa9: {  	[dreg:$0x3] =	wrdreg s4  }
0xaa: {  	[dreg:$0x4] =	wrdreg $0xC0  }
0xab: {  	_ =	task [dreg:s6], $0x5FFFF  }
0xac: {  	[dreg:$0x1] =	wrdreg $0xFFFFFFFF  }
0xad: {  	[dreg:$0x0] =	wrdreg $0x60  }
0xae: {  	[dreg:$0x2] =	wrdreg s24  }
0xaf: {  	[dreg:$0x3] =	wrdreg $0x7B000  }
0xb0: {  	[dreg:$0x4] =	wrdreg $0x9  }
0xb1: {  	_ =	task.clear_ibuf [dreg:s6], $0x5FFFF;
	_ =	strace $0x9000004C  }
0xb2: {  	s29 =	simm.s32 $0x9;
	_ =	strace $0x8000004E  }
0xb3: {  	_ =	swait.ge [sflag:s29], $0x1  }
0xb4: {  	[sflag:s29] =	ssyncadd.s32 $0xFFFFFFFF  }
0xb5: {  	_ =	strace $0x9000004E  }
0xb6: {  	_ =	sfence  }
0xb7: {  	s30 =	sld [smem:$0x0];
	_ =	sdelay $0x2  }
0xb8: {  	s31 =	sshll.u32 s1, $0xD;
	s1 =	sshrl.u32 s1, $0x2  }
0xb9: {  	s3 =	sand.u32 $0x4000, s31;
	s1 =	sadd.s32 s1, s30  }
0xba: {  	s0 =	sor.u32 s3, s0;
	s1 =	sshll.u32 s1, $0x11  }
0xbb: {  	s0 =	sor.u32 s1, s0  }
0xbc: {  	s0 =	sadd.s32 $0x8F2B, s0  }
0xbd: {  	[sflag:s0] =	ssyncadd.remote.s32 $0x1  }
0xbe: {  	_ =	sfence.sel $0xFFFF  }
0xbf: {  	[dreg:$0x0] =	wrdreg $0xFFFFFFFF;
	(pc) =	sbr.abs _section_cstart, $3  }
0xc0: {  	[dreg:$0x1] =	wrdreg $0xFFFFFFFF  }
0xc1: {  	_ =	task.clear_ibuf [dreg:s6], $0x2FFFF;
	_ =	strace $0x9FFFFFFF  }
0xc2: {  	(tm) =	ssettm $0x7FFFFFFF  }
0xc3: {  	_ =	shalt  }
tec
execute0_lowered:
.L_overlay_start_1:
0x0: {  	(tag) =	ssettag $0x1  }
0x1: {  	s1 =	srdreg.scid;
	s5 =	rddreg [dreg:$0x0]  }
0x2: {  	s0 =	stileid.u32;
	s2 =	rddreg [dreg:$0x1];
	s3 =	simm.s32 $0x0  }
0x3: {  	s12 =	simm.s32 $0x80;
	s13 =	simm.s32 $0x5000;
	s14 =	simm.s32 $0x180  }
0x4: {  	s15 =	simm.s32 $0x5080;
	s16 =	simm.s32 $0x1;
	s17 =	simm.s32 $0x2  }
0x5: {  	s18 =	simm.s32 $0x7880;
	s19 =	simm.s32 $0x0;
	s6 =	sand.u32 $0x1, s1  }
0x6: {  	s31 =	sshll.u32 s0, $0x1;
	s7 =	smul.u32 $0x278, s0;
	[smem:$0x7FF] =	sst s3  }
0x7: {  	s1 =	sor.u32 s6, s31;
	s8 =	smul.u32 $0x2780, s6;
	s10 =	ssub.s32 $0x2, s6  }
0x8: {  	p0 =	seq.s32 s6, $0x1;
	s4 =	smul.u32 $0xA00, s1;
	s1 =	rddreg [dreg:$0x2]  }
0x9: {  	_ =	strace $0x8000004D;
	s11 =	sshrl.u32 s10, $0x1;
	s6 =	sadd.s32 s7, s2  }
0xa: {  	s8 =	sadd.s32 s7, s8;
	s10 =	ssub.s32 s10, s11;
	s7 =	sadd.s32 $0x5100, s7  }
0xb: {  	s11 =	simm.s32 $0x3;
	s9 =	sadd.s32 s4, s5;
	s8 =	sshrl.u32 s8, $0x3  }
0xc: {  	s4 =	sadd.s32 $0x15800, s5;
	s8 =	sadd.s32 s8, s5;
	s5 =	sadd.s32 $0x1800, s9  }
0xd: {  	s9 =	smax.u32 s10, $0x1;
	s10 =	simm.s32 $0x5100;
	s8 =	sadd.s32 $0x15E00, s8  }
.LBB2_1:
0xe: {  	[tilespmem:s10], [sflag:$0x3] =	stream.linear.gather [hbm4b:s4+s3], $0x2780, $0x38;
	[tilespmem:$0x7D78] =	vst v63  }
0xf: {  	_ =	swait.ge [sflag:s11], $0x2780  }
0x10: {  	[sflag:s11] =	ssyncset.done $0x0  }
0x11: {  	[sflag:s11] =	ssyncadd.s32 $0xFFFFD880  }
0x12: {  	[tilespmem:s3], [sflag:$0x3] =	stream.linear.gather [hbm4b:s5+s3], $0x5000, $0x38;
	[tilespmem:$0x7D78] =	vst v63  }
0x13: {  	_ =	swait.ge [sflag:s11], $0x5000  }
0x14: {  	[sflag:s11] =	ssyncset.done $0x0  }
0x15: {  	v0 =	vimm.f32 @p0 $0.0e+00;
	[sflag:s11] =	ssyncadd.s32 $0xFFFFB000  }
0x16: {  	[tilespmem:$0x7880] =	vst @p0 v0  }
0x17: {  	[tilespmem:$0x7890] =	vst @p0 v0  }
0x18: {  	[tilespmem:$0x78A0] =	vst @p0 v0  }
0x19: {  	[tilespmem:$0x78B0] =	vst @p0 v0  }
0x1a: {  	[tilespmem:$0x78C0] =	vst @p0 v0  }
0x1b: {  	[tilespmem:$0x78D0] =	vst @p0 v0  }
0x1c: {  	[tilespmem:$0x78E0] =	vst @p0 v0  }
0x1d: {  	[tilespmem:$0x78F0] =	vst @p0 v0  }
0x1e: {  	[tilespmem:$0x7900] =	vst @p0 v0  }
0x1f: {  	[tilespmem:$0x7910] =	vst @p0 v0  }
0x20: {  	[tilespmem:$0x7920] =	vst @p0 v0  }
0x21: {  	[tilespmem:$0x7930] =	vst @p0 v0  }
0x22: {  	[tilespmem:$0x7940] =	vst @p0 v0  }
0x23: {  	[tilespmem:$0x7950] =	vst @p0 v0  }
0x24: {  	[tilespmem:$0x7960] =	vst @p0 v0  }
0x25: {  	[tilespmem:$0x7970] =	vst @p0 v0  }
0x26: {  	[tilespmem:$0x7980] =	vst @p0 v0  }
0x27: {  	[tilespmem:$0x7990] =	vst @p0 v0  }
0x28: {  	[tilespmem:$0x79A0] =	vst @p0 v0  }
0x29: {  	[tilespmem:$0x79B0] =	vst @p0 v0  }
0x2a: {  	[tilespmem:$0x79C0] =	vst @p0 v0  }
0x2b: {  	[tilespmem:$0x79D0] =	vst @p0 v0  }
0x2c: {  	[tilespmem:$0x79E0] =	vst @p0 v0  }
0x2d: {  	[tilespmem:$0x79F0] =	vst @p0 v0  }
0x2e: {  	[tilespmem:$0x7A00] =	vst @p0 v0  }
0x2f: {  	[tilespmem:$0x7A10] =	vst @p0 v0  }
0x30: {  	[tilespmem:$0x7A20] =	vst @p0 v0  }
0x31: {  	[tilespmem:$0x7A30] =	vst @p0 v0  }
0x32: {  	[tilespmem:$0x7A40] =	vst @p0 v0  }
0x33: {  	[tilespmem:$0x7A50] =	vst @p0 v0  }
0x34: {  	[tilespmem:$0x7A60] =	vst @p0 v0  }
0x35: {  	[tilespmem:$0x7A70] =	vst @p0 v0  }
0x36: {  	[tilespmem:$0x7A80] =	vst @p0 v0  }
0x37: {  	[tilespmem:$0x7A90] =	vst @p0 v0  }
0x38: {  	[tilespmem:$0x7AA0] =	vst @p0 v0  }
0x39: {  	[tilespmem:$0x7AB0] =	vst @p0 v0  }
0x3a: {  	[tilespmem:$0x7AC0] =	vst @p0 v0  }
0x3b: {  	[tilespmem:$0x7AD0] =	vst @p0 v0  }
0x3c: {  	s20 =	smov.u32 s7;
	[tilespmem:$0x7AE0] =	vst @p0 v0  }
0x3d: {  	s20 =	simm.s32 @p0 $0x7880;
	[tilespmem:$0x7AE8] =	vst @p0 v0  }
0x3e: {  	[spmem:s6] =	stream.linear.scatter [tilespmem:s20], [sflag:$0x3], $0x278, $0x38;
	[tilespmem:$0x7D78] =	vst v63  }
0x3f: {  	_ =	swait.ge [sflag:s11], $0x278  }
0x40: {  	[sflag:s11] =	ssyncset.done $0x0  }
0x41: {  	[sflag:s11] =	ssyncadd.s32 $0xFFFFFD88  }
0x42: {  	[bflag:$0x0] =	sbarrier.arrive $0xFFFF  }
0x43: {  	v50 =	vld [tilespmem:$0x0];
	_ =	sdelay $0x5  }
0x44: {  	v1 =	vld [tilespmem:$0x10];
	_ =	sdelay $0x1  }
0x45: {  	v0 =	vld.idx.msk [tilespmem:v50+s10+$0x0], $0xffff;
	_ =	sdelay $0x3  }
0x46: {  	v2 =	vld [tilespmem:$0x20]  }
0x47: {  	[tilespmem:$0x5000] =	vst v0  }
0x48: {  	v0 =	vld.idx.msk [tilespmem:v1+s10+$0x0], $0xffff;
	_ =	sdelay $0x3  }
0x49: {  	v51 =	vld [tilespmem:$0x30]  }
0x4a: {  	[tilespmem:$0x5010] =	vst v0  }
0x4b: {  	v0 =	vld.idx.msk [tilespmem:v2+s10+$0x0], $0xffff;
	_ =	sdelay $0x3  }
0x4c: {  	v52 =	vld [tilespmem:$0x40]  }
0x4d: {  	[tilespmem:$0x5020] =	vst v0  }
0x4e: {  	v0 =	vld.idx.msk [tilespmem:v51+s10+$0x0], $0xffff;
	_ =	sdelay $0x3  }
0x4f: {  	v53 =	vld [tilespmem:$0x50]  }
0x50: {  	[tilespmem:$0x5030] =	vst v0  }
0x51: {  	v0 =	vld.idx.msk [tilespmem:v52+s10+$0x0], $0xffff;
	_ =	sdelay $0x3  }
0x52: {  	v54 =	vld [tilespmem:$0x60]  }
0x53: {  	[tilespmem:$0x5040] =	vst v0  }
0x54: {  	v0 =	vld.idx.msk [tilespmem:v53+s10+$0x0], $0xffff;
	_ =	sdelay $0x3  }
0x55: {  	v55 =	vld [tilespmem:$0x70]  }
0x56: {  	[tilespmem:$0x5050] =	vst v0  }
0x57: {  	v0 =	vld.idx.msk [tilespmem:v54+s10+$0x0], $0xffff;
	_ =	sdelay $0x4  }
0x58: {  	[tilespmem:$0x5060] =	vst v0  }
0x59: {  	v0 =	vld.idx.msk [tilespmem:v55+s10+$0x0], $0xffff;
	_ =	sdelay $0x4  }
0x5a: {  	[tilespmem:$0x5070] =	vst v0  }
0x5b: {  	[spmem:s2] =	stream.indirect.scatter.add.f32 [tilespmem:s13], [sflag:$0x1], $0x1, s12, s12, $0xb8;
	[tilespmem:$0x7D78] =	vst v63  }
0x5c: {  	v56 =	vld [tilespmem:$0x100];
	_ =	sdelay $0x5  }
0x5d: {  	v57 =	vld [tilespmem:$0x110];
	_ =	sdelay $0x1  }
0x5e: {  	v0 =	vld.idx.msk [tilespmem:v56+s10+$0x0], $0xffff;
	_ =	sdelay $0x3  }
0x5f: {  	v58 =	vld [tilespmem:$0x120]  }
0x60: {  	[tilespmem:$0x5080] =	vst v0  }
0x61: {  	v0 =	vld.idx.msk [tilespmem:v57+s10+$0x0], $0xffff;
	_ =	sdelay $0x3  }
0x62: {  	v59 =	vld [tilespmem:$0x130]  }
0x63: {  	[tilespmem:$0x5090] =	vst v0  }
0x64: {  	v0 =	vld.idx.msk [tilespmem:v58+s10+$0x0], $0xffff;
	_ =	sdelay $0x3  }
0x65: {  	v60 =	vld [tilespmem:$0x140]  }
0x66: {  	[tilespmem:$0x50A0] =	vst v0  }
0x67: {  	v0 =	vld.idx.msk [tilespmem:v59+s10+$0x0], $0xffff;
	_ =	sdelay $0x3  }
0x68: {  	v61 =	vld [tilespmem:$0x150]  }
0x69: {  	[tilespmem:$0x50B0] =	vst v0  }
0x6a: {  	v0 =	vld.idx.msk [tilespmem:v60+s10+$0x0], $0xffff;
	_ =	sdelay $0x3  }
0x6b: {  	v62 =	vld [tilespmem:$0x160]  }
0x6c: {  	[tilespmem:$0x50C0] =	vst v0  }
0x6d: {  	v0 =	vld.idx.msk [tilespmem:v61+s10+$0x0], $0xffff;
	_ =	sdelay $0x3  }
0x6e: {  	v63 =	vld [tilespmem:$0x170]  }
0x6f: {  	[tilespmem:$0x50D0] =	vst v0  }
0x70: {  	v0 =	vld.idx.msk [tilespmem:v62+s10+$0x0], $0xffff;
	_ =	sdelay $0x4  }
0x71: {  	[tilespmem:$0x50E0] =	vst v0  }
0x72: {  	v0 =	vld.idx.msk [tilespmem:v63+s10+$0x0], $0xffff;
	_ =	sdelay $0x4  }
0x73: {  	s20 =	simm.s32 $0xFFFEC800;
	[tilespmem:$0x50F0] =	vst v0  }
0x74: {  	[spmem:s2] =	stream.indirect.scatter.add.f32 [tilespmem:s15], [sflag:$0x2], $0x1, s14, s12, $0xb8;
	[tilespmem:$0x7D78] =	vst v63  }
.LBB2_2:
0x75: {  	s21 =	sshra.s32 s20, $0x2  }
0x76: {  	v0 =	vld [tilespmem:s21+$0x5000];
	_ =	sdelay $0x7  }
0x77: {  	v0 =	vld.idx.msk [tilespmem:v0+s10+$0x0], $0xffff;
	_ =	sdelay $0x4  }
0x78: {  	[tilespmem:$0x5000] =	vst v0  }
0x79: {  	v0 =	vld [tilespmem:s21+$0x5010];
	_ =	sdelay $0x7  }
0x7a: {  	v0 =	vld.idx.msk [tilespmem:v0+s10+$0x0], $0xffff;
	_ =	sdelay $0x4  }
0x7b: {  	[tilespmem:$0x5010] =	vst v0  }
0x7c: {  	v0 =	vld [tilespmem:s21+$0x5020];
	_ =	sdelay $0x7  }
0x7d: {  	v0 =	vld.idx.msk [tilespmem:v0+s10+$0x0], $0xffff;
	_ =	sdelay $0x4  }
0x7e: {  	[tilespmem:$0x5020] =	vst v0  }
0x7f: {  	v0 =	vld [tilespmem:s21+$0x5030];
	_ =	sdelay $0x7  }
0x80: {  	v0 =	vld.idx.msk [tilespmem:v0+s10+$0x0], $0xffff;
	_ =	sdelay $0x4  }
0x81: {  	[tilespmem:$0x5030] =	vst v0  }
0x82: {  	v0 =	vld [tilespmem:s21+$0x5040];
	_ =	sdelay $0x7  }
0x83: {  	v0 =	vld.idx.msk [tilespmem:v0+s10+$0x0], $0xffff;
	_ =	sdelay $0x4  }
0x84: {  	[tilespmem:$0x5040] =	vst v0  }
0x85: {  	v0 =	vld [tilespmem:s21+$0x5050];
	_ =	sdelay $0x7  }
0x86: {  	v0 =	vld.idx.msk [tilespmem:v0+s10+$0x0], $0xffff;
	_ =	sdelay $0x4  }
0x87: {  	[tilespmem:$0x5050] =	vst v0  }
0x88: {  	v0 =	vld [tilespmem:s21+$0x5060];
	_ =	sdelay $0x7  }
0x89: {  	v0 =	vld.idx.msk [tilespmem:v0+s10+$0x0], $0xffff;
	_ =	sdelay $0x4  }
0x8a: {  	[tilespmem:$0x5060] =	vst v0  }
0x8b: {  	v0 =	vld [tilespmem:s21+$0x5070];
	_ =	sdelay $0x7  }
0x8c: {  	v0 =	vld.idx.msk [tilespmem:v0+s10+$0x0], $0xffff;
	_ =	sdelay $0x4  }
0x8d: {  	[tilespmem:$0x5070] =	vst v0  }
0x8e: {  	_ =	swait.ge [sflag:s16], $0x80  }
0x8f: {  	[sflag:s16] =	ssyncset.done $0x0  }
0x90: {  	s22 =	sadd.s32 $0x5080, s21;
	[sflag:s16] =	ssyncadd.s32 $0xFFFFFF80  }
0x91: {  	[spmem:s2] =	stream.indirect.scatter.add.f32 [tilespmem:s13], [sflag:$0x1], $0x1, s22, s12, $0xb8;
	[tilespmem:$0x7D78] =	vst v63  }
0x92: {  	v63 =	vld [tilespmem:s21+$0x5100];
	_ =	sdelay $0x7  }
0x93: {  	v0 =	vld.idx.msk [tilespmem:v63+s10+$0x0], $0xffff;
	_ =	sdelay $0x4  }
0x94: {  	[tilespmem:$0x5080] =	vst v0  }
0x95: {  	v0 =	vld [tilespmem:s21+$0x5110];
	_ =	sdelay $0x7  }
0x96: {  	v0 =	vld.idx.msk [tilespmem:v0+s10+$0x0], $0xffff;
	_ =	sdelay $0x4  }
0x97: {  	[tilespmem:$0x5090] =	vst v0  }
0x98: {  	v0 =	vld [tilespmem:s21+$0x5120];
	_ =	sdelay $0x7  }
0x99: {  	v0 =	vld.idx.msk [tilespmem:v0+s10+$0x0], $0xffff;
	_ =	sdelay $0x4  }
0x9a: {  	[tilespmem:$0x50A0] =	vst v0  }
0x9b: {  	v0 =	vld [tilespmem:s21+$0x5130];
	_ =	sdelay $0x7  }
0x9c: {  	v0 =	vld.idx.msk [tilespmem:v0+s10+$0x0], $0xffff;
	_ =	sdelay $0x4  }
0x9d: {  	[tilespmem:$0x50B0] =	vst v0  }
0x9e: {  	v0 =	vld [tilespmem:s21+$0x5140];
	_ =	sdelay $0x7  }
0x9f: {  	v0 =	vld.idx.msk [tilespmem:v0+s10+$0x0], $0xffff;
	_ =	sdelay $0x4  }
0xa0: {  	[tilespmem:$0x50C0] =	vst v0  }
0xa1: {  	v0 =	vld [tilespmem:s21+$0x5150];
	_ =	sdelay $0x7  }
0xa2: {  	v0 =	vld.idx.msk [tilespmem:v0+s10+$0x0], $0xffff;
	_ =	sdelay $0x4  }
0xa3: {  	[tilespmem:$0x50D0] =	vst v0  }
0xa4: {  	v0 =	vld [tilespmem:s21+$0x5160];
	_ =	sdelay $0x7  }
0xa5: {  	v0 =	vld.idx.msk [tilespmem:v0+s10+$0x0], $0xffff;
	_ =	sdelay $0x4  }
0xa6: {  	[tilespmem:$0x50E0] =	vst v0  }
0xa7: {  	v0 =	vld [tilespmem:s21+$0x5170];
	_ =	sdelay $0x7  }
0xa8: {  	v0 =	vld.idx.msk [tilespmem:v0+s10+$0x0], $0xffff;
	_ =	sdelay $0x3  }
0xa9: {  	p1 =	sne.s32 s20, $0xFFFFF800  }
.Ltmp0:
0xaa: {  	[tilespmem:$0x50F0] =	vst v0;
	(pc) =	sbr.rel @p1 .LBB2_2-.Ltmp0, $4  }
0xab: {  	_ =	swait.ge [sflag:s17], $0x80  }
0xac: {  	[sflag:s17] =	ssyncset.done $0x0  }
0xad: {  	s20 =	sadd.s32 $0x800, s20;
	s21 =	sadd.s32 $0x5180, s21;
	[sflag:s17] =	ssyncadd.s32 $0xFFFFFF80  }
0xae: {  	[spmem:s2] =	stream.indirect.scatter.add.f32 [tilespmem:s15], [sflag:$0x2], $0x1, s21, s12, $0xb8;
	[tilespmem:$0x7D78] =	vst v63  }
0xaf: {  	_ =	swait.ge [sflag:s16], $0x80  }
0xb0: {  	[sflag:s16] =	ssyncset.done $0x0  }
0xb1: {  	[sflag:s16] =	ssyncadd.s32 $0xFFFFFF80  }
0xb2: {  	_ =	swait.ge [sflag:s17], $0x80  }
0xb3: {  	[sflag:s17] =	ssyncset.done $0x0  }
0xb4: {  	[sflag:s17] =	ssyncadd.s32 $0xFFFFFF80  }
0xb5: {  	[bflag:$0x0] =	sbarrier.arrive $0xFFFF  }
0xb6: {  	[tilespmem:s18], [sflag:$0x3] =	stream.linear.gather [spmem:s6], $0x278, $0x38;
	[tilespmem:$0x7D78] =	vst v63  }
0xb7: {  	s19 =	sadd.s32 $0x1, s19;
	_ =	swait.ge [sflag:s11], $0x278  }
0xb8: {  	p1 =	sne.s32 s19, s9;
	[sflag:s11] =	ssyncset.done $0x0  }
.Ltmp1:
0xb9: {  	[sflag:s11] =	ssyncadd.s32 $0xFFFFFD88;
	(pc) =	sbr.rel @p1 .LBB2_1-.Ltmp1, $4  }
0xba: {  	[hbm4b:s8+s3] =	stream.linear.scatter [tilespmem:s18], [sflag:$0x3], $0x278, $0x38;
	[tilespmem:$0x7D78] =	vst v63  }
0xbb: {  	_ =	swait.ge [sflag:s11], $0x278  }
0xbc: {  	[sflag:s11] =	ssyncset.done $0x0  }
0xbd: {  	[sflag:s11] =	ssyncadd.s32 $0xFFFFFD88  }
0xbe: {  	_ =	sfence.sel $0x180000  }
0xbf: {  	[bflag:$0x0] =	sbarrier.arrive $0xFFFF  }
0xc0: {  	p0 =	sne.s32 s0, $0x0;
	_ =	strace $0x9000004D  }
0xc1: {  	s0 =	sadd.s32 @!p0 $0x100000, s1;
	[bflag:$0x2] =	sbarrier.arrive $0xFFFF  }
0xc2: {  	[sflag:s0] =	ssyncadd.tile.s32 @!p0 $0x1;
	_ =	shalt  }
.Lfunc_end2:
_tile_overlayer_lowered:
.L_overlay_start_2:
0xc3: {  	(tag) =	ssettag $0x2  }
0xc4: {  	s0 =	rddreg [dreg:$0x0];
	s2 =	stileid.u32  }
0xc5: {  	s1 =	rddreg [dreg:$0x1];
	p0 =	sne.s32 s2, $0x0  }
0xc6: {  	s3 =	rddreg [dreg:$0x2];
	[bflag:$0x3] =	sbarrier.arrive $0xFFFF;
	s2 =	simm.s32 @!p0 $0x1C03  }
0xc7: {  	[timem:s3], [sflag:s2] =	dma.local @!p0 [hbm:s0], s1  }
0xc8: {  	s0 =	simm.s32 @!p0 $0x3  }
0xc9: {  	_ =	swait.ge @!p0 [sflag:s0], s1  }
0xca: {  	s1 =	ssub.s32 @!p0 $0x0, s1;
	[sflag:s0] =	ssyncset.done @!p0 $0x0  }
0xcb: {  	[sflag:s0] =	ssyncadd.s32 @!p0 s1  }
0xcc: {  	[bflag:$0x3] =	sbarrier.arrive $0xFFFF  }
0xcd: {  	_ =	shalt  }

// kernel: kernel.9.cloned.1.call-start
scs
__scs_entry_jumppad:
0x0: {  	(pc) =	sbr.rel $0x88, $3  }
0x1: {  	(tag) =	ssettag $0x0;
	lr =	simm.s32 $0x1  }
0x2: {  	[smem:$0x3F9B] =	sst lr;
	_ =	strace $0xD0000000  }
0x3: {  	_ = 	snop  }
0x4: {  	_ = 	snop  }
0x5: {  	_ = 	snop  }
0x6: {  	_ = 	snop  }
0x7: {  	_ = 	snop  }
__scs_overlays_trampoline_lowered:
0x8: {  	[smem:$0x3FAA] =	sst s0  }
0x9: {  	[smem:$0x3FAB] =	sst s1  }
0xa: {  	[smem:$0x3FAC] =	sst s2  }
0xb: {  	[smem:$0x3FAD] =	sst s3  }
0xc: {  	[smem:$0x3FAE] =	sst s4  }
0xd: {  	[smem:$0x3FAF] =	sst s5  }
0xe: {  	[smem:$0x3FB0] =	sst s6  }
0xf: {  	[smem:$0x3FB1] =	sst s7  }
0x10: {  	[smem:$0x3FB2] =	sst s8  }
0x11: {  	[smem:$0x3FB3] =	sst s9;
	s0 =	simm.s32 @!p0 $0x0  }
0x12: {  	s1 =	sld [smem:$0x3F99];
	s0 =	simm.s32 @p0 $0x1  }
0x13: {  	[smem:$0x3FB4] =	sst s0;
	s0 =	simm.s32 @!p1 $0x0  }
0x14: {  	s2 =	sld [smem:$0x3F98];
	s0 =	simm.s32 @p1 $0x1  }
0x15: {  	[smem:$0x3FB5] =	sst s0;
	s0 =	simm.s32 @!p2 $0x0  }
0x16: {  	s3 =	sld [smem:$0x3FDB];
	s0 =	simm.s32 @p2 $0x1  }
0x17: {  	s4 =	simm.s32 $0x1BF5;
	[smem:$0x3FB7] =	sst s0  }
0x18: {  	s0 =	sld [smem:$0x3F9A];
	_ =	swait.ge [sflag:s4], $0x0  }
0x19: {  	s7 =	sld [smem:$0x3F9B]  }
0x1a: {  	s8 =	sadd.s32 $0xFFFFE003, lr  }
0x1b: {  	s9 =	sadd.s32 $0xFFFFFEF7, lr;
	s5 =	simm.s32 $0xFFFFFFFF;
	p2 =	slt.u32 s8, $0xFFFFF086  }
0x1c: {  	p1 =	slt.u32 s9, $0xF7A;
	s5 =	simm.s32 @!p2 $0x0  }
0x1d: {  	s5 =	simm.s32 @p1 $0x1;
	p0 =	seq.s32 s7, s2  }
0x1e: {  	s7 =	smul.u32 @!p0 $0xF7A, s2;
	p2 =	seq.s32 @!p0 s5, $0x0  }
0x1f: {  	s9 =	smul.u32 $0xF7A, s1;
	s8 =	simm.s32 @!p0 $0x1BF5;
	p2 =	por !p2, p0  }
0x20: {  	[sflag:s8] =	ssyncset.s32 @!p0 $0xFFFFF086;
	s6 =	sadd.s32 @!p0 s3, s7;
	s7 =	simm.s32 @!p0 $0x108  }
0x21: {  	s3 =	sadd.s32 s3, s9;
	s6 =	sadd.s32 @!p0 $0x88, s6;
	s7 =	simm.s32 @p2 $0x1082  }
0x22: {  	[simem:s7], [sflag:s8] =	dma.local @!p0 [hbm:s6], $0xF7A  }
0x23: {  	s9 =	sor.u32 $0xD0000000, s2;
	s6 =	simm.s32 $0x108;
	_ =	swait.ge @!p0 [sflag:s8], $0x0  }
0x24: {  	s3 =	sadd.s32 $0x88, s3;
	s6 =	simm.s32 @!p1 $0x1082;
	[sflag:s4] =	ssyncset.s32 $0xFFFFF086  }
0x25: {  	[simem:s6], [sflag:s4] =	dma.local [hbm:s3], $0xF7A  }
0x26: {  	[smem:$0x3F9B] =	sst s1;
	(tag) =	ssettag s2;
	_ =	strace s9  }
0x27: {  	s1 =	sld [smem:$0x3FAB]  }
0x28: {  	s2 =	sld [smem:$0x3FAC]  }
0x29: {  	s4 =	sld [smem:$0x3FAE]  }
0x2a: {  	p0 =	seq.s32 s5, $0x0;
	s5 =	sld [smem:$0x3FAF]  }
0x2b: {  	s6 =	sld [smem:$0x3FB0]  }
0x2c: {  	s7 =	sld [smem:$0x3FB1]  }
0x2d: {  	s3 =	simm.s32 $0x108;
	s8 =	sld [smem:$0x3FB2]  }
0x2e: {  	s3 =	simm.s32 @!p0 $0x1082;
	s9 =	sld [smem:$0x3FB3]  }
0x2f: {  	lr =	sadd.s32 s0, s3;
	s0 =	sld [smem:$0x3FAA]  }
0x30: {  	s3 =	sld [smem:$0x3FAD]  }
0x31: {  	[smem:$0x3FB6] =	sst s10  }
0x32: {  	s10 =	sld [smem:$0x3FB4];
	_ =	sdelay $0x3  }
0x33: {  	p0 =	seq.s32 s10, $0x1;
	s10 =	sld [smem:$0x3FB6];
	_ =	sdelay $0x3  }
0x34: {  	[smem:$0x3FB6] =	sst s10  }
0x35: {  	s10 =	sld [smem:$0x3FB5];
	_ =	sdelay $0x3  }
0x36: {  	p1 =	seq.s32 s10, $0x1;
	s10 =	sld [smem:$0x3FB6];
	_ =	sdelay $0x3  }
0x37: {  	[smem:$0x3FB6] =	sst s10  }
0x38: {  	s10 =	sld [smem:$0x3FB7]  }
0x39: {  	_ = 	snop;
	(pc) =	sbr.ind lr, $3  }
0x3a: {  	_ = 	snop  }
0x3b: {  	_ = 	snop  }
0x3c: {  	p2 =	seq.s32 s10, $0x1;
	s10 =	sld [smem:$0x3FB6]  }
0x3d: {  	_ =	shalt  }
0x3e: {  	_ =	shalt  }
0x3f: {  	_ =	shalt  }
0x40: {  	_ =	shalt  }
0x41: {  	_ =	shalt  }
0x42: {  	_ =	shalt  }
0x43: {  	_ =	shalt  }
0x44: {  	_ =	shalt  }
0x45: {  	_ =	shalt  }
0x46: {  	_ =	shalt  }
0x47: {  	_ =	shalt  }
0x48: {  	_ =	shalt  }
0x49: {  	_ =	shalt  }
0x4a: {  	_ =	shalt  }
0x4b: {  	_ =	shalt  }
0x4c: {  	_ =	shalt  }
0x4d: {  	_ =	shalt  }
0x4e: {  	_ =	shalt  }
0x4f: {  	_ =	shalt  }
0x50: {  	_ =	shalt  }
0x51: {  	_ =	shalt  }
0x52: {  	_ =	shalt  }
0x53: {  	_ =	shalt  }
0x54: {  	_ =	shalt  }
0x55: {  	_ =	shalt  }
0x56: {  	_ =	shalt  }
0x57: {  	_ =	shalt  }
0x58: {  	_ =	shalt  }
0x59: {  	_ =	shalt  }
0x5a: {  	_ =	shalt  }
0x5b: {  	_ =	shalt  }
0x5c: {  	_ =	shalt  }
0x5d: {  	_ =	shalt  }
0x5e: {  	_ =	shalt  }
0x5f: {  	_ =	shalt  }
0x60: {  	_ =	shalt  }
0x61: {  	_ =	shalt  }
0x62: {  	_ =	shalt  }
0x63: {  	_ =	shalt  }
0x64: {  	_ =	shalt  }
0x65: {  	_ =	shalt  }
0x66: {  	_ =	shalt  }
0x67: {  	_ =	shalt  }
0x68: {  	_ =	shalt  }
0x69: {  	_ =	shalt  }
0x6a: {  	_ =	shalt  }
0x6b: {  	_ =	shalt  }
0x6c: {  	_ =	shalt  }
0x6d: {  	_ =	shalt  }
0x6e: {  	_ =	shalt  }
0x6f: {  	_ =	shalt  }
0x70: {  	_ =	shalt  }
0x71: {  	_ =	shalt  }
0x72: {  	_ =	shalt  }
0x73: {  	_ =	shalt  }
0x74: {  	_ =	shalt  }
0x75: {  	_ =	shalt  }
0x76: {  	_ =	shalt  }
0x77: {  	_ =	shalt  }
0x78: {  	_ =	shalt  }
0x79: {  	_ =	shalt  }
0x7a: {  	_ =	shalt  }
0x7b: {  	_ =	shalt  }
0x7c: {  	_ =	shalt  }
0x7d: {  	_ =	shalt  }
0x7e: {  	_ =	shalt  }
0x7f: {  	_ =	shalt  }
0x80: {  	_ =	shalt  }
0x81: {  	_ =	shalt  }
0x82: {  	_ =	shalt  }
0x83: {  	_ =	shalt  }
0x84: {  	_ =	shalt  }
0x85: {  	_ =	shalt  }
0x86: {  	_ =	shalt  }
0x87: {  	_ =	shalt  }
.Lfunc_end0:
.L_simem_size_0:
called_computation_lowered:
.L_overlay_start_0:
0x88: {  	s2 =	sld [smem:$0x3FD9]  }
0x89: {  	s3 =	sld [smem:$0x3FFE];
	_ =	sdelay $0x1  }
0x8a: {  	s1 =	srdreg.scid  }
0x8b: {  	s0 =	sand.u32 $0x1, s1  }
0x8c: {  	s16 =	sshll.u32 s0, $0xA;
	s2 =	sadd.s32 s3, s2  }
0x8d: {  	s2 =	sadd.s32 s2, s16  }
0x8e: {  	[smem:$0x3FC2] =	sst s2  }
0x8f: {  	_ = 	snop  }
0x90: {  	(tm) =	ssettm $0x1  }
0x91: {  	s17 =	sld [smem:$0x3FFB];
	_ =	sdelay $0x3  }
0x92: {  	_ =	strace s17  }
0x93: {  	s2 =	sld [smem:$0x3FFC];
	_ =	sdelay $0x3  }
0x94: {  	_ =	strace s2  }
0x95: {  	s2 =	sld [smem:$0x3FFD];
	_ =	sdelay $0x3  }
0x96: {  	_ =	strace s2  }
0x97: {  	_ =	strace $0x8FFFFFFF  }
0x98: {  	s18 =	sld [smem:$0x3FDB];
	_ =	sdelay $0x1  }
0x99: {  	s19 =	simm.s32 $_scs_section_size  }
0x9a: {  	s4 =	simm.s32 $_size__tile_overlayer_lowered;
	s5 =	simm.s32 $_tile_overlayer_lowered  }
0x9b: {  	s22 =	simm.s32 $0x1BFF;
	s21 =	sshll.u32 s5, $0x1;
	s2 =	sadd.s32 s19, s18  }
0x9c: {  	s6 =	simm.s32 $0x0;
	s20 =	sshll.u32 s4, $0x1;
	s4 =	sadd.s32 s21, s2  }
0x9d: {  	[timem:s6], [sflag:s22] =	dma.local [hbm:s4], s20  }
0x9e: {  	_ =	swait.ge [sflag:s22], s20  }
0x9f: {  	s3 =	ssub.s32 $0x0, s20;
	[sflag:s22] =	ssyncset.done $0x0  }
0xa0: {  	[sflag:s22] =	ssyncadd.s32 s3;
	_ =	sdelay $0x1  }
0xa1: {  	s23 =	simm.s32 $0x1B8B  }
0xa2: {  	_ =	swait.ge [sflag:s23], $0x1  }
0xa3: {  	[sflag:s23] =	ssyncset.done $0x0  }
0xa4: {  	s25 =	simm.s32 $0x1B8E;
	s24 =	sld [smem:$0x3FFE];
	[sflag:s23] =	ssyncadd.s32 $0xFFFFFFFF  }
0xa5: {  	s26 =	simm.s32 $execute0_lowered;
	[smem:$0x3FD2] =	sst s25  }
0xa6: {  	s4 =	sshll.u32 s26, $0x1;
	_ =	strace $0x80000046;
	[dreg:$0x1] =	wrdreg $0xFFFFFFFF  }
0xa7: {  	s28 =	simm.s32 $_size_execute0_lowered;
	s2 =	sadd.s32 s2, s4;
	[dreg:$0x0] =	wrdreg $0x0  }
0xa8: {  	s4 =	sshll.u32 s28, $0x1;
	[dreg:$0x2] =	wrdreg s2  }
0xa9: {  	[dreg:$0x3] =	wrdreg s4  }
0xaa: {  	[dreg:$0x4] =	wrdreg $0xC0  }
0xab: {  	_ =	task [dreg:s6], $0x5FFFF  }
0xac: {  	[dreg:$0x1] =	wrdreg $0xFFFFFFFF  }
0xad: {  	[dreg:$0x0] =	wrdreg $0x60  }
0xae: {  	[dreg:$0x2] =	wrdreg s24  }
0xaf: {  	[dreg:$0x3] =	wrdreg $0x53000  }
0xb0: {  	[dreg:$0x4] =	wrdreg $0x9  }
0xb1: {  	_ =	task.clear_ibuf [dreg:s6], $0x5FFFF;
	_ =	strace $0x90000046  }
0xb2: {  	s29 =	simm.s32 $0x9;
	_ =	strace $0x80000048  }
0xb3: {  	_ =	swait.ge [sflag:s29], $0x1  }
0xb4: {  	[sflag:s29] =	ssyncadd.s32 $0xFFFFFFFF  }
0xb5: {  	_ =	strace $0x90000048  }
0xb6: {  	_ =	sfence  }
0xb7: {  	s30 =	sld [smem:$0x0];
	_ =	sdelay $0x2  }
0xb8: {  	s31 =	sshll.u32 s1, $0xD;
	s1 =	sshrl.u32 s1, $0x2  }
0xb9: {  	s3 =	sand.u32 $0x4000, s31;
	s1 =	sadd.s32 s1, s30  }
0xba: {  	s0 =	sor.u32 s3, s0;
	s1 =	sshll.u32 s1, $0x11  }
0xbb: {  	s0 =	sor.u32 s1, s0  }
0xbc: {  	s0 =	sadd.s32 $0x8F2B, s0  }
0xbd: {  	[sflag:s0] =	ssyncadd.remote.s32 $0x1  }
0xbe: {  	_ =	sfence.sel $0xFFFF  }
0xbf: {  	[dreg:$0x0] =	wrdreg $0xFFFFFFFF;
	(pc) =	sbr.abs _section_cstart, $3  }
0xc0: {  	[dreg:$0x1] =	wrdreg $0xFFFFFFFF  }
0xc1: {  	_ =	task.clear_ibuf [dreg:s6], $0x2FFFF;
	_ =	strace $0x9FFFFFFF  }
0xc2: {  	(tm) =	ssettm $0x7FFFFFFF  }
0xc3: {  	_ =	shalt  }
tec
execute0_lowered:
.L_overlay_start_1:
0x0: {  	(tag) =	ssettag $0x1  }
0x1: {  	s1 =	srdreg.scid;
	s4 =	rddreg [dreg:$0x0]  }
0x2: {  	s0 =	stileid.u32;
	s2 =	rddreg [dreg:$0x1];
	s3 =	simm.s32 $0x0  }
0x3: {  	s10 =	simm.s32 $0x80;
	s11 =	simm.s32 $0x5000;
	s12 =	simm.s32 $0x1  }
0x4: {  	s13 =	simm.s32 $0x0;
	s8 =	sand.u32 $0x1, s1;
	s1 =	rddreg [dreg:$0x2]  }
0x5: {  	s5 =	smul.u32 $0x278, s0;
	s6 =	sshll.u32 s0, $0x1;
	[smem:$0x7FF] =	sst s3  }
0x6: {  	s7 =	smul.u32 $0x2780, s8;
	s6 =	sor.u32 s8, s6;
	_ =	strace $0x80000047  }
0x7: {  	s9 =	ssub.s32 $0x2, s8;
	p0 =	sne.s32 s8, $0x0;
	s6 =	smul.u32 $0xA00, s6  }
0x8: {  	s8 =	simm.s32 $0x2;
	s31 =	sshrl.u32 s9, $0x1;
	s7 =	sadd.s32 s5, s7  }
0x9: {  	s9 =	ssub.s32 s9, s31;
	s7 =	sshrl.u32 s7, $0x3;
	s6 =	sadd.s32 s6, s4  }
0xa: {  	s5 =	sadd.s32 s5, s2;
	s7 =	sadd.s32 s7, s4;
	s4 =	sadd.s32 $0x1800, s6  }
0xb: {  	v0 =	vimm.f32 $1.000000000e+00;
	v1 =	vimm.f32 $0.0e+00;
	s6 =	sadd.s32 $0x15800, s7;
	s7 =	smax.u32 s9, $0x1;
	s9 =	simm.s32 $0x5080  }
.LBB2_1:
0xc: {  	[tilespmem:s3], [sflag:$0x2] =	stream.linear.gather [hbm4b:s4+s3], $0x5000, $0x38;
	[tilespmem:$0x5578] =	vst v63  }
0xd: {  	_ =	swait.ge [sflag:s8], $0x5000  }
0xe: {  	[sflag:s8] =	ssyncset.done $0x0  }
0xf: {  	[sflag:s8] =	ssyncadd.s32 $0xFFFFB000  }
0x10: {  	[tilespmem:$0x5000] =	vst v0  }
0x11: {  	[tilespmem:$0x5010] =	vst v0  }
0x12: {  	[tilespmem:$0x5020] =	vst v0  }
0x13: {  	[tilespmem:$0x5030] =	vst v0  }
0x14: {  	[tilespmem:$0x5040] =	vst v0  }
0x15: {  	[tilespmem:$0x5050] =	vst v0  }
0x16: {  	[tilespmem:$0x5060] =	vst v0  }
0x17: {  	[tilespmem:$0x5070] =	vst v0  }
0x18: {  	[tilespmem:$0x5080] =	vst v1  }
0x19: {  	[tilespmem:$0x5090] =	vst v1  }
0x1a: {  	[tilespmem:$0x50A0] =	vst v1  }
0x1b: {  	[tilespmem:$0x50B0] =	vst v1  }
0x1c: {  	[tilespmem:$0x50C0] =	vst v1  }
0x1d: {  	[tilespmem:$0x50D0] =	vst v1  }
0x1e: {  	[tilespmem:$0x50E0] =	vst v1  }
0x1f: {  	[tilespmem:$0x50F0] =	vst v1  }
0x20: {  	[tilespmem:$0x5100] =	vst v1  }
0x21: {  	[tilespmem:$0x5110] =	vst v1  }
0x22: {  	[tilespmem:$0x5120] =	vst v1  }
0x23: {  	[tilespmem:$0x5130] =	vst v1  }
0x24: {  	[tilespmem:$0x5140] =	vst v1  }
0x25: {  	[tilespmem:$0x5150] =	vst v1  }
0x26: {  	[tilespmem:$0x5160] =	vst v1  }
0x27: {  	[tilespmem:$0x5170] =	vst v1  }
0x28: {  	[tilespmem:$0x5180] =	vst v1  }
0x29: {  	[tilespmem:$0x5190] =	vst v1  }
0x2a: {  	[tilespmem:$0x51A0] =	vst v1  }
0x2b: {  	[tilespmem:$0x51B0] =	vst v1  }
0x2c: {  	[tilespmem:$0x51C0] =	vst v1  }
0x2d: {  	[tilespmem:$0x51D0] =	vst v1  }
0x2e: {  	[tilespmem:$0x51E0] =	vst v1  }
0x2f: {  	[tilespmem:$0x51F0] =	vst v1  }
0x30: {  	[tilespmem:$0x5200] =	vst v1  }
0x31: {  	[tilespmem:$0x5210] =	vst v1  }
0x32: {  	[tilespmem:$0x5220] =	vst v1  }
0x33: {  	[tilespmem:$0x5230] =	vst v1  }
0x34: {  	[tilespmem:$0x5240] =	vst v1  }
0x35: {  	[tilespmem:$0x5250] =	vst v1  }
0x36: {  	[tilespmem:$0x5260] =	vst v1  }
0x37: {  	[tilespmem:$0x5270] =	vst v1  }
0x38: {  	[tilespmem:$0x5280] =	vst v1  }
0x39: {  	[tilespmem:$0x5290] =	vst v1  }
0x3a: {  	[tilespmem:$0x52A0] =	vst v1  }
0x3b: {  	[tilespmem:$0x52B0] =	vst v1  }
0x3c: {  	[tilespmem:$0x52C0] =	vst v1  }
0x3d: {  	[tilespmem:$0x52D0] =	vst v1  }
0x3e: {  	[tilespmem:$0x52E0] =	vst v1  }
0x3f: {  	v2 =	vimm.f32 @!p0 $1.000000000e+00;
	[tilespmem:$0x52E8] =	vst v1  }
0x40: {  	[tilespmem:$0x5080] =	vst @!p0 v2  }
0x41: {  	[tilespmem:$0x5090] =	vst @!p0 v2  }
0x42: {  	[tilespmem:$0x50A0] =	vst @!p0 v2  }
0x43: {  	[tilespmem:$0x50B0] =	vst @!p0 v2  }
0x44: {  	[tilespmem:$0x50C0] =	vst @!p0 v2  }
0x45: {  	[tilespmem:$0x50D0] =	vst @!p0 v2  }
0x46: {  	[tilespmem:$0x50E0] =	vst @!p0 v2  }
0x47: {  	[tilespmem:$0x50F0] =	vst @!p0 v2  }
0x48: {  	[tilespmem:$0x5100] =	vst @!p0 v2  }
0x49: {  	[tilespmem:$0x5110] =	vst @!p0 v2  }
0x4a: {  	[tilespmem:$0x5120] =	vst @!p0 v2  }
0x4b: {  	[tilespmem:$0x5130] =	vst @!p0 v2  }
0x4c: {  	[tilespmem:$0x5140] =	vst @!p0 v2  }
0x4d: {  	[tilespmem:$0x5150] =	vst @!p0 v2  }
0x4e: {  	[tilespmem:$0x5160] =	vst @!p0 v2  }
0x4f: {  	[tilespmem:$0x5170] =	vst @!p0 v2  }
0x50: {  	[tilespmem:$0x5180] =	vst @!p0 v2  }
0x51: {  	[tilespmem:$0x5190] =	vst @!p0 v2  }
0x52: {  	[tilespmem:$0x51A0] =	vst @!p0 v2  }
0x53: {  	[tilespmem:$0x51B0] =	vst @!p0 v2  }
0x54: {  	[tilespmem:$0x51C0] =	vst @!p0 v2  }
0x55: {  	[tilespmem:$0x51D0] =	vst @!p0 v2  }
0x56: {  	[tilespmem:$0x51E0] =	vst @!p0 v2  }
0x57: {  	[tilespmem:$0x51F0] =	vst @!p0 v2  }
0x58: {  	[tilespmem:$0x5200] =	vst @!p0 v2  }
0x59: {  	[tilespmem:$0x5210] =	vst @!p0 v2  }
0x5a: {  	[tilespmem:$0x5220] =	vst @!p0 v2  }
0x5b: {  	[tilespmem:$0x5230] =	vst @!p0 v2  }
0x5c: {  	[tilespmem:$0x5240] =	vst @!p0 v2  }
0x5d: {  	[tilespmem:$0x5250] =	vst @!p0 v2  }
0x5e: {  	[tilespmem:$0x5260] =	vst @!p0 v2  }
0x5f: {  	[tilespmem:$0x5270] =	vst @!p0 v2  }
0x60: {  	[tilespmem:$0x5280] =	vst @!p0 v2  }
0x61: {  	[tilespmem:$0x5290] =	vst @!p0 v2  }
0x62: {  	[tilespmem:$0x52A0] =	vst @!p0 v2  }
0x63: {  	[tilespmem:$0x52B0] =	vst @!p0 v2  }
0x64: {  	[tilespmem:$0x52C0] =	vst @!p0 v2  }
0x65: {  	[tilespmem:$0x52D0] =	vst @!p0 v2  }
0x66: {  	[tilespmem:$0x52E0] =	vst @!p0 v2  }
0x67: {  	[tilespmem:$0x52E8] =	vst @!p0 v2  }
0x68: {  	[spmem:s5] =	stream.linear.scatter [tilespmem:s9], [sflag:$0x2], $0x278, $0x38;
	[tilespmem:$0x5578] =	vst v63  }
0x69: {  	_ =	swait.ge [sflag:s8], $0x278  }
0x6a: {  	[sflag:s8] =	ssyncset.done $0x0  }
0x6b: {  	[sflag:s8] =	ssyncadd.s32 $0xFFFFFD88  }
0x6c: {  	s14 =	simm.s32 $0x200;
	[bflag:$0x0] =	sbarrier.arrive $0xFFFF  }
.LBB2_2:
0x6d: {  	p1 =	sne.s32 s14, $0x13E00  }
.Ltmp0:
0x6e: {  	_ = 	snop;
	(pc) =	sbr.rel @p1 .LBB2_2-.Ltmp0, $3  }
0x6f: {  	_ =	sdelay $0x1  }
0x70: {  	s15 =	sshra.s32 s14, $0x2;
	s14 =	sadd.s32 $0x400, s14  }
0x71: {  	[spmem:s2] =	stream.indirect.scatter.add.f32 [tilespmem:s11], [sflag:$0x1], $0x1, s15, s10, $0xb8;
	[tilespmem:$0x5578] =	vst v63  }
0x72: {  	_ =	swait.ge [sflag:s12], $0x80  }
0x73: {  	s14 =	simm.s32 $0x4F;
	[sflag:s12] =	ssyncset.done $0x0  }
.LBB2_4:
0x74: {  	p1 =	sne.s32 s14, $0x1;
	s14 =	sadd.s32 $0xFFFFFFFF, s14;
	[sflag:s12] =	ssyncadd.s32 $0xFFFFFF80  }
.Ltmp1:
0x75: {  	(pc) =	sbr.rel @p1 .LBB2_4-.Ltmp1, $3  }
0x76: {  	_ =	sdelay $0x1  }
0x77: {  	_ =	swait.ge [sflag:s12], $0x80  }
0x78: {  	[sflag:s12] =	ssyncset.done $0x0  }
0x79: {  	[sflag:s12] =	ssyncadd.s32 $0xFFFFFF80  }
0x7a: {  	[bflag:$0x0] =	sbarrier.arrive $0xFFFF  }
0x7b: {  	[tilespmem:s9], [sflag:$0x2] =	stream.linear.gather [spmem:s5], $0x278, $0x38;
	[tilespmem:$0x5578] =	vst v63  }
0x7c: {  	s13 =	sadd.s32 $0x1, s13;
	_ =	swait.ge [sflag:s8], $0x278  }
0x7d: {  	p1 =	sne.s32 s13, s7;
	[sflag:s8] =	ssyncset.done $0x0  }
.Ltmp2:
0x7e: {  	[sflag:s8] =	ssyncadd.s32 $0xFFFFFD88;
	(pc) =	sbr.rel @p1 .LBB2_1-.Ltmp2, $4  }
0x7f: {  	[hbm4b:s6+s3] =	stream.linear.scatter [tilespmem:s9], [sflag:$0x2], $0x278, $0x38;
	[tilespmem:$0x5578] =	vst v63  }
0x80: {  	_ =	swait.ge [sflag:s8], $0x278  }
0x81: {  	[sflag:s8] =	ssyncset.done $0x0  }
0x82: {  	[sflag:s8] =	ssyncadd.s32 $0xFFFFFD88  }
0x83: {  	_ =	sfence.sel $0x180000  }
0x84: {  	[bflag:$0x0] =	sbarrier.arrive $0xFFFF  }
0x85: {  	p0 =	sne.s32 s0, $0x0;
	_ =	strace $0x90000047  }
0x86: {  	s0 =	sadd.s32 @!p0 $0x100000, s1;
	[bflag:$0x2] =	sbarrier.arrive $0xFFFF  }
0x87: {  	[sflag:s0] =	ssyncadd.tile.s32 @!p0 $0x1;
	_ =	shalt  }
.Lfunc_end2:
_tile_overlayer_lowered:
.L_overlay_start_2:
0x88: {  	(tag) =	ssettag $0x2  }
0x89: {  	s0 =	rddreg [dreg:$0x0];
	s2 =	stileid.u32  }
0x8a: {  	s1 =	rddreg [dreg:$0x1];
	p0 =	sne.s32 s2, $0x0  }
0x8b: {  	s3 =	rddreg [dreg:$0x2];
	[bflag:$0x3] =	sbarrier.arrive $0xFFFF;
	s2 =	simm.s32 @!p0 $0x1C02  }
0x8c: {  	[timem:s3], [sflag:s2] =	dma.local @!p0 [hbm:s0], s1  }
0x8d: {  	s0 =	simm.s32 @!p0 $0x2  }
0x8e: {  	_ =	swait.ge @!p0 [sflag:s0], s1  }
0x8f: {  	s1 =	ssub.s32 @!p0 $0x0, s1;
	[sflag:s0] =	ssyncset.done @!p0 $0x0  }
0x90: {  	[sflag:s0] =	ssyncadd.s32 @!p0 s1  }
0x91: {  	[bflag:$0x3] =	sbarrier.arrive $0xFFFF  }
0x92: {  	_ =	shalt  }

</sc_bundles>
